<compile_context>
chip_gen: v7x
topology: tpu7x:2x2x1
jax: 0.10.2.dev20260603
libtpu: 0.0.44.dev20260713+nightly
codegen_flags: <defaults>
</compile_context>

<pallas_src>
import functools

import jax
import jax.numpy as jnp
from jax import lax
from jax.experimental import pallas as pl
from jax.experimental.pallas import tpu as pltpu
from jax.experimental.pallas import tpu_sc as plsc

N = 10000
D = 128
E = 320000
NPAD = 10240
EPAD = 327680
NC, NS, L = 2, 16, 16
NW = NC * NS
CH = 128
NCH = EPAD // (NW * CH)
HCH = NCH // 2
RPT = NPAD // NS
BLK = 1024
NBLK = NPAD // BLK
BN_EPS = 1e-5

_mesh = plsc.VectorSubcoreMesh(
    core_axis_name="c", subcore_axis_name="s", num_cores=NC, num_subcores=NS)



@functools.partial(
    pl.kernel,
    out_type=jax.ShapeDtypeStruct((NC, NPAD), jnp.float32),
    mesh=_mesh,
    scratch_types=[
        pltpu.VMEM_SHARED((NPAD,), jnp.float32),
        pltpu.VMEM((NCH, CH), jnp.int32),
        pltpu.VMEM((CH,), jnp.float32),
        pltpu.VMEM((RPT,), jnp.float32),
    ],
)
def _deg_kernel(didx_hbm, out_hbm, hist, didx_v, ones_v, buf_v):
    c = lax.axis_index("c")
    s = lax.axis_index("s")
    wid = s * NC + c
    for i in range(CH // L):
        ones_v[pl.ds(i * L, L)] = jnp.full((L,), 1.0, jnp.float32)

    def zb(i, carry):
        buf_v[pl.ds(i * L, L)] = jnp.zeros((L,), jnp.float32)
        return carry
    lax.fori_loop(0, RPT // L, zb, 0)
    pltpu.sync_copy(buf_v, hist.at[pl.ds(s * RPT, RPT)])
    plsc.subcore_barrier()

    pltpu.sync_copy(didx_hbm.at[pl.ds(wid * NCH, NCH)], didx_v)

    def body(j, carry):
        pltpu.sync_copy(ones_v, hist.at[didx_v.at[j]], add=True)
        return carry
    lax.fori_loop(0, NCH, body, 0)
    plsc.subcore_barrier()

    pltpu.sync_copy(hist.at[pl.ds(s * RPT, RPT)], buf_v)
    pltpu.sync_copy(buf_v, out_hbm.at[c, pl.ds(s * RPT, RPT)])



@functools.partial(
    pl.kernel,
    out_type=jax.ShapeDtypeStruct((NC, NPAD, D), jnp.bfloat16),
    mesh=_mesh,
    scratch_types=[
        pltpu.VMEM_SHARED((NPAD, D), jnp.bfloat16),
        pltpu.VMEM((HCH, CH), jnp.int32),
        pltpu.VMEM((HCH, CH), jnp.int32),
        pltpu.VMEM((CH, D), jnp.bfloat16),
        pltpu.VMEM((CH, D), jnp.bfloat16),
        pltpu.SemaphoreType.DMA,
        pltpu.SemaphoreType.DMA,
    ],
    compiler_params=pltpu.CompilerParams(use_tc_tiling_on_sc=False),
)
def _agg_kernel(yp_hbm, sidx_hbm, didx_hbm, out_hbm, acc, sidx_v, didx_v,
                buf_a, buf_b, sem_a, sem_b):
    c = lax.axis_index("c")
    s = lax.axis_index("s")
    wid = s * NC + c

    def zb(i, carry):
        for j in range(D // (2 * L)):
            buf_a[i, pl.ds(j * 2 * L, 2 * L)] = jnp.zeros((2 * L,),
                                                          jnp.bfloat16)
        return carry
    lax.fori_loop(0, CH, zb, 0)
    for k in range(RPT // CH):
        pltpu.sync_copy(buf_a, acc.at[pl.ds(s * RPT + k * CH, CH)])
    plsc.subcore_barrier()

    for p in range(NCH // HCH):
        base = wid * NCH + p * HCH
        pltpu.sync_copy(sidx_hbm.at[pl.ds(base, HCH)], sidx_v)
        pltpu.sync_copy(didx_hbm.at[pl.ds(base, HCH)], didx_v)
        pltpu.async_copy(yp_hbm.at[sidx_v.at[0]], buf_a, sem_a)

        def body(g, carry):
            j0 = 2 * g
            pltpu.async_copy(yp_hbm.at[sidx_v.at[j0 + 1]], buf_b, sem_b)
            pltpu.make_async_copy(yp_hbm.at[sidx_v.at[j0]], buf_a,
                                  sem_a).wait()
            pltpu.sync_copy(buf_a, acc.at[didx_v.at[j0]], add=True)

            @pl.when(g < HCH // 2 - 1)
            def _():
                pltpu.async_copy(yp_hbm.at[sidx_v.at[j0 + 2]], buf_a, sem_a)
            pltpu.make_async_copy(yp_hbm.at[sidx_v.at[j0 + 1]], buf_b,
                                  sem_b).wait()
            pltpu.sync_copy(buf_b, acc.at[didx_v.at[j0 + 1]], add=True)
            return carry
        lax.fori_loop(0, HCH // 2, body, 0)
    plsc.subcore_barrier()

    for k in range(RPT // CH):
        base = s * RPT + k * CH
        pltpu.sync_copy(acc.at[pl.ds(base, CH)], buf_a)
        pltpu.sync_copy(buf_a, out_hbm.at[c, pl.ds(base, CH)])



def _lin1_body(degp_ref, x_ref, w_ref, y_ref, dis_ref):
    deg = degp_ref[0] + degp_ref[1] + 1.0
    dis = lax.rsqrt(deg)
    dis_ref[...] = dis
    y_ref[...] = jnp.dot(x_ref[...], w_ref[...],
                         preferred_element_type=jnp.float32) * dis


def _mid_body(p_ref, y_ref, dis_ref, b_ref, g_ref, be_ref, mu_ref, var_ref,
              w_ref, o_ref):
    dis = dis_ref[...]
    psum = p_ref[0].astype(jnp.float32) + p_ref[1].astype(jnp.float32)
    h = dis * (psum + y_ref[...]) + b_ref[...]
    h = (h - mu_ref[...]) * lax.rsqrt(var_ref[...] + BN_EPS) * g_ref[...] \
        + be_ref[...]
    h = jnp.maximum(h, 0.0)
    o_ref[...] = jnp.dot(h, w_ref[...],
                         preferred_element_type=jnp.float32) * dis


def _fin_body(p_ref, y_ref, dis_ref, b_ref, o_ref):
    psum = p_ref[0].astype(jnp.float32) + p_ref[1].astype(jnp.float32)
    o_ref[...] = dis_ref[...] * (psum + y_ref[...]) + b_ref[...]


_row_spec = pl.BlockSpec((BLK, D), lambda i: (i, 0))
_dis_spec = pl.BlockSpec((BLK, 1), lambda i: (i, 0))
_p_spec = pl.BlockSpec((2, BLK, D), lambda i: (0, i, 0))
_w_spec = pl.BlockSpec((D, D), lambda i: (0, 0))
_vec_spec = pl.BlockSpec((1, D), lambda i: (0, 0))

_lin1_call = pl.pallas_call(
    _lin1_body,
    grid=(NBLK,),
    in_specs=[pl.BlockSpec((2, BLK, 1), lambda i: (0, i, 0)),
              _row_spec, _w_spec],
    out_specs=[_row_spec, _dis_spec],
    out_shape=[jax.ShapeDtypeStruct((NPAD, D), jnp.float32),
               jax.ShapeDtypeStruct((NPAD, 1), jnp.float32)],
)

_mid_call = pl.pallas_call(
    _mid_body,
    grid=(NBLK,),
    in_specs=[_p_spec, _row_spec, _dis_spec, _vec_spec, _vec_spec, _vec_spec,
              _vec_spec, _vec_spec, _w_spec],
    out_specs=_row_spec,
    out_shape=jax.ShapeDtypeStruct((NPAD, D), jnp.float32),
)

_fin_call = pl.pallas_call(
    _fin_body,
    grid=(NBLK,),
    in_specs=[_p_spec, _row_spec, _dis_spec, _vec_spec],
    out_specs=_row_spec,
    out_shape=jax.ShapeDtypeStruct((NPAD, D), jnp.float32),
)


def kernel(x, edge_index, W1, b1, bn_gamma, bn_beta, bn_mean, bn_var, W2, b2):
    ei = edge_index.astype(jnp.int32)
    npadd = EPAD - E
    src = jnp.concatenate([ei[0], jnp.zeros((npadd,), jnp.int32)])
    pad_dst = N + (jnp.arange(npadd, dtype=jnp.int32) % (NPAD - N))
    dst = jnp.concatenate([ei[1], pad_dst])
    sidx = src.reshape(CH, NW * NCH).T
    didx = dst.reshape(CH, NW * NCH).T
    x_pad = jnp.concatenate([x, jnp.zeros((NPAD - N, D), x.dtype)])

    degp = _deg_kernel(didx)
    y1, dis = _lin1_call(degp[:, :, None], x_pad, W1)
    p1 = _agg_kernel(y1.astype(jnp.bfloat16), sidx, didx)
    y2 = _mid_call(p1, y1, dis, b1.reshape(1, D), bn_gamma.reshape(1, D),
                   bn_beta.reshape(1, D), bn_mean.reshape(1, D),
                   bn_var.reshape(1, D), W2)
    p2 = _agg_kernel(y2.astype(jnp.bfloat16), sidx, didx)
    out = _fin_call(p2, y2, dis, b2.reshape(1, D))
    return out[:N]

# --- scband reference (transcript-rebuilt; emitter-appended) ---
"""Pipeline reference for scband-simple-gnn-20744692040089 (READ-ONLY COPY).

The authoritative reference and input builder live on the scoring server;
editing this copy changes nothing except your own understanding.
"""

import jax, jax.numpy as jnp
import numpy as np

N_NODES = 10000
D_IN = 128
D_HID = 128
D_OUT = 128
N_EDGES = 320000
BN_EPS = 1e-5


def gcn_conv(x, edge_index, W, b, num_nodes):
    # linear transform first (as in PyG GCNConv)
    x = x @ W
    src = edge_index[0]
    dst = edge_index[1]
    # add self-loops
    loop = jnp.arange(num_nodes, dtype=src.dtype)
    src = jnp.concatenate([src, loop])
    dst = jnp.concatenate([dst, loop])
    # symmetric normalization D^{-1/2} A_hat D^{-1/2}
    deg = jnp.zeros((num_nodes,), dtype=x.dtype).at[dst].add(1.0)
    dis = jnp.where(deg > 0, jax.lax.rsqrt(jnp.maximum(deg, 1e-12)), 0.0)
    norm = dis[src] * dis[dst]
    # gather messages and scatter-add to destination nodes
    msg = x[src] * norm[:, None]
    out = jnp.zeros((num_nodes, x.shape[1]), dtype=x.dtype).at[dst].add(msg)
    return out + b


def setup_inputs(seed: int = 0) -> dict:
    key = jax.random.key(seed)
    k = jax.random.split(key, 8)
    x = jax.random.normal(k[0], (N_NODES, D_IN), dtype=jnp.float32)
    edge_index = jax.random.randint(k[1], (2, N_EDGES), 0, N_NODES, dtype=jnp.int64)
    # GCNConv layer 1 params (glorot-ish init)
    W1 = jax.random.normal(k[2], (D_IN, D_HID), dtype=jnp.float32) * (1.0 / np.sqrt(D_IN))
    b1 = jnp.zeros((D_HID,), dtype=jnp.float32)
    # BatchNorm1d params (eval mode running stats)
    bn_gamma = jnp.ones((D_HID,), dtype=jnp.float32)
    bn_beta = jnp.zeros((D_HID,), dtype=jnp.float32)
    bn_mean = jnp.zeros((D_HID,), dtype=jnp.float32)
    bn_var = jnp.ones((D_HID,), dtype=jnp.float32)
    # GCNConv layer 2 params
    W2 = jax.random.normal(k[3], (D_HID, D_OUT), dtype=jnp.float32) * (1.0 / np.sqrt(D_HID))
    b2 = jnp.zeros((D_OUT,), dtype=jnp.float32)
    return {"x": x, "edge_index": edge_index, "W1": W1, "b1": b1,
            "bn_gamma": bn_gamma, "bn_beta": bn_beta, "bn_mean": bn_mean,
            "bn_var": bn_var, "W2": W2, "b2": b2}


def reference(x, edge_index, W1, b1, bn_gamma, bn_beta, bn_mean, bn_var, W2, b2):
    num_nodes = x.shape[0]
    # layer 1: GCNConv -> BN (eval) -> ReLU -> dropout (identity in eval)
    h = gcn_conv(x, edge_index, W1, b1, num_nodes)
    h = (h - bn_mean) * jax.lax.rsqrt(bn_var + BN_EPS) * bn_gamma + bn_beta
    h = jax.nn.relu(h)
    # dropout p=0.3 is identity in eval mode
    # layer 2: GCNConv
    out = gcn_conv(h, edge_index, W2, b2, num_nodes)
    return out

if __name__ == "__main__":
    import jax
    _d = setup_inputs()
    print(jax.jit(kernel)(*tuple(_d.values())))

</pallas_src>

<mosaic_0001>
#map = affine_map<(d0, d1) -> (0, 0)>
#map1 = affine_map<(d0, d1) -> (0, 0, 0)>
module attributes {stable_mosaic.version = 14 : i64} {
  func.func @_agg_kernel(%arg0: i32, %arg1: i32, %arg2: memref<10240x128xbf16, #tpu.memory_space<hbm>>, %arg3: memref<2560x128xi32, #tpu.memory_space<hbm>>, %arg4: memref<2560x128xi32, #tpu.memory_space<hbm>>, %arg5: memref<2x10240x128xbf16, #tpu.memory_space<hbm>>, %arg6: memref<10240x128xbf16, #tpu.memory_space<vmem_shared>>, %arg7: memref<40x128xi32, #tpu.memory_space<vmem>>, %arg8: memref<40x128xi32, #tpu.memory_space<vmem>>, %arg9: memref<128x128xbf16, #tpu.memory_space<vmem>>, %arg10: memref<128x128xbf16, #tpu.memory_space<vmem>>, %arg11: memref<!tpu.dma_semaphore, #tpu.memory_space<semaphore_mem>>, %arg12: memref<!tpu.dma_semaphore, #tpu.memory_space<semaphore_mem>>) attributes {dimension_semantics = [#tpu.dimension_semantics<core_parallel>, #tpu.dimension_semantics<subcore_parallel>], iteration_bounds = array<i64: 2, 16>, scalar_prefetch = 0 : i64, scratch_operands = 7 : i64, tpu.core_type = #tpu.core_type<sc_vector_subcore>, window_params = [{transform_indices = #map}, {transform_indices = #map}, {transform_indices = #map}, {transform_indices = #map1}]} {
    %mul3A = arith.constant 2 : i32
    %mul3A_0 = arith.muli %arg1, %mul3A : i32
    %add3A = arith.addi %mul3A_0, %arg0 : i32
    %scan3A = arith.constant 0 : i32
    %scan3A_1 = arith.constant 0 : i32
    %scan3A_2 = arith.constant 128 : i32
    %scan3A_3 = arith.addi %scan3A_1, %scan3A_2 : i32
    %scan3A_4 = arith.constant 1 : i32
    scf.for %scan3A_80 = %scan3A_1 to %scan3A_3 step %scan3A_4  : i32 {
      %broadcast_in_dim3A = arith.constant 0.000000e+00 : bf16
      %broadcast_in_dim3A_81 = vector.broadcast %broadcast_in_dim3A : bf16 to vector<32xbf16>
      %swap3A = arith.index_cast %scan3A_80 : i32 to index
      %swap3A_82 = arith.constant 0 : index
      %swap3A_83 = tpu.vector_load %arg9[%swap3A, %swap3A_82] {strides = array<i32>} : memref<128x128xbf16, #tpu.memory_space<vmem>>, vector<1x32xbf16>,
      %swap3A_84 = vector.shape_cast %swap3A_83 : vector<1x32xbf16> to vector<32xbf16>
      %swap3A_85 = vector.shape_cast %broadcast_in_dim3A_81 : vector<32xbf16> to vector<1x32xbf16>
      tpu.vector_store %arg9[%swap3A, %swap3A_82], %swap3A_85 {strides = array<i32>} : memref<128x128xbf16, #tpu.memory_space<vmem>>, vector<1x32xbf16>,
      %broadcast_in_dim3A_86 = arith.constant 0.000000e+00 : bf16
      %broadcast_in_dim3A_87 = vector.broadcast %broadcast_in_dim3A_86 : bf16 to vector<32xbf16>
      %swap3A_88 = arith.index_cast %scan3A_80 : i32 to index
      %swap3A_89 = arith.constant 32 : index
      %swap3A_90 = tpu.vector_load %arg9[%swap3A_88, %swap3A_89] {strides = array<i32>} : memref<128x128xbf16, #tpu.memory_space<vmem>>, vector<1x32xbf16>,
      %swap3A_91 = vector.shape_cast %swap3A_90 : vector<1x32xbf16> to vector<32xbf16>
      %swap3A_92 = vector.shape_cast %broadcast_in_dim3A_87 : vector<32xbf16> to vector<1x32xbf16>
      tpu.vector_store %arg9[%swap3A_88, %swap3A_89], %swap3A_92 {strides = array<i32>} : memref<128x128xbf16, #tpu.memory_space<vmem>>, vector<1x32xbf16>,
      %broadcast_in_dim3A_93 = arith.constant 0.000000e+00 : bf16
      %broadcast_in_dim3A_94 = vector.broadcast %broadcast_in_dim3A_93 : bf16 to vector<32xbf16>
      %swap3A_95 = arith.index_cast %scan3A_80 : i32 to index
      %swap3A_96 = arith.constant 64 : index
      %swap3A_97 = tpu.vector_load %arg9[%swap3A_95, %swap3A_96] {strides = array<i32>} : memref<128x128xbf16, #tpu.memory_space<vmem>>, vector<1x32xbf16>,
      %swap3A_98 = vector.shape_cast %swap3A_97 : vector<1x32xbf16> to vector<32xbf16>
      %swap3A_99 = vector.shape_cast %broadcast_in_dim3A_94 : vector<32xbf16> to vector<1x32xbf16>
      tpu.vector_store %arg9[%swap3A_95, %swap3A_96], %swap3A_99 {strides = array<i32>} : memref<128x128xbf16, #tpu.memory_space<vmem>>, vector<1x32xbf16>,
      %broadcast_in_dim3A_100 = arith.constant 0.000000e+00 : bf16
      %broadcast_in_dim3A_101 = vector.broadcast %broadcast_in_dim3A_100 : bf16 to vector<32xbf16>
      %swap3A_102 = arith.index_cast %scan3A_80 : i32 to index
      %swap3A_103 = arith.constant 96 : index
      %swap3A_104 = tpu.vector_load %arg9[%swap3A_102, %swap3A_103] {strides = array<i32>} : memref<128x128xbf16, #tpu.memory_space<vmem>>, vector<1x32xbf16>,
      %swap3A_105 = vector.shape_cast %swap3A_104 : vector<1x32xbf16> to vector<32xbf16>
      %swap3A_106 = vector.shape_cast %broadcast_in_dim3A_101 : vector<32xbf16> to vector<1x32xbf16>
      tpu.vector_store %arg9[%swap3A_102, %swap3A_103], %swap3A_106 {strides = array<i32>} : memref<128x128xbf16, #tpu.memory_space<vmem>>, vector<1x32xbf16>,
    }
    %scan3A_5 = arith.constant 128 : i32
    %mul3A_6 = arith.constant 640 : i32
    %mul3A_7 = arith.muli %arg1, %mul3A_6 : i32
    %add3A_8 = arith.constant 0 : i32
    %add3A_9 = arith.addi %mul3A_7, %add3A_8 : i32
    "tpu.region"() ({
      %run_scoped3A = tpu.sem_alloc : memref<!tpu.dma_semaphore, #tpu.memory_space<semaphore_mem>>
      %dma_start3A_80 = arith.constant 0 : i32
      %dma_start3A_81 = tpu.memref_slice %arg6[%add3A_9, %dma_start3A_80] : memref<10240x128xbf16, #tpu.memory_space<vmem_shared>> -> memref<128x128xbf16, #tpu.memory_space<vmem_shared>>
      %dma_start3A_82 = arith.constant 0 : i32
      %dma_start3A_83 = tpu.memref_slice %arg6[%add3A_9, %dma_start3A_82] : memref<10240x128xbf16, #tpu.memory_space<vmem_shared>> -> memref<128x128xbf16, #tpu.memory_space<vmem_shared>>
      tpu.enqueue_dma source(%arg9 : memref<128x128xbf16, #tpu.memory_space<vmem>>) target(%dma_start3A_83 : memref<128x128xbf16, #tpu.memory_space<vmem_shared>>) target_semaphore(%run_scoped3A : memref<!tpu.dma_semaphore, #tpu.memory_space<semaphore_mem>>)
      %dma_wait3A = arith.constant 0 : i32
      %dma_wait3A_84 = tpu.memref_slice %arg6[%add3A_9, %dma_wait3A] : memref<10240x128xbf16, #tpu.memory_space<vmem_shared>> -> memref<128x128xbf16, #tpu.memory_space<vmem_shared>>
      %dma_wait3A_85 = arith.constant 0 : i32
      %dma_wait3A_86 = tpu.memref_slice %arg6[%add3A_9, %dma_wait3A_85] : memref<10240x128xbf16, #tpu.memory_space<vmem_shared>> -> memref<128x128xbf16, #tpu.memory_space<vmem_shared>>
      tpu.wait_dma2 semaphore(%run_scoped3A : memref<!tpu.dma_semaphore, #tpu.memory_space<semaphore_mem>>) src(%arg9 : memref<128x128xbf16, #tpu.memory_space<vmem>>) dst(%dma_wait3A_86 : memref<128x128xbf16, #tpu.memory_space<vmem_shared>>)
      tpu.yield
    }) : () -> ()
    %mul3A_10 = arith.constant 640 : i32
    %mul3A_11 = arith.muli %arg1, %mul3A_10 : i32
    %add3A_12 = arith.constant 128 : i32
    %add3A_13 = arith.addi %mul3A_11, %add3A_12 : i32
    "tpu.region"() ({
      %run_scoped3A = tpu.sem_alloc : memref<!tpu.dma_semaphore, #tpu.memory_space<semaphore_mem>>
      %dma_start3A_80 = arith.constant 0 : i32
      %dma_start3A_81 = tpu.memref_slice %arg6[%add3A_13, %dma_start3A_80] : memref<10240x128xbf16, #tpu.memory_space<vmem_shared>> -> memref<128x128xbf16, #tpu.memory_space<vmem_shared>>
      %dma_start3A_82 = arith.constant 0 : i32
      %dma_start3A_83 = tpu.memref_slice %arg6[%add3A_13, %dma_start3A_82] : memref<10240x128xbf16, #tpu.memory_space<vmem_shared>> -> memref<128x128xbf16, #tpu.memory_space<vmem_shared>>
      tpu.enqueue_dma source(%arg9 : memref<128x128xbf16, #tpu.memory_space<vmem>>) target(%dma_start3A_83 : memref<128x128xbf16, #tpu.memory_space<vmem_shared>>) target_semaphore(%run_scoped3A : memref<!tpu.dma_semaphore, #tpu.memory_space<semaphore_mem>>)
      %dma_wait3A = arith.constant 0 : i32
      %dma_wait3A_84 = tpu.memref_slice %arg6[%add3A_13, %dma_wait3A] : memref<10240x128xbf16, #tpu.memory_space<vmem_shared>> -> memref<128x128xbf16, #tpu.memory_space<vmem_shared>>
      %dma_wait3A_85 = arith.constant 0 : i32
      %dma_wait3A_86 = tpu.memref_slice %arg6[%add3A_13, %dma_wait3A_85] : memref<10240x128xbf16, #tpu.memory_space<vmem_shared>> -> memref<128x128xbf16, #tpu.memory_space<vmem_shared>>
      tpu.wait_dma2 semaphore(%run_scoped3A : memref<!tpu.dma_semaphore, #tpu.memory_space<semaphore_mem>>) src(%arg9 : memref<128x128xbf16, #tpu.memory_space<vmem>>) dst(%dma_wait3A_86 : memref<128x128xbf16, #tpu.memory_space<vmem_shared>>)
      tpu.yield
    }) : () -> ()
    %mul3A_14 = arith.constant 640 : i32
    %mul3A_15 = arith.muli %arg1, %mul3A_14 : i32
    %add3A_16 = arith.constant 256 : i32
    %add3A_17 = arith.addi %mul3A_15, %add3A_16 : i32
    "tpu.region"() ({
      %run_scoped3A = tpu.sem_alloc : memref<!tpu.dma_semaphore, #tpu.memory_space<semaphore_mem>>
      %dma_start3A_80 = arith.constant 0 : i32
      %dma_start3A_81 = tpu.memref_slice %arg6[%add3A_17, %dma_start3A_80] : memref<10240x128xbf16, #tpu.memory_space<vmem_shared>> -> memref<128x128xbf16, #tpu.memory_space<vmem_shared>>
      %dma_start3A_82 = arith.constant 0 : i32
      %dma_start3A_83 = tpu.memref_slice %arg6[%add3A_17, %dma_start3A_82] : memref<10240x128xbf16, #tpu.memory_space<vmem_shared>> -> memref<128x128xbf16, #tpu.memory_space<vmem_shared>>
      tpu.enqueue_dma source(%arg9 : memref<128x128xbf16, #tpu.memory_space<vmem>>) target(%dma_start3A_83 : memref<128x128xbf16, #tpu.memory_space<vmem_shared>>) target_semaphore(%run_scoped3A : memref<!tpu.dma_semaphore, #tpu.memory_space<semaphore_mem>>)
      %dma_wait3A = arith.constant 0 : i32
      %dma_wait3A_84 = tpu.memref_slice %arg6[%add3A_17, %dma_wait3A] : memref<10240x128xbf16, #tpu.memory_space<vmem_shared>> -> memref<128x128xbf16, #tpu.memory_space<vmem_shared>>
      %dma_wait3A_85 = arith.constant 0 : i32
      %dma_wait3A_86 = tpu.memref_slice %arg6[%add3A_17, %dma_wait3A_85] : memref<10240x128xbf16, #tpu.memory_space<vmem_shared>> -> memref<128x128xbf16, #tpu.memory_space<vmem_shared>>
      tpu.wait_dma2 semaphore(%run_scoped3A : memref<!tpu.dma_semaphore, #tpu.memory_space<semaphore_mem>>) src(%arg9 : memref<128x128xbf16, #tpu.memory_space<vmem>>) dst(%dma_wait3A_86 : memref<128x128xbf16, #tpu.memory_space<vmem_shared>>)
      tpu.yield
    }) : () -> ()
    %mul3A_18 = arith.constant 640 : i32
    %mul3A_19 = arith.muli %arg1, %mul3A_18 : i32
    %add3A_20 = arith.constant 384 : i32
    %add3A_21 = arith.addi %mul3A_19, %add3A_20 : i32
    "tpu.region"() ({
      %run_scoped3A = tpu.sem_alloc : memref<!tpu.dma_semaphore, #tpu.memory_space<semaphore_mem>>
      %dma_start3A_80 = arith.constant 0 : i32
      %dma_start3A_81 = tpu.memref_slice %arg6[%add3A_21, %dma_start3A_80] : memref<10240x128xbf16, #tpu.memory_space<vmem_shared>> -> memref<128x128xbf16, #tpu.memory_space<vmem_shared>>
      %dma_start3A_82 = arith.constant 0 : i32
      %dma_start3A_83 = tpu.memref_slice %arg6[%add3A_21, %dma_start3A_82] : memref<10240x128xbf16, #tpu.memory_space<vmem_shared>> -> memref<128x128xbf16, #tpu.memory_space<vmem_shared>>
      tpu.enqueue_dma source(%arg9 : memref<128x128xbf16, #tpu.memory_space<vmem>>) target(%dma_start3A_83 : memref<128x128xbf16, #tpu.memory_space<vmem_shared>>) target_semaphore(%run_scoped3A : memref<!tpu.dma_semaphore, #tpu.memory_space<semaphore_mem>>)
      %dma_wait3A = arith.constant 0 : i32
      %dma_wait3A_84 = tpu.memref_slice %arg6[%add3A_21, %dma_wait3A] : memref<10240x128xbf16, #tpu.memory_space<vmem_shared>> -> memref<128x128xbf16, #tpu.memory_space<vmem_shared>>
      %dma_wait3A_85 = arith.constant 0 : i32
      %dma_wait3A_86 = tpu.memref_slice %arg6[%add3A_21, %dma_wait3A_85] : memref<10240x128xbf16, #tpu.memory_space<vmem_shared>> -> memref<128x128xbf16, #tpu.memory_space<vmem_shared>>
      tpu.wait_dma2 semaphore(%run_scoped3A : memref<!tpu.dma_semaphore, #tpu.memory_space<semaphore_mem>>) src(%arg9 : memref<128x128xbf16, #tpu.memory_space<vmem>>) dst(%dma_wait3A_86 : memref<128x128xbf16, #tpu.memory_space<vmem_shared>>)
      tpu.yield
    }) : () -> ()
    %mul3A_22 = arith.constant 640 : i32
    %mul3A_23 = arith.muli %arg1, %mul3A_22 : i32
    %add3A_24 = arith.constant 512 : i32
    %add3A_25 = arith.addi %mul3A_23, %add3A_24 : i32
    "tpu.region"() ({
      %run_scoped3A = tpu.sem_alloc : memref<!tpu.dma_semaphore, #tpu.memory_space<semaphore_mem>>
      %dma_start3A_80 = arith.constant 0 : i32
      %dma_start3A_81 = tpu.memref_slice %arg6[%add3A_25, %dma_start3A_80] : memref<10240x128xbf16, #tpu.memory_space<vmem_shared>> -> memref<128x128xbf16, #tpu.memory_space<vmem_shared>>
      %dma_start3A_82 = arith.constant 0 : i32
      %dma_start3A_83 = tpu.memref_slice %arg6[%add3A_25, %dma_start3A_82] : memref<10240x128xbf16, #tpu.memory_space<vmem_shared>> -> memref<128x128xbf16, #tpu.memory_space<vmem_shared>>
      tpu.enqueue_dma source(%arg9 : memref<128x128xbf16, #tpu.memory_space<vmem>>) target(%dma_start3A_83 : memref<128x128xbf16, #tpu.memory_space<vmem_shared>>) target_semaphore(%run_scoped3A : memref<!tpu.dma_semaphore, #tpu.memory_space<semaphore_mem>>)
      %dma_wait3A = arith.constant 0 : i32
      %dma_wait3A_84 = tpu.memref_slice %arg6[%add3A_25, %dma_wait3A] : memref<10240x128xbf16, #tpu.memory_space<vmem_shared>> -> memref<128x128xbf16, #tpu.memory_space<vmem_shared>>
      %dma_wait3A_85 = arith.constant 0 : i32
      %dma_wait3A_86 = tpu.memref_slice %arg6[%add3A_25, %dma_wait3A_85] : memref<10240x128xbf16, #tpu.memory_space<vmem_shared>> -> memref<128x128xbf16, #tpu.memory_space<vmem_shared>>
      tpu.wait_dma2 semaphore(%run_scoped3A : memref<!tpu.dma_semaphore, #tpu.memory_space<semaphore_mem>>) src(%arg9 : memref<128x128xbf16, #tpu.memory_space<vmem>>) dst(%dma_wait3A_86 : memref<128x128xbf16, #tpu.memory_space<vmem_shared>>)
      tpu.yield
    }) : () -> ()
    %barrier3A = arith.constant 0 : index
    tpu.barrier barrier_id(%barrier3A)
    %mul3A_26 = arith.constant 80 : i32
    %mul3A_27 = arith.muli %add3A, %mul3A_26 : i32
    %add3A_28 = arith.constant 0 : i32
    %add3A_29 = arith.addi %mul3A_27, %add3A_28 : i32
    "tpu.region"() ({
      %run_scoped3A = tpu.sem_alloc : memref<!tpu.dma_semaphore, #tpu.memory_space<semaphore_mem>>
      %dma_start3A_80 = arith.constant 0 : i32
      %dma_start3A_81 = tpu.memref_slice %arg3[%add3A_29, %dma_start3A_80] : memref<2560x128xi32, #tpu.memory_space<hbm>> -> memref<40x128xi32, #tpu.memory_space<hbm>>
      %dma_start3A_82 = arith.constant 0 : i32
      %dma_start3A_83 = tpu.memref_slice %arg3[%add3A_29, %dma_start3A_82] : memref<2560x128xi32, #tpu.memory_space<hbm>> -> memref<40x128xi32, #tpu.memory_space<hbm>>
      tpu.enqueue_dma source(%dma_start3A_83 : memref<40x128xi32, #tpu.memory_space<hbm>>) target(%arg7 : memref<40x128xi32, #tpu.memory_space<vmem>>) target_semaphore(%run_scoped3A : memref<!tpu.dma_semaphore, #tpu.memory_space<semaphore_mem>>)
      %dma_wait3A = arith.constant 0 : i32
      %dma_wait3A_84 = tpu.memref_slice %arg3[%add3A_29, %dma_wait3A] : memref<2560x128xi32, #tpu.memory_space<hbm>> -> memref<40x128xi32, #tpu.memory_space<hbm>>
      %dma_wait3A_85 = arith.constant 0 : i32
      %dma_wait3A_86 = tpu.memref_slice %arg3[%add3A_29, %dma_wait3A_85] : memref<2560x128xi32, #tpu.memory_space<hbm>> -> memref<40x128xi32, #tpu.memory_space<hbm>>
      tpu.wait_dma2 semaphore(%run_scoped3A : memref<!tpu.dma_semaphore, #tpu.memory_space<semaphore_mem>>) src(%dma_wait3A_86 : memref<40x128xi32, #tpu.memory_space<hbm>>) dst(%arg7 : memref<40x128xi32, #tpu.memory_space<vmem>>)
      tpu.yield
    }) : () -> ()
    "tpu.region"() ({
      %run_scoped3A = tpu.sem_alloc : memref<!tpu.dma_semaphore, #tpu.memory_space<semaphore_mem>>
      %dma_start3A_80 = arith.constant 0 : i32
      %dma_start3A_81 = tpu.memref_slice %arg4[%add3A_29, %dma_start3A_80] : memref<2560x128xi32, #tpu.memory_space<hbm>> -> memref<40x128xi32, #tpu.memory_space<hbm>>
      %dma_start3A_82 = arith.constant 0 : i32
      %dma_start3A_83 = tpu.memref_slice %arg4[%add3A_29, %dma_start3A_82] : memref<2560x128xi32, #tpu.memory_space<hbm>> -> memref<40x128xi32, #tpu.memory_space<hbm>>
      tpu.enqueue_dma source(%dma_start3A_83 : memref<40x128xi32, #tpu.memory_space<hbm>>) target(%arg8 : memref<40x128xi32, #tpu.memory_space<vmem>>) target_semaphore(%run_scoped3A : memref<!tpu.dma_semaphore, #tpu.memory_space<semaphore_mem>>)
      %dma_wait3A = arith.constant 0 : i32
      %dma_wait3A_84 = tpu.memref_slice %arg4[%add3A_29, %dma_wait3A] : memref<2560x128xi32, #tpu.memory_space<hbm>> -> memref<40x128xi32, #tpu.memory_space<hbm>>
      %dma_wait3A_85 = arith.constant 0 : i32
      %dma_wait3A_86 = tpu.memref_slice %arg4[%add3A_29, %dma_wait3A_85] : memref<2560x128xi32, #tpu.memory_space<hbm>> -> memref<40x128xi32, #tpu.memory_space<hbm>>
      tpu.wait_dma2 semaphore(%run_scoped3A : memref<!tpu.dma_semaphore, #tpu.memory_space<semaphore_mem>>) src(%dma_wait3A_86 : memref<40x128xi32, #tpu.memory_space<hbm>>) dst(%arg8 : memref<40x128xi32, #tpu.memory_space<vmem>>)
      tpu.yield
    }) : () -> ()
    %dma_start3A = arith.constant 0 : i32
    %dma_start3A_30 = arith.constant 0 : i32
    %dma_start3A_31 = tpu.memref_slice %arg7[%dma_start3A, %dma_start3A_30] : memref<40x128xi32, #tpu.memory_space<vmem>> -> memref<1x128xi32, #tpu.memory_space<vmem>>
    %dma_start3A_32 = tpu.memref_squeeze %dma_start3A_31 : memref<1x128xi32, #tpu.memory_space<vmem>> -> memref<128xi32, #tpu.memory_space<vmem>>
    %dma_start3A_33 = arith.constant 0 : i32
    %dma_start3A_34 = arith.constant 0 : i32
    %dma_start3A_35 = tpu.memref_slice %arg2[%dma_start3A_33, %dma_start3A_34] : memref<10240x128xbf16, #tpu.memory_space<hbm>> -> memref<10240x128xbf16, #tpu.memory_space<hbm>>
    tpu.enqueue_indirect_dma source(%dma_start3A_35 : memref<10240x128xbf16, #tpu.memory_space<hbm>>) target(%arg9 : memref<128x128xbf16, #tpu.memory_space<vmem>>) offsets(%dma_start3A_32 : memref<128xi32, #tpu.memory_space<vmem>>) semaphore(%arg11 : memref<!tpu.dma_semaphore, #tpu.memory_space<semaphore_mem>>)
    %scan3A_36 = arith.constant 0 : i32
    %scan3A_37 = arith.constant 0 : i32
    %scan3A_38 = arith.constant 20 : i32
    %scan3A_39 = arith.addi %scan3A_37, %scan3A_38 : i32
    %scan3A_40 = arith.constant 1 : i32
    scf.for %scan3A_80 = %scan3A_37 to %scan3A_39 step %scan3A_40  : i32 {
      %mul3A_81 = arith.constant 2 : i32
      %mul3A_82 = arith.muli %mul3A_81, %scan3A_80 : i32
      %add3A_83 = arith.constant 1 : i32
      %add3A_84 = arith.addi %mul3A_82, %add3A_83 : i32
      %dma_start3A_85 = arith.constant 0 : i32
      %dma_start3A_86 = tpu.memref_slice %arg7[%add3A_84, %dma_start3A_85] : memref<40x128xi32, #tpu.memory_space<vmem>> -> memref<1x128xi32, #tpu.memory_space<vmem>>
      %dma_start3A_87 = tpu.memref_squeeze %dma_start3A_86 : memref<1x128xi32, #tpu.memory_space<vmem>> -> memref<128xi32, #tpu.memory_space<vmem>>
      %dma_start3A_88 = arith.constant 0 : i32
      %dma_start3A_89 = arith.constant 0 : i32
      %dma_start3A_90 = tpu.memref_slice %arg2[%dma_start3A_88, %dma_start3A_89] : memref<10240x128xbf16, #tpu.memory_space<hbm>> -> memref<10240x128xbf16, #tpu.memory_space<hbm>>
      tpu.enqueue_indirect_dma source(%dma_start3A_90 : memref<10240x128xbf16, #tpu.memory_space<hbm>>) target(%arg10 : memref<128x128xbf16, #tpu.memory_space<vmem>>) offsets(%dma_start3A_87 : memref<128xi32, #tpu.memory_space<vmem>>) semaphore(%arg12 : memref<!tpu.dma_semaphore, #tpu.memory_space<semaphore_mem>>)
      %dma_wait3A = arith.constant 0 : i32
      %dma_wait3A_91 = tpu.memref_slice %arg7[%mul3A_82, %dma_wait3A] : memref<40x128xi32, #tpu.memory_space<vmem>> -> memref<1x128xi32, #tpu.memory_space<vmem>>
      %dma_wait3A_92 = tpu.memref_squeeze %dma_wait3A_91 : memref<1x128xi32, #tpu.memory_space<vmem>> -> memref<128xi32, #tpu.memory_space<vmem>>
      %dma_wait3A_93 = arith.constant 0 : i32
      %dma_wait3A_94 = arith.constant 0 : i32
      %dma_wait3A_95 = tpu.memref_slice %arg2[%dma_wait3A_93, %dma_wait3A_94] : memref<10240x128xbf16, #tpu.memory_space<hbm>> -> memref<10240x128xbf16, #tpu.memory_space<hbm>>
      tpu.wait_indirect_dma semaphore(%arg11 : memref<!tpu.dma_semaphore, #tpu.memory_space<semaphore_mem>>) src(%dma_wait3A_95 : memref<10240x128xbf16, #tpu.memory_space<hbm>>) dst(%arg9 : memref<128x128xbf16, #tpu.memory_space<vmem>>)
      "tpu.region"() ({
        %run_scoped3A = tpu.sem_alloc : memref<!tpu.dma_semaphore, #tpu.memory_space<semaphore_mem>>
        %dma_start3A_108 = arith.constant 0 : i32
        %dma_start3A_109 = tpu.memref_slice %arg8[%mul3A_82, %dma_start3A_108] : memref<40x128xi32, #tpu.memory_space<vmem>> -> memref<1x128xi32, #tpu.memory_space<vmem>>
        %dma_start3A_110 = tpu.memref_squeeze %dma_start3A_109 : memref<1x128xi32, #tpu.memory_space<vmem>> -> memref<128xi32, #tpu.memory_space<vmem>>
        %dma_start3A_111 = arith.constant 0 : i32
        %dma_start3A_112 = arith.constant 0 : i32
        %dma_start3A_113 = tpu.memref_slice %arg6[%dma_start3A_111, %dma_start3A_112] : memref<10240x128xbf16, #tpu.memory_space<vmem_shared>> -> memref<10240x128xbf16, #tpu.memory_space<vmem_shared>>
        tpu.enqueue_indirect_dma source(%arg9 : memref<128x128xbf16, #tpu.memory_space<vmem>>) target(%dma_start3A_113 : memref<10240x128xbf16, #tpu.memory_space<vmem_shared>>) offsets(%dma_start3A_110 : memref<128xi32, #tpu.memory_space<vmem>>) semaphore(%run_scoped3A : memref<!tpu.dma_semaphore, #tpu.memory_space<semaphore_mem>>) {add = true}
        %dma_wait3A_114 = arith.constant 0 : i32
        %dma_wait3A_115 = tpu.memref_slice %arg8[%mul3A_82, %dma_wait3A_114] : memref<40x128xi32, #tpu.memory_space<vmem>> -> memref<1x128xi32, #tpu.memory_space<vmem>>
        %dma_wait3A_116 = tpu.memref_squeeze %dma_wait3A_115 : memref<1x128xi32, #tpu.memory_space<vmem>> -> memref<128xi32, #tpu.memory_space<vmem>>
        %dma_wait3A_117 = arith.constant 0 : i32
        %dma_wait3A_118 = arith.constant 0 : i32
        %dma_wait3A_119 = tpu.memref_slice %arg6[%dma_wait3A_117, %dma_wait3A_118] : memref<10240x128xbf16, #tpu.memory_space<vmem_shared>> -> memref<10240x128xbf16, #tpu.memory_space<vmem_shared>>
        tpu.wait_indirect_dma semaphore(%run_scoped3A : memref<!tpu.dma_semaphore, #tpu.memory_space<semaphore_mem>>) src(%arg9 : memref<128x128xbf16, #tpu.memory_space<vmem>>) dst(%dma_wait3A_119 : memref<10240x128xbf16, #tpu.memory_space<vmem_shared>>)
        tpu.yield
      }) : () -> ()
      %lt3A = arith.constant 19 : i32
      %lt3A_96 = arith.cmpi slt, %scan3A_80, %lt3A : i32
      %convert_element_type3A = arith.extui %lt3A_96 : i1 to i32
      %cond3A = arith.constant 0 : i32
      %cond3A_97 = arith.cmpi ne, %convert_element_type3A, %cond3A : i32
      scf.if %cond3A_97 {
        %add3A_108 = arith.constant 2 : i32
        %add3A_109 = arith.addi %mul3A_82, %add3A_108 : i32
        %dma_start3A_110 = arith.constant 0 : i32
        %dma_start3A_111 = tpu.memref_slice %arg7[%add3A_109, %dma_start3A_110] : memref<40x128xi32, #tpu.memory_space<vmem>> -> memref<1x128xi32, #tpu.memory_space<vmem>>
        %dma_start3A_112 = tpu.memref_squeeze %dma_start3A_111 : memref<1x128xi32, #tpu.memory_space<vmem>> -> memref<128xi32, #tpu.memory_space<vmem>>
        %dma_start3A_113 = arith.constant 0 : i32
        %dma_start3A_114 = arith.constant 0 : i32
        %dma_start3A_115 = tpu.memref_slice %arg2[%dma_start3A_113, %dma_start3A_114] : memref<10240x128xbf16, #tpu.memory_space<hbm>> -> memref<10240x128xbf16, #tpu.memory_space<hbm>>
        tpu.enqueue_indirect_dma source(%dma_start3A_115 : memref<10240x128xbf16, #tpu.memory_space<hbm>>) target(%arg9 : memref<128x128xbf16, #tpu.memory_space<vmem>>) offsets(%dma_start3A_112 : memref<128xi32, #tpu.memory_space<vmem>>) semaphore(%arg11 : memref<!tpu.dma_semaphore, #tpu.memory_space<semaphore_mem>>)
      } else {
      }
      %add3A_98 = arith.constant 1 : i32
      %add3A_99 = arith.addi %mul3A_82, %add3A_98 : i32
      %dma_wait3A_100 = arith.constant 0 : i32
      %dma_wait3A_101 = tpu.memref_slice %arg7[%add3A_99, %dma_wait3A_100] : memref<40x128xi32, #tpu.memory_space<vmem>> -> memref<1x128xi32, #tpu.memory_space<vmem>>
      %dma_wait3A_102 = tpu.memref_squeeze %dma_wait3A_101 : memref<1x128xi32, #tpu.memory_space<vmem>> -> memref<128xi32, #tpu.memory_space<vmem>>
      %dma_wait3A_103 = arith.constant 0 : i32
      %dma_wait3A_104 = arith.constant 0 : i32
      %dma_wait3A_105 = tpu.memref_slice %arg2[%dma_wait3A_103, %dma_wait3A_104] : memref<10240x128xbf16, #tpu.memory_space<hbm>> -> memref<10240x128xbf16, #tpu.memory_space<hbm>>
      tpu.wait_indirect_dma semaphore(%arg12 : memref<!tpu.dma_semaphore, #tpu.memory_space<semaphore_mem>>) src(%dma_wait3A_105 : memref<10240x128xbf16, #tpu.memory_space<hbm>>) dst(%arg10 : memref<128x128xbf16, #tpu.memory_space<vmem>>)
      %add3A_106 = arith.constant 1 : i32
      %add3A_107 = arith.addi %mul3A_82, %add3A_106 : i32
      "tpu.region"() ({
        %run_scoped3A = tpu.sem_alloc : memref<!tpu.dma_semaphore, #tpu.memory_space<semaphore_mem>>
        %dma_start3A_108 = arith.constant 0 : i32
        %dma_start3A_109 = tpu.memref_slice %arg8[%add3A_107, %dma_start3A_108] : memref<40x128xi32, #tpu.memory_space<vmem>> -> memref<1x128xi32, #tpu.memory_space<vmem>>
        %dma_start3A_110 = tpu.memref_squeeze %dma_start3A_109 : memref<1x128xi32, #tpu.memory_space<vmem>> -> memref<128xi32, #tpu.memory_space<vmem>>
        %dma_start3A_111 = arith.constant 0 : i32
        %dma_start3A_112 = arith.constant 0 : i32
        %dma_start3A_113 = tpu.memref_slice %arg6[%dma_start3A_111, %dma_start3A_112] : memref<10240x128xbf16, #tpu.memory_space<vmem_shared>> -> memref<10240x128xbf16, #tpu.memory_space<vmem_shared>>
        tpu.enqueue_indirect_dma source(%arg10 : memref<128x128xbf16, #tpu.memory_space<vmem>>) target(%dma_start3A_113 : memref<10240x128xbf16, #tpu.memory_space<vmem_shared>>) offsets(%dma_start3A_110 : memref<128xi32, #tpu.memory_space<vmem>>) semaphore(%run_scoped3A : memref<!tpu.dma_semaphore, #tpu.memory_space<semaphore_mem>>) {add = true}
        %dma_wait3A_114 = arith.constant 0 : i32
        %dma_wait3A_115 = tpu.memref_slice %arg8[%add3A_107, %dma_wait3A_114] : memref<40x128xi32, #tpu.memory_space<vmem>> -> memref<1x128xi32, #tpu.memory_space<vmem>>
        %dma_wait3A_116 = tpu.memref_squeeze %dma_wait3A_115 : memref<1x128xi32, #tpu.memory_space<vmem>> -> memref<128xi32, #tpu.memory_space<vmem>>
        %dma_wait3A_117 = arith.constant 0 : i32
        %dma_wait3A_118 = arith.constant 0 : i32
        %dma_wait3A_119 = tpu.memref_slice %arg6[%dma_wait3A_117, %dma_wait3A_118] : memref<10240x128xbf16, #tpu.memory_space<vmem_shared>> -> memref<10240x128xbf16, #tpu.memory_space<vmem_shared>>
        tpu.wait_indirect_dma semaphore(%run_scoped3A : memref<!tpu.dma_semaphore, #tpu.memory_space<semaphore_mem>>) src(%arg10 : memref<128x128xbf16, #tpu.memory_space<vmem>>) dst(%dma_wait3A_119 : memref<10240x128xbf16, #tpu.memory_space<vmem_shared>>)
        tpu.yield
      }) : () -> ()
    }
    %scan3A_41 = arith.constant 20 : i32
    %mul3A_42 = arith.constant 80 : i32
    %mul3A_43 = arith.muli %add3A, %mul3A_42 : i32
    %add3A_44 = arith.constant 40 : i32
    %add3A_45 = arith.addi %mul3A_43, %add3A_44 : i32
    "tpu.region"() ({
      %run_scoped3A = tpu.sem_alloc : memref<!tpu.dma_semaphore, #tpu.memory_space<semaphore_mem>>
      %dma_start3A_80 = arith.constant 0 : i32
      %dma_start3A_81 = tpu.memref_slice %arg3[%add3A_45, %dma_start3A_80] : memref<2560x128xi32, #tpu.memory_space<hbm>> -> memref<40x128xi32, #tpu.memory_space<hbm>>
      %dma_start3A_82 = arith.constant 0 : i32
      %dma_start3A_83 = tpu.memref_slice %arg3[%add3A_45, %dma_start3A_82] : memref<2560x128xi32, #tpu.memory_space<hbm>> -> memref<40x128xi32, #tpu.memory_space<hbm>>
      tpu.enqueue_dma source(%dma_start3A_83 : memref<40x128xi32, #tpu.memory_space<hbm>>) target(%arg7 : memref<40x128xi32, #tpu.memory_space<vmem>>) target_semaphore(%run_scoped3A : memref<!tpu.dma_semaphore, #tpu.memory_space<semaphore_mem>>)
      %dma_wait3A = arith.constant 0 : i32
      %dma_wait3A_84 = tpu.memref_slice %arg3[%add3A_45, %dma_wait3A] : memref<2560x128xi32, #tpu.memory_space<hbm>> -> memref<40x128xi32, #tpu.memory_space<hbm>>
      %dma_wait3A_85 = arith.constant 0 : i32
      %dma_wait3A_86 = tpu.memref_slice %arg3[%add3A_45, %dma_wait3A_85] : memref<2560x128xi32, #tpu.memory_space<hbm>> -> memref<40x128xi32, #tpu.memory_space<hbm>>
      tpu.wait_dma2 semaphore(%run_scoped3A : memref<!tpu.dma_semaphore, #tpu.memory_space<semaphore_mem>>) src(%dma_wait3A_86 : memref<40x128xi32, #tpu.memory_space<hbm>>) dst(%arg7 : memref<40x128xi32, #tpu.memory_space<vmem>>)
      tpu.yield
    }) : () -> ()
    "tpu.region"() ({
      %run_scoped3A = tpu.sem_alloc : memref<!tpu.dma_semaphore, #tpu.memory_space<semaphore_mem>>
      %dma_start3A_80 = arith.constant 0 : i32
      %dma_start3A_81 = tpu.memref_slice %arg4[%add3A_45, %dma_start3A_80] : memref<2560x128xi32, #tpu.memory_space<hbm>> -> memref<40x128xi32, #tpu.memory_space<hbm>>
      %dma_start3A_82 = arith.constant 0 : i32
      %dma_start3A_83 = tpu.memref_slice %arg4[%add3A_45, %dma_start3A_82] : memref<2560x128xi32, #tpu.memory_space<hbm>> -> memref<40x128xi32, #tpu.memory_space<hbm>>
      tpu.enqueue_dma source(%dma_start3A_83 : memref<40x128xi32, #tpu.memory_space<hbm>>) target(%arg8 : memref<40x128xi32, #tpu.memory_space<vmem>>) target_semaphore(%run_scoped3A : memref<!tpu.dma_semaphore, #tpu.memory_space<semaphore_mem>>)
      %dma_wait3A = arith.constant 0 : i32
      %dma_wait3A_84 = tpu.memref_slice %arg4[%add3A_45, %dma_wait3A] : memref<2560x128xi32, #tpu.memory_space<hbm>> -> memref<40x128xi32, #tpu.memory_space<hbm>>
      %dma_wait3A_85 = arith.constant 0 : i32
      %dma_wait3A_86 = tpu.memref_slice %arg4[%add3A_45, %dma_wait3A_85] : memref<2560x128xi32, #tpu.memory_space<hbm>> -> memref<40x128xi32, #tpu.memory_space<hbm>>
      tpu.wait_dma2 semaphore(%run_scoped3A : memref<!tpu.dma_semaphore, #tpu.memory_space<semaphore_mem>>) src(%dma_wait3A_86 : memref<40x128xi32, #tpu.memory_space<hbm>>) dst(%arg8 : memref<40x128xi32, #tpu.memory_space<vmem>>)
      tpu.yield
    }) : () -> ()
    %dma_start3A_46 = arith.constant 0 : i32
    %dma_start3A_47 = arith.constant 0 : i32
    %dma_start3A_48 = tpu.memref_slice %arg7[%dma_start3A_46, %dma_start3A_47] : memref<40x128xi32, #tpu.memory_space<vmem>> -> memref<1x128xi32, #tpu.memory_space<vmem>>
    %dma_start3A_49 = tpu.memref_squeeze %dma_start3A_48 : memref<1x128xi32, #tpu.memory_space<vmem>> -> memref<128xi32, #tpu.memory_space<vmem>>
    %dma_start3A_50 = arith.constant 0 : i32
    %dma_start3A_51 = arith.constant 0 : i32
    %dma_start3A_52 = tpu.memref_slice %arg2[%dma_start3A_50, %dma_start3A_51] : memref<10240x128xbf16, #tpu.memory_space<hbm>> -> memref<10240x128xbf16, #tpu.memory_space<hbm>>
    tpu.enqueue_indirect_dma source(%dma_start3A_52 : memref<10240x128xbf16, #tpu.memory_space<hbm>>) target(%arg9 : memref<128x128xbf16, #tpu.memory_space<vmem>>) offsets(%dma_start3A_49 : memref<128xi32, #tpu.memory_space<vmem>>) semaphore(%arg11 : memref<!tpu.dma_semaphore, #tpu.memory_space<semaphore_mem>>)
    %scan3A_53 = arith.constant 0 : i32
    %scan3A_54 = arith.constant 0 : i32
    %scan3A_55 = arith.constant 20 : i32
    %scan3A_56 = arith.addi %scan3A_54, %scan3A_55 : i32
    %scan3A_57 = arith.constant 1 : i32
    scf.for %scan3A_80 = %scan3A_54 to %scan3A_56 step %scan3A_57  : i32 {
      %mul3A_81 = arith.constant 2 : i32
      %mul3A_82 = arith.muli %mul3A_81, %scan3A_80 : i32
      %add3A_83 = arith.constant 1 : i32
      %add3A_84 = arith.addi %mul3A_82, %add3A_83 : i32
      %dma_start3A_85 = arith.constant 0 : i32
      %dma_start3A_86 = tpu.memref_slice %arg7[%add3A_84, %dma_start3A_85] : memref<40x128xi32, #tpu.memory_space<vmem>> -> memref<1x128xi32, #tpu.memory_space<vmem>>
      %dma_start3A_87 = tpu.memref_squeeze %dma_start3A_86 : memref<1x128xi32, #tpu.memory_space<vmem>> -> memref<128xi32, #tpu.memory_space<vmem>>
      %dma_start3A_88 = arith.constant 0 : i32
      %dma_start3A_89 = arith.constant 0 : i32
      %dma_start3A_90 = tpu.memref_slice %arg2[%dma_start3A_88, %dma_start3A_89] : memref<10240x128xbf16, #tpu.memory_space<hbm>> -> memref<10240x128xbf16, #tpu.memory_space<hbm>>
      tpu.enqueue_indirect_dma source(%dma_start3A_90 : memref<10240x128xbf16, #tpu.memory_space<hbm>>) target(%arg10 : memref<128x128xbf16, #tpu.memory_space<vmem>>) offsets(%dma_start3A_87 : memref<128xi32, #tpu.memory_space<vmem>>) semaphore(%arg12 : memref<!tpu.dma_semaphore, #tpu.memory_space<semaphore_mem>>)
      %dma_wait3A = arith.constant 0 : i32
      %dma_wait3A_91 = tpu.memref_slice %arg7[%mul3A_82, %dma_wait3A] : memref<40x128xi32, #tpu.memory_space<vmem>> -> memref<1x128xi32, #tpu.memory_space<vmem>>
      %dma_wait3A_92 = tpu.memref_squeeze %dma_wait3A_91 : memref<1x128xi32, #tpu.memory_space<vmem>> -> memref<128xi32, #tpu.memory_space<vmem>>
      %dma_wait3A_93 = arith.constant 0 : i32
      %dma_wait3A_94 = arith.constant 0 : i32
      %dma_wait3A_95 = tpu.memref_slice %arg2[%dma_wait3A_93, %dma_wait3A_94] : memref<10240x128xbf16, #tpu.memory_space<hbm>> -> memref<10240x128xbf16, #tpu.memory_space<hbm>>
      tpu.wait_indirect_dma semaphore(%arg11 : memref<!tpu.dma_semaphore, #tpu.memory_space<semaphore_mem>>) src(%dma_wait3A_95 : memref<10240x128xbf16, #tpu.memory_space<hbm>>) dst(%arg9 : memref<128x128xbf16, #tpu.memory_space<vmem>>)
      "tpu.region"() ({
        %run_scoped3A = tpu.sem_alloc : memref<!tpu.dma_semaphore, #tpu.memory_space<semaphore_mem>>
        %dma_start3A_108 = arith.constant 0 : i32
        %dma_start3A_109 = tpu.memref_slice %arg8[%mul3A_82, %dma_start3A_108] : memref<40x128xi32, #tpu.memory_space<vmem>> -> memref<1x128xi32, #tpu.memory_space<vmem>>
        %dma_start3A_110 = tpu.memref_squeeze %dma_start3A_109 : memref<1x128xi32, #tpu.memory_space<vmem>> -> memref<128xi32, #tpu.memory_space<vmem>>
        %dma_start3A_111 = arith.constant 0 : i32
        %dma_start3A_112 = arith.constant 0 : i32
        %dma_start3A_113 = tpu.memref_slice %arg6[%dma_start3A_111, %dma_start3A_112] : memref<10240x128xbf16, #tpu.memory_space<vmem_shared>> -> memref<10240x128xbf16, #tpu.memory_space<vmem_shared>>
        tpu.enqueue_indirect_dma source(%arg9 : memref<128x128xbf16, #tpu.memory_space<vmem>>) target(%dma_start3A_113 : memref<10240x128xbf16, #tpu.memory_space<vmem_shared>>) offsets(%dma_start3A_110 : memref<128xi32, #tpu.memory_space<vmem>>) semaphore(%run_scoped3A : memref<!tpu.dma_semaphore, #tpu.memory_space<semaphore_mem>>) {add = true}
        %dma_wait3A_114 = arith.constant 0 : i32
        %dma_wait3A_115 = tpu.memref_slice %arg8[%mul3A_82, %dma_wait3A_114] : memref<40x128xi32, #tpu.memory_space<vmem>> -> memref<1x128xi32, #tpu.memory_space<vmem>>
        %dma_wait3A_116 = tpu.memref_squeeze %dma_wait3A_115 : memref<1x128xi32, #tpu.memory_space<vmem>> -> memref<128xi32, #tpu.memory_space<vmem>>
        %dma_wait3A_117 = arith.constant 0 : i32
        %dma_wait3A_118 = arith.constant 0 : i32
        %dma_wait3A_119 = tpu.memref_slice %arg6[%dma_wait3A_117, %dma_wait3A_118] : memref<10240x128xbf16, #tpu.memory_space<vmem_shared>> -> memref<10240x128xbf16, #tpu.memory_space<vmem_shared>>
        tpu.wait_indirect_dma semaphore(%run_scoped3A : memref<!tpu.dma_semaphore, #tpu.memory_space<semaphore_mem>>) src(%arg9 : memref<128x128xbf16, #tpu.memory_space<vmem>>) dst(%dma_wait3A_119 : memref<10240x128xbf16, #tpu.memory_space<vmem_shared>>)
        tpu.yield
      }) : () -> ()
      %lt3A = arith.constant 19 : i32
      %lt3A_96 = arith.cmpi slt, %scan3A_80, %lt3A : i32
      %convert_element_type3A = arith.extui %lt3A_96 : i1 to i32
      %cond3A = arith.constant 0 : i32
      %cond3A_97 = arith.cmpi ne, %convert_element_type3A, %cond3A : i32
      scf.if %cond3A_97 {
        %add3A_108 = arith.constant 2 : i32
        %add3A_109 = arith.addi %mul3A_82, %add3A_108 : i32
        %dma_start3A_110 = arith.constant 0 : i32
        %dma_start3A_111 = tpu.memref_slice %arg7[%add3A_109, %dma_start3A_110] : memref<40x128xi32, #tpu.memory_space<vmem>> -> memref<1x128xi32, #tpu.memory_space<vmem>>
        %dma_start3A_112 = tpu.memref_squeeze %dma_start3A_111 : memref<1x128xi32, #tpu.memory_space<vmem>> -> memref<128xi32, #tpu.memory_space<vmem>>
        %dma_start3A_113 = arith.constant 0 : i32
        %dma_start3A_114 = arith.constant 0 : i32
        %dma_start3A_115 = tpu.memref_slice %arg2[%dma_start3A_113, %dma_start3A_114] : memref<10240x128xbf16, #tpu.memory_space<hbm>> -> memref<10240x128xbf16, #tpu.memory_space<hbm>>
        tpu.enqueue_indirect_dma source(%dma_start3A_115 : memref<10240x128xbf16, #tpu.memory_space<hbm>>) target(%arg9 : memref<128x128xbf16, #tpu.memory_space<vmem>>) offsets(%dma_start3A_112 : memref<128xi32, #tpu.memory_space<vmem>>) semaphore(%arg11 : memref<!tpu.dma_semaphore, #tpu.memory_space<semaphore_mem>>)
      } else {
      }
      %add3A_98 = arith.constant 1 : i32
      %add3A_99 = arith.addi %mul3A_82, %add3A_98 : i32
      %dma_wait3A_100 = arith.constant 0 : i32
      %dma_wait3A_101 = tpu.memref_slice %arg7[%add3A_99, %dma_wait3A_100] : memref<40x128xi32, #tpu.memory_space<vmem>> -> memref<1x128xi32, #tpu.memory_space<vmem>>
      %dma_wait3A_102 = tpu.memref_squeeze %dma_wait3A_101 : memref<1x128xi32, #tpu.memory_space<vmem>> -> memref<128xi32, #tpu.memory_space<vmem>>
      %dma_wait3A_103 = arith.constant 0 : i32
      %dma_wait3A_104 = arith.constant 0 : i32
      %dma_wait3A_105 = tpu.memref_slice %arg2[%dma_wait3A_103, %dma_wait3A_104] : memref<10240x128xbf16, #tpu.memory_space<hbm>> -> memref<10240x128xbf16, #tpu.memory_space<hbm>>
      tpu.wait_indirect_dma semaphore(%arg12 : memref<!tpu.dma_semaphore, #tpu.memory_space<semaphore_mem>>) src(%dma_wait3A_105 : memref<10240x128xbf16, #tpu.memory_space<hbm>>) dst(%arg10 : memref<128x128xbf16, #tpu.memory_space<vmem>>)
      %add3A_106 = arith.constant 1 : i32
      %add3A_107 = arith.addi %mul3A_82, %add3A_106 : i32
      "tpu.region"() ({
        %run_scoped3A = tpu.sem_alloc : memref<!tpu.dma_semaphore, #tpu.memory_space<semaphore_mem>>
        %dma_start3A_108 = arith.constant 0 : i32
        %dma_start3A_109 = tpu.memref_slice %arg8[%add3A_107, %dma_start3A_108] : memref<40x128xi32, #tpu.memory_space<vmem>> -> memref<1x128xi32, #tpu.memory_space<vmem>>
        %dma_start3A_110 = tpu.memref_squeeze %dma_start3A_109 : memref<1x128xi32, #tpu.memory_space<vmem>> -> memref<128xi32, #tpu.memory_space<vmem>>
        %dma_start3A_111 = arith.constant 0 : i32
        %dma_start3A_112 = arith.constant 0 : i32
        %dma_start3A_113 = tpu.memref_slice %arg6[%dma_start3A_111, %dma_start3A_112] : memref<10240x128xbf16, #tpu.memory_space<vmem_shared>> -> memref<10240x128xbf16, #tpu.memory_space<vmem_shared>>
        tpu.enqueue_indirect_dma source(%arg10 : memref<128x128xbf16, #tpu.memory_space<vmem>>) target(%dma_start3A_113 : memref<10240x128xbf16, #tpu.memory_space<vmem_shared>>) offsets(%dma_start3A_110 : memref<128xi32, #tpu.memory_space<vmem>>) semaphore(%run_scoped3A : memref<!tpu.dma_semaphore, #tpu.memory_space<semaphore_mem>>) {add = true}
        %dma_wait3A_114 = arith.constant 0 : i32
        %dma_wait3A_115 = tpu.memref_slice %arg8[%add3A_107, %dma_wait3A_114] : memref<40x128xi32, #tpu.memory_space<vmem>> -> memref<1x128xi32, #tpu.memory_space<vmem>>
        %dma_wait3A_116 = tpu.memref_squeeze %dma_wait3A_115 : memref<1x128xi32, #tpu.memory_space<vmem>> -> memref<128xi32, #tpu.memory_space<vmem>>
        %dma_wait3A_117 = arith.constant 0 : i32
        %dma_wait3A_118 = arith.constant 0 : i32
        %dma_wait3A_119 = tpu.memref_slice %arg6[%dma_wait3A_117, %dma_wait3A_118] : memref<10240x128xbf16, #tpu.memory_space<vmem_shared>> -> memref<10240x128xbf16, #tpu.memory_space<vmem_shared>>
        tpu.wait_indirect_dma semaphore(%run_scoped3A : memref<!tpu.dma_semaphore, #tpu.memory_space<semaphore_mem>>) src(%arg10 : memref<128x128xbf16, #tpu.memory_space<vmem>>) dst(%dma_wait3A_119 : memref<10240x128xbf16, #tpu.memory_space<vmem_shared>>)
        tpu.yield
      }) : () -> ()
    }
    %scan3A_58 = arith.constant 20 : i32
    %barrier3A_59 = arith.constant 0 : index
    tpu.barrier barrier_id(%barrier3A_59)
    %mul3A_60 = arith.constant 640 : i32
    %mul3A_61 = arith.muli %arg1, %mul3A_60 : i32
    %add3A_62 = arith.constant 0 : i32
    %add3A_63 = arith.addi %mul3A_61, %add3A_62 : i32
    "tpu.region"() ({
      %run_scoped3A = tpu.sem_alloc : memref<!tpu.dma_semaphore, #tpu.memory_space<semaphore_mem>>
      %dma_start3A_80 = arith.constant 0 : i32
      %dma_start3A_81 = tpu.memref_slice %arg6[%add3A_63, %dma_start3A_80] : memref<10240x128xbf16, #tpu.memory_space<vmem_shared>> -> memref<128x128xbf16, #tpu.memory_space<vmem_shared>>
      %dma_start3A_82 = arith.constant 0 : i32
      %dma_start3A_83 = tpu.memref_slice %arg6[%add3A_63, %dma_start3A_82] : memref<10240x128xbf16, #tpu.memory_space<vmem_shared>> -> memref<128x128xbf16, #tpu.memory_space<vmem_shared>>
      tpu.enqueue_dma source(%dma_start3A_83 : memref<128x128xbf16, #tpu.memory_space<vmem_shared>>) target(%arg9 : memref<128x128xbf16, #tpu.memory_space<vmem>>) target_semaphore(%run_scoped3A : memref<!tpu.dma_semaphore, #tpu.memory_space<semaphore_mem>>)
      %dma_wait3A = arith.constant 0 : i32
      %dma_wait3A_84 = tpu.memref_slice %arg6[%add3A_63, %dma_wait3A] : memref<10240x128xbf16, #tpu.memory_space<vmem_shared>> -> memref<128x128xbf16, #tpu.memory_space<vmem_shared>>
      %dma_wait3A_85 = arith.constant 0 : i32
      %dma_wait3A_86 = tpu.memref_slice %arg6[%add3A_63, %dma_wait3A_85] : memref<10240x128xbf16, #tpu.memory_space<vmem_shared>> -> memref<128x128xbf16, #tpu.memory_space<vmem_shared>>
      tpu.wait_dma2 semaphore(%run_scoped3A : memref<!tpu.dma_semaphore, #tpu.memory_space<semaphore_mem>>) src(%dma_wait3A_86 : memref<128x128xbf16, #tpu.memory_space<vmem_shared>>) dst(%arg9 : memref<128x128xbf16, #tpu.memory_space<vmem>>)
      tpu.yield
    }) : () -> ()
    "tpu.region"() ({
      %run_scoped3A = tpu.sem_alloc : memref<!tpu.dma_semaphore, #tpu.memory_space<semaphore_mem>>
      %dma_start3A_80 = arith.constant 0 : i32
      %dma_start3A_81 = tpu.memref_slice %arg5[%arg0, %add3A_63, %dma_start3A_80] : memref<2x10240x128xbf16, #tpu.memory_space<hbm>> -> memref<1x128x128xbf16, #tpu.memory_space<hbm>>
      %dma_start3A_82 = tpu.memref_squeeze %dma_start3A_81 : memref<1x128x128xbf16, #tpu.memory_space<hbm>> -> memref<128x128xbf16, #tpu.memory_space<hbm>>
      %dma_start3A_83 = arith.constant 0 : i32
      %dma_start3A_84 = tpu.memref_slice %arg5[%arg0, %add3A_63, %dma_start3A_83] : memref<2x10240x128xbf16, #tpu.memory_space<hbm>> -> memref<1x128x128xbf16, #tpu.memory_space<hbm>>
      %dma_start3A_85 = tpu.memref_squeeze %dma_start3A_84 : memref<1x128x128xbf16, #tpu.memory_space<hbm>> -> memref<128x128xbf16, #tpu.memory_space<hbm>>
      tpu.enqueue_dma source(%arg9 : memref<128x128xbf16, #tpu.memory_space<vmem>>) target(%dma_start3A_85 : memref<128x128xbf16, #tpu.memory_space<hbm>>) target_semaphore(%run_scoped3A : memref<!tpu.dma_semaphore, #tpu.memory_space<semaphore_mem>>)
      %dma_wait3A = arith.constant 0 : i32
      %dma_wait3A_86 = tpu.memref_slice %arg5[%arg0, %add3A_63, %dma_wait3A] : memref<2x10240x128xbf16, #tpu.memory_space<hbm>> -> memref<1x128x128xbf16, #tpu.memory_space<hbm>>
      %dma_wait3A_87 = tpu.memref_squeeze %dma_wait3A_86 : memref<1x128x128xbf16, #tpu.memory_space<hbm>> -> memref<128x128xbf16, #tpu.memory_space<hbm>>
      %dma_wait3A_88 = arith.constant 0 : i32
      %dma_wait3A_89 = tpu.memref_slice %arg5[%arg0, %add3A_63, %dma_wait3A_88] : memref<2x10240x128xbf16, #tpu.memory_space<hbm>> -> memref<1x128x128xbf16, #tpu.memory_space<hbm>>
      %dma_wait3A_90 = tpu.memref_squeeze %dma_wait3A_89 : memref<1x128x128xbf16, #tpu.memory_space<hbm>> -> memref<128x128xbf16, #tpu.memory_space<hbm>>
      tpu.wait_dma2 semaphore(%run_scoped3A : memref<!tpu.dma_semaphore, #tpu.memory_space<semaphore_mem>>) src(%arg9 : memref<128x128xbf16, #tpu.memory_space<vmem>>) dst(%dma_wait3A_90 : memref<128x128xbf16, #tpu.memory_space<hbm>>)
      tpu.yield
    }) : () -> ()
    %mul3A_64 = arith.constant 640 : i32
    %mul3A_65 = arith.muli %arg1, %mul3A_64 : i32
    %add3A_66 = arith.constant 128 : i32
    %add3A_67 = arith.addi %mul3A_65, %add3A_66 : i32
    "tpu.region"() ({
      %run_scoped3A = tpu.sem_alloc : memref<!tpu.dma_semaphore, #tpu.memory_space<semaphore_mem>>
      %dma_start3A_80 = arith.constant 0 : i32
      %dma_start3A_81 = tpu.memref_slice %arg6[%add3A_67, %dma_start3A_80] : memref<10240x128xbf16, #tpu.memory_space<vmem_shared>> -> memref<128x128xbf16, #tpu.memory_space<vmem_shared>>
      %dma_start3A_82 = arith.constant 0 : i32
      %dma_start3A_83 = tpu.memref_slice %arg6[%add3A_67, %dma_start3A_82] : memref<10240x128xbf16, #tpu.memory_space<vmem_shared>> -> memref<128x128xbf16, #tpu.memory_space<vmem_shared>>
      tpu.enqueue_dma source(%dma_start3A_83 : memref<128x128xbf16, #tpu.memory_space<vmem_shared>>) target(%arg9 : memref<128x128xbf16, #tpu.memory_space<vmem>>) target_semaphore(%run_scoped3A : memref<!tpu.dma_semaphore, #tpu.memory_space<semaphore_mem>>)
      %dma_wait3A = arith.constant 0 : i32
      %dma_wait3A_84 = tpu.memref_slice %arg6[%add3A_67, %dma_wait3A] : memref<10240x128xbf16, #tpu.memory_space<vmem_shared>> -> memref<128x128xbf16, #tpu.memory_space<vmem_shared>>
      %dma_wait3A_85 = arith.constant 0 : i32
      %dma_wait3A_86 = tpu.memref_slice %arg6[%add3A_67, %dma_wait3A_85] : memref<10240x128xbf16, #tpu.memory_space<vmem_shared>> -> memref<128x128xbf16, #tpu.memory_space<vmem_shared>>
      tpu.wait_dma2 semaphore(%run_scoped3A : memref<!tpu.dma_semaphore, #tpu.memory_space<semaphore_mem>>) src(%dma_wait3A_86 : memref<128x128xbf16, #tpu.memory_space<vmem_shared>>) dst(%arg9 : memref<128x128xbf16, #tpu.memory_space<vmem>>)
      tpu.yield
    }) : () -> ()
    "tpu.region"() ({
      %run_scoped3A = tpu.sem_alloc : memref<!tpu.dma_semaphore, #tpu.memory_space<semaphore_mem>>
      %dma_start3A_80 = arith.constant 0 : i32
      %dma_start3A_81 = tpu.memref_slice %arg5[%arg0, %add3A_67, %dma_start3A_80] : memref<2x10240x128xbf16, #tpu.memory_space<hbm>> -> memref<1x128x128xbf16, #tpu.memory_space<hbm>>
      %dma_start3A_82 = tpu.memref_squeeze %dma_start3A_81 : memref<1x128x128xbf16, #tpu.memory_space<hbm>> -> memref<128x128xbf16, #tpu.memory_space<hbm>>
      %dma_start3A_83 = arith.constant 0 : i32
      %dma_start3A_84 = tpu.memref_slice %arg5[%arg0, %add3A_67, %dma_start3A_83] : memref<2x10240x128xbf16, #tpu.memory_space<hbm>> -> memref<1x128x128xbf16, #tpu.memory_space<hbm>>
      %dma_start3A_85 = tpu.memref_squeeze %dma_start3A_84 : memref<1x128x128xbf16, #tpu.memory_space<hbm>> -> memref<128x128xbf16, #tpu.memory_space<hbm>>
      tpu.enqueue_dma source(%arg9 : memref<128x128xbf16, #tpu.memory_space<vmem>>) target(%dma_start3A_85 : memref<128x128xbf16, #tpu.memory_space<hbm>>) target_semaphore(%run_scoped3A : memref<!tpu.dma_semaphore, #tpu.memory_space<semaphore_mem>>)
      %dma_wait3A = arith.constant 0 : i32
      %dma_wait3A_86 = tpu.memref_slice %arg5[%arg0, %add3A_67, %dma_wait3A] : memref<2x10240x128xbf16, #tpu.memory_space<hbm>> -> memref<1x128x128xbf16, #tpu.memory_space<hbm>>
      %dma_wait3A_87 = tpu.memref_squeeze %dma_wait3A_86 : memref<1x128x128xbf16, #tpu.memory_space<hbm>> -> memref<128x128xbf16, #tpu.memory_space<hbm>>
      %dma_wait3A_88 = arith.constant 0 : i32
      %dma_wait3A_89 = tpu.memref_slice %arg5[%arg0, %add3A_67, %dma_wait3A_88] : memref<2x10240x128xbf16, #tpu.memory_space<hbm>> -> memref<1x128x128xbf16, #tpu.memory_space<hbm>>
      %dma_wait3A_90 = tpu.memref_squeeze %dma_wait3A_89 : memref<1x128x128xbf16, #tpu.memory_space<hbm>> -> memref<128x128xbf16, #tpu.memory_space<hbm>>
      tpu.wait_dma2 semaphore(%run_scoped3A : memref<!tpu.dma_semaphore, #tpu.memory_space<semaphore_mem>>) src(%arg9 : memref<128x128xbf16, #tpu.memory_space<vmem>>) dst(%dma_wait3A_90 : memref<128x128xbf16, #tpu.memory_space<hbm>>)
      tpu.yield
    }) : () -> ()
    %mul3A_68 = arith.constant 640 : i32
    %mul3A_69 = arith.muli %arg1, %mul3A_68 : i32
    %add3A_70 = arith.constant 256 : i32
    %add3A_71 = arith.addi %mul3A_69, %add3A_70 : i32
    "tpu.region"() ({
      %run_scoped3A = tpu.sem_alloc : memref<!tpu.dma_semaphore, #tpu.memory_space<semaphore_mem>>
      %dma_start3A_80 = arith.constant 0 : i32
      %dma_start3A_81 = tpu.memref_slice %arg6[%add3A_71, %dma_start3A_80] : memref<10240x128xbf16, #tpu.memory_space<vmem_shared>> -> memref<128x128xbf16, #tpu.memory_space<vmem_shared>>
      %dma_start3A_82 = arith.constant 0 : i32
      %dma_start3A_83 = tpu.memref_slice %arg6[%add3A_71, %dma_start3A_82] : memref<10240x128xbf16, #tpu.memory_space<vmem_shared>> -> memref<128x128xbf16, #tpu.memory_space<vmem_shared>>
      tpu.enqueue_dma source(%dma_start3A_83 : memref<128x128xbf16, #tpu.memory_space<vmem_shared>>) target(%arg9 : memref<128x128xbf16, #tpu.memory_space<vmem>>) target_semaphore(%run_scoped3A : memref<!tpu.dma_semaphore, #tpu.memory_space<semaphore_mem>>)
      %dma_wait3A = arith.constant 0 : i32
      %dma_wait3A_84 = tpu.memref_slice %arg6[%add3A_71, %dma_wait3A] : memref<10240x128xbf16, #tpu.memory_space<vmem_shared>> -> memref<128x128xbf16, #tpu.memory_space<vmem_shared>>
      %dma_wait3A_85 = arith.constant 0 : i32
      %dma_wait3A_86 = tpu.memref_slice %arg6[%add3A_71, %dma_wait3A_85] : memref<10240x128xbf16, #tpu.memory_space<vmem_shared>> -> memref<128x128xbf16, #tpu.memory_space<vmem_shared>>
      tpu.wait_dma2 semaphore(%run_scoped3A : memref<!tpu.dma_semaphore, #tpu.memory_space<semaphore_mem>>) src(%dma_wait3A_86 : memref<128x128xbf16, #tpu.memory_space<vmem_shared>>) dst(%arg9 : memref<128x128xbf16, #tpu.memory_space<vmem>>)
      tpu.yield
    }) : () -> ()
    "tpu.region"() ({
      %run_scoped3A = tpu.sem_alloc : memref<!tpu.dma_semaphore, #tpu.memory_space<semaphore_mem>>
      %dma_start3A_80 = arith.constant 0 : i32
      %dma_start3A_81 = tpu.memref_slice %arg5[%arg0, %add3A_71, %dma_start3A_80] : memref<2x10240x128xbf16, #tpu.memory_space<hbm>> -> memref<1x128x128xbf16, #tpu.memory_space<hbm>>
      %dma_start3A_82 = tpu.memref_squeeze %dma_start3A_81 : memref<1x128x128xbf16, #tpu.memory_space<hbm>> -> memref<128x128xbf16, #tpu.memory_space<hbm>>
      %dma_start3A_83 = arith.constant 0 : i32
      %dma_start3A_84 = tpu.memref_slice %arg5[%arg0, %add3A_71, %dma_start3A_83] : memref<2x10240x128xbf16, #tpu.memory_space<hbm>> -> memref<1x128x128xbf16, #tpu.memory_space<hbm>>
      %dma_start3A_85 = tpu.memref_squeeze %dma_start3A_84 : memref<1x128x128xbf16, #tpu.memory_space<hbm>> -> memref<128x128xbf16, #tpu.memory_space<hbm>>
      tpu.enqueue_dma source(%arg9 : memref<128x128xbf16, #tpu.memory_space<vmem>>) target(%dma_start3A_85 : memref<128x128xbf16, #tpu.memory_space<hbm>>) target_semaphore(%run_scoped3A : memref<!tpu.dma_semaphore, #tpu.memory_space<semaphore_mem>>)
      %dma_wait3A = arith.constant 0 : i32
      %dma_wait3A_86 = tpu.memref_slice %arg5[%arg0, %add3A_71, %dma_wait3A] : memref<2x10240x128xbf16, #tpu.memory_space<hbm>> -> memref<1x128x128xbf16, #tpu.memory_space<hbm>>
      %dma_wait3A_87 = tpu.memref_squeeze %dma_wait3A_86 : memref<1x128x128xbf16, #tpu.memory_space<hbm>> -> memref<128x128xbf16, #tpu.memory_space<hbm>>
      %dma_wait3A_88 = arith.constant 0 : i32
      %dma_wait3A_89 = tpu.memref_slice %arg5[%arg0, %add3A_71, %dma_wait3A_88] : memref<2x10240x128xbf16, #tpu.memory_space<hbm>> -> memref<1x128x128xbf16, #tpu.memory_space<hbm>>
      %dma_wait3A_90 = tpu.memref_squeeze %dma_wait3A_89 : memref<1x128x128xbf16, #tpu.memory_space<hbm>> -> memref<128x128xbf16, #tpu.memory_space<hbm>>
      tpu.wait_dma2 semaphore(%run_scoped3A : memref<!tpu.dma_semaphore, #tpu.memory_space<semaphore_mem>>) src(%arg9 : memref<128x128xbf16, #tpu.memory_space<vmem>>) dst(%dma_wait3A_90 : memref<128x128xbf16, #tpu.memory_space<hbm>>)
      tpu.yield
    }) : () -> ()
    %mul3A_72 = arith.constant 640 : i32
    %mul3A_73 = arith.muli %arg1, %mul3A_72 : i32
    %add3A_74 = arith.constant 384 : i32
    %add3A_75 = arith.addi %mul3A_73, %add3A_74 : i32
    "tpu.region"() ({
      %run_scoped3A = tpu.sem_alloc : memref<!tpu.dma_semaphore, #tpu.memory_space<semaphore_mem>>
      %dma_start3A_80 = arith.constant 0 : i32
      %dma_start3A_81 = tpu.memref_slice %arg6[%add3A_75, %dma_start3A_80] : memref<10240x128xbf16, #tpu.memory_space<vmem_shared>> -> memref<128x128xbf16, #tpu.memory_space<vmem_shared>>
      %dma_start3A_82 = arith.constant 0 : i32
      %dma_start3A_83 = tpu.memref_slice %arg6[%add3A_75, %dma_start3A_82] : memref<10240x128xbf16, #tpu.memory_space<vmem_shared>> -> memref<128x128xbf16, #tpu.memory_space<vmem_shared>>
      tpu.enqueue_dma source(%dma_start3A_83 : memref<128x128xbf16, #tpu.memory_space<vmem_shared>>) target(%arg9 : memref<128x128xbf16, #tpu.memory_space<vmem>>) target_semaphore(%run_scoped3A : memref<!tpu.dma_semaphore, #tpu.memory_space<semaphore_mem>>)
      %dma_wait3A = arith.constant 0 : i32
      %dma_wait3A_84 = tpu.memref_slice %arg6[%add3A_75, %dma_wait3A] : memref<10240x128xbf16, #tpu.memory_space<vmem_shared>> -> memref<128x128xbf16, #tpu.memory_space<vmem_shared>>
      %dma_wait3A_85 = arith.constant 0 : i32
      %dma_wait3A_86 = tpu.memref_slice %arg6[%add3A_75, %dma_wait3A_85] : memref<10240x128xbf16, #tpu.memory_space<vmem_shared>> -> memref<128x128xbf16, #tpu.memory_space<vmem_shared>>
      tpu.wait_dma2 semaphore(%run_scoped3A : memref<!tpu.dma_semaphore, #tpu.memory_space<semaphore_mem>>) src(%dma_wait3A_86 : memref<128x128xbf16, #tpu.memory_space<vmem_shared>>) dst(%arg9 : memref<128x128xbf16, #tpu.memory_space<vmem>>)
      tpu.yield
    }) : () -> ()
    "tpu.region"() ({
      %run_scoped3A = tpu.sem_alloc : memref<!tpu.dma_semaphore, #tpu.memory_space<semaphore_mem>>
      %dma_start3A_80 = arith.constant 0 : i32
      %dma_start3A_81 = tpu.memref_slice %arg5[%arg0, %add3A_75, %dma_start3A_80] : memref<2x10240x128xbf16, #tpu.memory_space<hbm>> -> memref<1x128x128xbf16, #tpu.memory_space<hbm>>
      %dma_start3A_82 = tpu.memref_squeeze %dma_start3A_81 : memref<1x128x128xbf16, #tpu.memory_space<hbm>> -> memref<128x128xbf16, #tpu.memory_space<hbm>>
      %dma_start3A_83 = arith.constant 0 : i32
      %dma_start3A_84 = tpu.memref_slice %arg5[%arg0, %add3A_75, %dma_start3A_83] : memref<2x10240x128xbf16, #tpu.memory_space<hbm>> -> memref<1x128x128xbf16, #tpu.memory_space<hbm>>
      %dma_start3A_85 = tpu.memref_squeeze %dma_start3A_84 : memref<1x128x128xbf16, #tpu.memory_space<hbm>> -> memref<128x128xbf16, #tpu.memory_space<hbm>>
      tpu.enqueue_dma source(%arg9 : memref<128x128xbf16, #tpu.memory_space<vmem>>) target(%dma_start3A_85 : memref<128x128xbf16, #tpu.memory_space<hbm>>) target_semaphore(%run_scoped3A : memref<!tpu.dma_semaphore, #tpu.memory_space<semaphore_mem>>)
      %dma_wait3A = arith.constant 0 : i32
      %dma_wait3A_86 = tpu.memref_slice %arg5[%arg0, %add3A_75, %dma_wait3A] : memref<2x10240x128xbf16, #tpu.memory_space<hbm>> -> memref<1x128x128xbf16, #tpu.memory_space<hbm>>
      %dma_wait3A_87 = tpu.memref_squeeze %dma_wait3A_86 : memref<1x128x128xbf16, #tpu.memory_space<hbm>> -> memref<128x128xbf16, #tpu.memory_space<hbm>>
      %dma_wait3A_88 = arith.constant 0 : i32
      %dma_wait3A_89 = tpu.memref_slice %arg5[%arg0, %add3A_75, %dma_wait3A_88] : memref<2x10240x128xbf16, #tpu.memory_space<hbm>> -> memref<1x128x128xbf16, #tpu.memory_space<hbm>>
      %dma_wait3A_90 = tpu.memref_squeeze %dma_wait3A_89 : memref<1x128x128xbf16, #tpu.memory_space<hbm>> -> memref<128x128xbf16, #tpu.memory_space<hbm>>
      tpu.wait_dma2 semaphore(%run_scoped3A : memref<!tpu.dma_semaphore, #tpu.memory_space<semaphore_mem>>) src(%arg9 : memref<128x128xbf16, #tpu.memory_space<vmem>>) dst(%dma_wait3A_90 : memref<128x128xbf16, #tpu.memory_space<hbm>>)
      tpu.yield
    }) : () -> ()
    %mul3A_76 = arith.constant 640 : i32
    %mul3A_77 = arith.muli %arg1, %mul3A_76 : i32
    %add3A_78 = arith.constant 512 : i32
    %add3A_79 = arith.addi %mul3A_77, %add3A_78 : i32
    "tpu.region"() ({
      %run_scoped3A = tpu.sem_alloc : memref<!tpu.dma_semaphore, #tpu.memory_space<semaphore_mem>>
      %dma_start3A_80 = arith.constant 0 : i32
      %dma_start3A_81 = tpu.memref_slice %arg6[%add3A_79, %dma_start3A_80] : memref<10240x128xbf16, #tpu.memory_space<vmem_shared>> -> memref<128x128xbf16, #tpu.memory_space<vmem_shared>>
      %dma_start3A_82 = arith.constant 0 : i32
      %dma_start3A_83 = tpu.memref_slice %arg6[%add3A_79, %dma_start3A_82] : memref<10240x128xbf16, #tpu.memory_space<vmem_shared>> -> memref<128x128xbf16, #tpu.memory_space<vmem_shared>>
      tpu.enqueue_dma source(%dma_start3A_83 : memref<128x128xbf16, #tpu.memory_space<vmem_shared>>) target(%arg9 : memref<128x128xbf16, #tpu.memory_space<vmem>>) target_semaphore(%run_scoped3A : memref<!tpu.dma_semaphore, #tpu.memory_space<semaphore_mem>>)
      %dma_wait3A = arith.constant 0 : i32
      %dma_wait3A_84 = tpu.memref_slice %arg6[%add3A_79, %dma_wait3A] : memref<10240x128xbf16, #tpu.memory_space<vmem_shared>> -> memref<128x128xbf16, #tpu.memory_space<vmem_shared>>
      %dma_wait3A_85 = arith.constant 0 : i32
      %dma_wait3A_86 = tpu.memref_slice %arg6[%add3A_79, %dma_wait3A_85] : memref<10240x128xbf16, #tpu.memory_space<vmem_shared>> -> memref<128x128xbf16, #tpu.memory_space<vmem_shared>>
      tpu.wait_dma2 semaphore(%run_scoped3A : memref<!tpu.dma_semaphore, #tpu.memory_space<semaphore_mem>>) src(%dma_wait3A_86 : memref<128x128xbf16, #tpu.memory_space<vmem_shared>>) dst(%arg9 : memref<128x128xbf16, #tpu.memory_space<vmem>>)
      tpu.yield
    }) : () -> ()
    "tpu.region"() ({
      %run_scoped3A = tpu.sem_alloc : memref<!tpu.dma_semaphore, #tpu.memory_space<semaphore_mem>>
      %dma_start3A_80 = arith.constant 0 : i32
      %dma_start3A_81 = tpu.memref_slice %arg5[%arg0, %add3A_79, %dma_start3A_80] : memref<2x10240x128xbf16, #tpu.memory_space<hbm>> -> memref<1x128x128xbf16, #tpu.memory_space<hbm>>
      %dma_start3A_82 = tpu.memref_squeeze %dma_start3A_81 : memref<1x128x128xbf16, #tpu.memory_space<hbm>> -> memref<128x128xbf16, #tpu.memory_space<hbm>>
      %dma_start3A_83 = arith.constant 0 : i32
      %dma_start3A_84 = tpu.memref_slice %arg5[%arg0, %add3A_79, %dma_start3A_83] : memref<2x10240x128xbf16, #tpu.memory_space<hbm>> -> memref<1x128x128xbf16, #tpu.memory_space<hbm>>
      %dma_start3A_85 = tpu.memref_squeeze %dma_start3A_84 : memref<1x128x128xbf16, #tpu.memory_space<hbm>> -> memref<128x128xbf16, #tpu.memory_space<hbm>>
      tpu.enqueue_dma source(%arg9 : memref<128x128xbf16, #tpu.memory_space<vmem>>) target(%dma_start3A_85 : memref<128x128xbf16, #tpu.memory_space<hbm>>) target_semaphore(%run_scoped3A : memref<!tpu.dma_semaphore, #tpu.memory_space<semaphore_mem>>)
      %dma_wait3A = arith.constant 0 : i32
      %dma_wait3A_86 = tpu.memref_slice %arg5[%arg0, %add3A_79, %dma_wait3A] : memref<2x10240x128xbf16, #tpu.memory_space<hbm>> -> memref<1x128x128xbf16, #tpu.memory_space<hbm>>
      %dma_wait3A_87 = tpu.memref_squeeze %dma_wait3A_86 : memref<1x128x128xbf16, #tpu.memory_space<hbm>> -> memref<128x128xbf16, #tpu.memory_space<hbm>>
      %dma_wait3A_88 = arith.constant 0 : i32
      %dma_wait3A_89 = tpu.memref_slice %arg5[%arg0, %add3A_79, %dma_wait3A_88] : memref<2x10240x128xbf16, #tpu.memory_space<hbm>> -> memref<1x128x128xbf16, #tpu.memory_space<hbm>>
      %dma_wait3A_90 = tpu.memref_squeeze %dma_wait3A_89 : memref<1x128x128xbf16, #tpu.memory_space<hbm>> -> memref<128x128xbf16, #tpu.memory_space<hbm>>
      tpu.wait_dma2 semaphore(%run_scoped3A : memref<!tpu.dma_semaphore, #tpu.memory_space<semaphore_mem>>) src(%arg9 : memref<128x128xbf16, #tpu.memory_space<vmem>>) dst(%dma_wait3A_90 : memref<128x128xbf16, #tpu.memory_space<hbm>>)
      tpu.yield
    }) : () -> ()
    return
  }
}

#map = affine_map<(d0, d1) -> (0, 0)>
#map1 = affine_map<(d0, d1) -> (0, 0, 0)>
module attributes {stable_mosaic.version = 14 : i64} {
  func.func @_agg_kernel(%arg0: i32, %arg1: i32, %arg2: memref<10240x128xbf16, #tpu.memory_space<hbm>>, %arg3: memref<2560x128xi32, #tpu.memory_space<hbm>>, %arg4: memref<2560x128xi32, #tpu.memory_space<hbm>>, %arg5: memref<2x10240x128xbf16, #tpu.memory_space<hbm>>, %arg6: memref<10240x128xbf16, #tpu.memory_space<vmem_shared>>, %arg7: memref<40x128xi32, #tpu.memory_space<vmem>>, %arg8: memref<40x128xi32, #tpu.memory_space<vmem>>, %arg9: memref<128x128xbf16, #tpu.memory_space<vmem>>, %arg10: memref<128x128xbf16, #tpu.memory_space<vmem>>, %arg11: memref<!tpu.dma_semaphore, #tpu.memory_space<semaphore_mem>>, %arg12: memref<!tpu.dma_semaphore, #tpu.memory_space<semaphore_mem>>) attributes {dimension_semantics = [#tpu.dimension_semantics<core_parallel>, #tpu.dimension_semantics<subcore_parallel>], iteration_bounds = array<i64: 2, 16>, scalar_prefetch = 0 : i64, scratch_operands = 7 : i64, tpu.core_type = #tpu.core_type<sc_vector_subcore>, window_params = [{transform_indices = #map}, {transform_indices = #map}, {transform_indices = #map}, {transform_indices = #map1}]} {
    %mul3A = arith.constant 2 : i32
    %mul3A_0 = arith.muli %arg1, %mul3A : i32
    %add3A = arith.addi %mul3A_0, %arg0 : i32
    %scan3A = arith.constant 0 : i32
    %scan3A_1 = arith.constant 0 : i32
    %scan3A_2 = arith.constant 128 : i32
    %scan3A_3 = arith.addi %scan3A_1, %scan3A_2 : i32
    %scan3A_4 = arith.constant 1 : i32
    scf.for %scan3A_80 = %scan3A_1 to %scan3A_3 step %scan3A_4  : i32 {
      %broadcast_in_dim3A = arith.constant 0.000000e+00 : bf16
      %broadcast_in_dim3A_81 = vector.broadcast %broadcast_in_dim3A : bf16 to vector<32xbf16>
      %swap3A = arith.index_cast %scan3A_80 : i32 to index
      %swap3A_82 = arith.constant 0 : index
      %swap3A_83 = tpu.vector_load %arg9[%swap3A, %swap3A_82] {strides = array<i32>} : memref<128x128xbf16, #tpu.memory_space<vmem>>, vector<1x32xbf16>,
      %swap3A_84 = vector.shape_cast %swap3A_83 : vector<1x32xbf16> to vector<32xbf16>
      %swap3A_85 = vector.shape_cast %broadcast_in_dim3A_81 : vector<32xbf16> to vector<1x32xbf16>
      tpu.vector_store %arg9[%swap3A, %swap3A_82], %swap3A_85 {strides = array<i32>} : memref<128x128xbf16, #tpu.memory_space<vmem>>, vector<1x32xbf16>,
      %broadcast_in_dim3A_86 = arith.constant 0.000000e+00 : bf16
      %broadcast_in_dim3A_87 = vector.broadcast %broadcast_in_dim3A_86 : bf16 to vector<32xbf16>
      %swap3A_88 = arith.index_cast %scan3A_80 : i32 to index
      %swap3A_89 = arith.constant 32 : index
      %swap3A_90 = tpu.vector_load %arg9[%swap3A_88, %swap3A_89] {strides = array<i32>} : memref<128x128xbf16, #tpu.memory_space<vmem>>, vector<1x32xbf16>,
      %swap3A_91 = vector.shape_cast %swap3A_90 : vector<1x32xbf16> to vector<32xbf16>
      %swap3A_92 = vector.shape_cast %broadcast_in_dim3A_87 : vector<32xbf16> to vector<1x32xbf16>
      tpu.vector_store %arg9[%swap3A_88, %swap3A_89], %swap3A_92 {strides = array<i32>} : memref<128x128xbf16, #tpu.memory_space<vmem>>, vector<1x32xbf16>,
      %broadcast_in_dim3A_93 = arith.constant 0.000000e+00 : bf16
      %broadcast_in_dim3A_94 = vector.broadcast %broadcast_in_dim3A_93 : bf16 to vector<32xbf16>
      %swap3A_95 = arith.index_cast %scan3A_80 : i32 to index
      %swap3A_96 = arith.constant 64 : index
      %swap3A_97 = tpu.vector_load %arg9[%swap3A_95, %swap3A_96] {strides = array<i32>} : memref<128x128xbf16, #tpu.memory_space<vmem>>, vector<1x32xbf16>,
      %swap3A_98 = vector.shape_cast %swap3A_97 : vector<1x32xbf16> to vector<32xbf16>
      %swap3A_99 = vector.shape_cast %broadcast_in_dim3A_94 : vector<32xbf16> to vector<1x32xbf16>
      tpu.vector_store %arg9[%swap3A_95, %swap3A_96], %swap3A_99 {strides = array<i32>} : memref<128x128xbf16, #tpu.memory_space<vmem>>, vector<1x32xbf16>,
      %broadcast_in_dim3A_100 = arith.constant 0.000000e+00 : bf16
      %broadcast_in_dim3A_101 = vector.broadcast %broadcast_in_dim3A_100 : bf16 to vector<32xbf16>
      %swap3A_102 = arith.index_cast %scan3A_80 : i32 to index
      %swap3A_103 = arith.constant 96 : index
      %swap3A_104 = tpu.vector_load %arg9[%swap3A_102, %swap3A_103] {strides = array<i32>} : memref<128x128xbf16, #tpu.memory_space<vmem>>, vector<1x32xbf16>,
      %swap3A_105 = vector.shape_cast %swap3A_104 : vector<1x32xbf16> to vector<32xbf16>
      %swap3A_106 = vector.shape_cast %broadcast_in_dim3A_101 : vector<32xbf16> to vector<1x32xbf16>
      tpu.vector_store %arg9[%swap3A_102, %swap3A_103], %swap3A_106 {strides = array<i32>} : memref<128x128xbf16, #tpu.memory_space<vmem>>, vector<1x32xbf16>,
    }
    %scan3A_5 = arith.constant 128 : i32
    %mul3A_6 = arith.constant 640 : i32
    %mul3A_7 = arith.muli %arg1, %mul3A_6 : i32
    %add3A_8 = arith.constant 0 : i32
    %add3A_9 = arith.addi %mul3A_7, %add3A_8 : i32
    "tpu.region"() ({
      %run_scoped3A = tpu.sem_alloc : memref<!tpu.dma_semaphore, #tpu.memory_space<semaphore_mem>>
      %dma_start3A_80 = arith.constant 0 : i32
      %dma_start3A_81 = tpu.memref_slice %arg6[%add3A_9, %dma_start3A_80] : memref<10240x128xbf16, #tpu.memory_space<vmem_shared>> -> memref<128x128xbf16, #tpu.memory_space<vmem_shared>>
      %dma_start3A_82 = arith.constant 0 : i32
      %dma_start3A_83 = tpu.memref_slice %arg6[%add3A_9, %dma_start3A_82] : memref<10240x128xbf16, #tpu.memory_space<vmem_shared>> -> memref<128x128xbf16, #tpu.memory_space<vmem_shared>>
      tpu.enqueue_dma source(%arg9 : memref<128x128xbf16, #tpu.memory_space<vmem>>) target(%dma_start3A_83 : memref<128x128xbf16, #tpu.memory_space<vmem_shared>>) target_semaphore(%run_scoped3A : memref<!tpu.dma_semaphore, #tpu.memory_space<semaphore_mem>>)
      %dma_wait3A = arith.constant 0 : i32
      %dma_wait3A_84 = tpu.memref_slice %arg6[%add3A_9, %dma_wait3A] : memref<10240x128xbf16, #tpu.memory_space<vmem_shared>> -> memref<128x128xbf16, #tpu.memory_space<vmem_shared>>
      %dma_wait3A_85 = arith.constant 0 : i32
      %dma_wait3A_86 = tpu.memref_slice %arg6[%add3A_9, %dma_wait3A_85] : memref<10240x128xbf16, #tpu.memory_space<vmem_shared>> -> memref<128x128xbf16, #tpu.memory_space<vmem_shared>>
      tpu.wait_dma2 semaphore(%run_scoped3A : memref<!tpu.dma_semaphore, #tpu.memory_space<semaphore_mem>>) src(%arg9 : memref<128x128xbf16, #tpu.memory_space<vmem>>) dst(%dma_wait3A_86 : memref<128x128xbf16, #tpu.memory_space<vmem_shared>>)
      tpu.yield
    }) : () -> ()
    %mul3A_10 = arith.constant 640 : i32
    %mul3A_11 = arith.muli %arg1, %mul3A_10 : i32
    %add3A_12 = arith.constant 128 : i32
    %add3A_13 = arith.addi %mul3A_11, %add3A_12 : i32
    "tpu.region"() ({
      %run_scoped3A = tpu.sem_alloc : memref<!tpu.dma_semaphore, #tpu.memory_space<semaphore_mem>>
      %dma_start3A_80 = arith.constant 0 : i32
      %dma_start3A_81 = tpu.memref_slice %arg6[%add3A_13, %dma_start3A_80] : memref<10240x128xbf16, #tpu.memory_space<vmem_shared>> -> memref<128x128xbf16, #tpu.memory_space<vmem_shared>>
      %dma_start3A_82 = arith.constant 0 : i32
      %dma_start3A_83 = tpu.memref_slice %arg6[%add3A_13, %dma_start3A_82] : memref<10240x128xbf16, #tpu.memory_space<vmem_shared>> -> memref<128x128xbf16, #tpu.memory_space<vmem_shared>>
      tpu.enqueue_dma source(%arg9 : memref<128x128xbf16, #tpu.memory_space<vmem>>) target(%dma_start3A_83 : memref<128x128xbf16, #tpu.memory_space<vmem_shared>>) target_semaphore(%run_scoped3A : memref<!tpu.dma_semaphore, #tpu.memory_space<semaphore_mem>>)
      %dma_wait3A = arith.constant 0 : i32
      %dma_wait3A_84 = tpu.memref_slice %arg6[%add3A_13, %dma_wait3A] : memref<10240x128xbf16, #tpu.memory_space<vmem_shared>> -> memref<128x128xbf16, #tpu.memory_space<vmem_shared>>
      %dma_wait3A_85 = arith.constant 0 : i32
      %dma_wait3A_86 = tpu.memref_slice %arg6[%add3A_13, %dma_wait3A_85] : memref<10240x128xbf16, #tpu.memory_space<vmem_shared>> -> memref<128x128xbf16, #tpu.memory_space<vmem_shared>>
      tpu.wait_dma2 semaphore(%run_scoped3A : memref<!tpu.dma_semaphore, #tpu.memory_space<semaphore_mem>>) src(%arg9 : memref<128x128xbf16, #tpu.memory_space<vmem>>) dst(%dma_wait3A_86 : memref<128x128xbf16, #tpu.memory_space<vmem_shared>>)
      tpu.yield
    }) : () -> ()
    %mul3A_14 = arith.constant 640 : i32
    %mul3A_15 = arith.muli %arg1, %mul3A_14 : i32
    %add3A_16 = arith.constant 256 : i32
    %add3A_17 = arith.addi %mul3A_15, %add3A_16 : i32
    "tpu.region"() ({
      %run_scoped3A = tpu.sem_alloc : memref<!tpu.dma_semaphore, #tpu.memory_space<semaphore_mem>>
      %dma_start3A_80 = arith.constant 0 : i32
      %dma_start3A_81 = tpu.memref_slice %arg6[%add3A_17, %dma_start3A_80] : memref<10240x128xbf16, #tpu.memory_space<vmem_shared>> -> memref<128x128xbf16, #tpu.memory_space<vmem_shared>>
      %dma_start3A_82 = arith.constant 0 : i32
      %dma_start3A_83 = tpu.memref_slice %arg6[%add3A_17, %dma_start3A_82] : memref<10240x128xbf16, #tpu.memory_space<vmem_shared>> -> memref<128x128xbf16, #tpu.memory_space<vmem_shared>>
      tpu.enqueue_dma source(%arg9 : memref<128x128xbf16, #tpu.memory_space<vmem>>) target(%dma_start3A_83 : memref<128x128xbf16, #tpu.memory_space<vmem_shared>>) target_semaphore(%run_scoped3A : memref<!tpu.dma_semaphore, #tpu.memory_space<semaphore_mem>>)
      %dma_wait3A = arith.constant 0 : i32
      %dma_wait3A_84 = tpu.memref_slice %arg6[%add3A_17, %dma_wait3A] : memref<10240x128xbf16, #tpu.memory_space<vmem_shared>> -> memref<128x128xbf16, #tpu.memory_space<vmem_shared>>
      %dma_wait3A_85 = arith.constant 0 : i32
      %dma_wait3A_86 = tpu.memref_slice %arg6[%add3A_17, %dma_wait3A_85] : memref<10240x128xbf16, #tpu.memory_space<vmem_shared>> -> memref<128x128xbf16, #tpu.memory_space<vmem_shared>>
      tpu.wait_dma2 semaphore(%run_scoped3A : memref<!tpu.dma_semaphore, #tpu.memory_space<semaphore_mem>>) src(%arg9 : memref<128x128xbf16, #tpu.memory_space<vmem>>) dst(%dma_wait3A_86 : memref<128x128xbf16, #tpu.memory_space<vmem_shared>>)
      tpu.yield
    }) : () -> ()
    %mul3A_18 = arith.constant 640 : i32
    %mul3A_19 = arith.muli %arg1, %mul3A_18 : i32
    %add3A_20 = arith.constant 384 : i32
    %add3A_21 = arith.addi %mul3A_19, %add3A_20 : i32
    "tpu.region"() ({
      %run_scoped3A = tpu.sem_alloc : memref<!tpu.dma_semaphore, #tpu.memory_space<semaphore_mem>>
      %dma_start3A_80 = arith.constant 0 : i32
      %dma_start3A_81 = tpu.memref_slice %arg6[%add3A_21, %dma_start3A_80] : memref<10240x128xbf16, #tpu.memory_space<vmem_shared>> -> memref<128x128xbf16, #tpu.memory_space<vmem_shared>>
      %dma_start3A_82 = arith.constant 0 : i32
      %dma_start3A_83 = tpu.memref_slice %arg6[%add3A_21, %dma_start3A_82] : memref<10240x128xbf16, #tpu.memory_space<vmem_shared>> -> memref<128x128xbf16, #tpu.memory_space<vmem_shared>>
      tpu.enqueue_dma source(%arg9 : memref<128x128xbf16, #tpu.memory_space<vmem>>) target(%dma_start3A_83 : memref<128x128xbf16, #tpu.memory_space<vmem_shared>>) target_semaphore(%run_scoped3A : memref<!tpu.dma_semaphore, #tpu.memory_space<semaphore_mem>>)
      %dma_wait3A = arith.constant 0 : i32
      %dma_wait3A_84 = tpu.memref_slice %arg6[%add3A_21, %dma_wait3A] : memref<10240x128xbf16, #tpu.memory_space<vmem_shared>> -> memref<128x128xbf16, #tpu.memory_space<vmem_shared>>
      %dma_wait3A_85 = arith.constant 0 : i32
      %dma_wait3A_86 = tpu.memref_slice %arg6[%add3A_21, %dma_wait3A_85] : memref<10240x128xbf16, #tpu.memory_space<vmem_shared>> -> memref<128x128xbf16, #tpu.memory_space<vmem_shared>>
      tpu.wait_dma2 semaphore(%run_scoped3A : memref<!tpu.dma_semaphore, #tpu.memory_space<semaphore_mem>>) src(%arg9 : memref<128x128xbf16, #tpu.memory_space<vmem>>) dst(%dma_wait3A_86 : memref<128x128xbf16, #tpu.memory_space<vmem_shared>>)
      tpu.yield
    }) : () -> ()
    %mul3A_22 = arith.constant 640 : i32
    %mul3A_23 = arith.muli %arg1, %mul3A_22 : i32
    %add3A_24 = arith.constant 512 : i32
    %add3A_25 = arith.addi %mul3A_23, %add3A_24 : i32
    "tpu.region"() ({
      %run_scoped3A = tpu.sem_alloc : memref<!tpu.dma_semaphore, #tpu.memory_space<semaphore_mem>>
      %dma_start3A_80 = arith.constant 0 : i32
      %dma_start3A_81 = tpu.memref_slice %arg6[%add3A_25, %dma_start3A_80] : memref<10240x128xbf16, #tpu.memory_space<vmem_shared>> -> memref<128x128xbf16, #tpu.memory_space<vmem_shared>>
      %dma_start3A_82 = arith.constant 0 : i32
      %dma_start3A_83 = tpu.memref_slice %arg6[%add3A_25, %dma_start3A_82] : memref<10240x128xbf16, #tpu.memory_space<vmem_shared>> -> memref<128x128xbf16, #tpu.memory_space<vmem_shared>>
      tpu.enqueue_dma source(%arg9 : memref<128x128xbf16, #tpu.memory_space<vmem>>) target(%dma_start3A_83 : memref<128x128xbf16, #tpu.memory_space<vmem_shared>>) target_semaphore(%run_scoped3A : memref<!tpu.dma_semaphore, #tpu.memory_space<semaphore_mem>>)
      %dma_wait3A = arith.constant 0 : i32
      %dma_wait3A_84 = tpu.memref_slice %arg6[%add3A_25, %dma_wait3A] : memref<10240x128xbf16, #tpu.memory_space<vmem_shared>> -> memref<128x128xbf16, #tpu.memory_space<vmem_shared>>
      %dma_wait3A_85 = arith.constant 0 : i32
      %dma_wait3A_86 = tpu.memref_slice %arg6[%add3A_25, %dma_wait3A_85] : memref<10240x128xbf16, #tpu.memory_space<vmem_shared>> -> memref<128x128xbf16, #tpu.memory_space<vmem_shared>>
      tpu.wait_dma2 semaphore(%run_scoped3A : memref<!tpu.dma_semaphore, #tpu.memory_space<semaphore_mem>>) src(%arg9 : memref<128x128xbf16, #tpu.memory_space<vmem>>) dst(%dma_wait3A_86 : memref<128x128xbf16, #tpu.memory_space<vmem_shared>>)
      tpu.yield
    }) : () -> ()
    %barrier3A = arith.constant 0 : index
    tpu.barrier barrier_id(%barrier3A)
    %mul3A_26 = arith.constant 80 : i32
    %mul3A_27 = arith.muli %add3A, %mul3A_26 : i32
    %add3A_28 = arith.constant 0 : i32
    %add3A_29 = arith.addi %mul3A_27, %add3A_28 : i32
    "tpu.region"() ({
      %run_scoped3A = tpu.sem_alloc : memref<!tpu.dma_semaphore, #tpu.memory_space<semaphore_mem>>
      %dma_start3A_80 = arith.constant 0 : i32
      %dma_start3A_81 = tpu.memref_slice %arg3[%add3A_29, %dma_start3A_80] : memref<2560x128xi32, #tpu.memory_space<hbm>> -> memref<40x128xi32, #tpu.memory_space<hbm>>
      %dma_start3A_82 = arith.constant 0 : i32
      %dma_start3A_83 = tpu.memref_slice %arg3[%add3A_29, %dma_start3A_82] : memref<2560x128xi32, #tpu.memory_space<hbm>> -> memref<40x128xi32, #tpu.memory_space<hbm>>
      tpu.enqueue_dma source(%dma_start3A_83 : memref<40x128xi32, #tpu.memory_space<hbm>>) target(%arg7 : memref<40x128xi32, #tpu.memory_space<vmem>>) target_semaphore(%run_scoped3A : memref<!tpu.dma_semaphore, #tpu.memory_space<semaphore_mem>>)
      %dma_wait3A = arith.constant 0 : i32
      %dma_wait3A_84 = tpu.memref_slice %arg3[%add3A_29, %dma_wait3A] : memref<2560x128xi32, #tpu.memory_space<hbm>> -> memref<40x128xi32, #tpu.memory_space<hbm>>
      %dma_wait3A_85 = arith.constant 0 : i32
      %dma_wait3A_86 = tpu.memref_slice %arg3[%add3A_29, %dma_wait3A_85] : memref<2560x128xi32, #tpu.memory_space<hbm>> -> memref<40x128xi32, #tpu.memory_space<hbm>>
      tpu.wait_dma2 semaphore(%run_scoped3A : memref<!tpu.dma_semaphore, #tpu.memory_space<semaphore_mem>>) src(%dma_wait3A_86 : memref<40x128xi32, #tpu.memory_space<hbm>>) dst(%arg7 : memref<40x128xi32, #tpu.memory_space<vmem>>)
      tpu.yield
    }) : () -> ()
    "tpu.region"() ({
      %run_scoped3A = tpu.sem_alloc : memref<!tpu.dma_semaphore, #tpu.memory_space<semaphore_mem>>
      %dma_start3A_80 = arith.constant 0 : i32
      %dma_start3A_81 = tpu.memref_slice %arg4[%add3A_29, %dma_start3A_80] : memref<2560x128xi32, #tpu.memory_space<hbm>> -> memref<40x128xi32, #tpu.memory_space<hbm>>
      %dma_start3A_82 = arith.constant 0 : i32
      %dma_start3A_83 = tpu.memref_slice %arg4[%add3A_29, %dma_start3A_82] : memref<2560x128xi32, #tpu.memory_space<hbm>> -> memref<40x128xi32, #tpu.memory_space<hbm>>
      tpu.enqueue_dma source(%dma_start3A_83 : memref<40x128xi32, #tpu.memory_space<hbm>>) target(%arg8 : memref<40x128xi32, #tpu.memory_space<vmem>>) target_semaphore(%run_scoped3A : memref<!tpu.dma_semaphore, #tpu.memory_space<semaphore_mem>>)
      %dma_wait3A = arith.constant 0 : i32
      %dma_wait3A_84 = tpu.memref_slice %arg4[%add3A_29, %dma_wait3A] : memref<2560x128xi32, #tpu.memory_space<hbm>> -> memref<40x128xi32, #tpu.memory_space<hbm>>
      %dma_wait3A_85 = arith.constant 0 : i32
      %dma_wait3A_86 = tpu.memref_slice %arg4[%add3A_29, %dma_wait3A_85] : memref<2560x128xi32, #tpu.memory_space<hbm>> -> memref<40x128xi32, #tpu.memory_space<hbm>>
      tpu.wait_dma2 semaphore(%run_scoped3A : memref<!tpu.dma_semaphore, #tpu.memory_space<semaphore_mem>>) src(%dma_wait3A_86 : memref<40x128xi32, #tpu.memory_space<hbm>>) dst(%arg8 : memref<40x128xi32, #tpu.memory_space<vmem>>)
      tpu.yield
    }) : () -> ()
    %dma_start3A = arith.constant 0 : i32
    %dma_start3A_30 = arith.constant 0 : i32
    %dma_start3A_31 = tpu.memref_slice %arg7[%dma_start3A, %dma_start3A_30] : memref<40x128xi32, #tpu.memory_space<vmem>> -> memref<1x128xi32, #tpu.memory_space<vmem>>
    %dma_start3A_32 = tpu.memref_squeeze %dma_start3A_31 : memref<1x128xi32, #tpu.memory_space<vmem>> -> memref<128xi32, #tpu.memory_space<vmem>>
    %dma_start3A_33 = arith.constant 0 : i32
    %dma_start3A_34 = arith.constant 0 : i32
    %dma_start3A_35 = tpu.memref_slice %arg2[%dma_start3A_33, %dma_start3A_34] : memref<10240x128xbf16, #tpu.memory_space<hbm>> -> memref<10240x128xbf16, #tpu.memory_space<hbm>>
    tpu.enqueue_indirect_dma source(%dma_start3A_35 : memref<10240x128xbf16, #tpu.memory_space<hbm>>) target(%arg9 : memref<128x128xbf16, #tpu.memory_space<vmem>>) offsets(%dma_start3A_32 : memref<128xi32, #tpu.memory_space<vmem>>) semaphore(%arg11 : memref<!tpu.dma_semaphore, #tpu.memory_space<semaphore_mem>>)
    %scan3A_36 = arith.constant 0 : i32
    %scan3A_37 = arith.constant 0 : i32
    %scan3A_38 = arith.constant 20 : i32
    %scan3A_39 = arith.addi %scan3A_37, %scan3A_38 : i32
    %scan3A_40 = arith.constant 1 : i32
    scf.for %scan3A_80 = %scan3A_37 to %scan3A_39 step %scan3A_40  : i32 {
      %mul3A_81 = arith.constant 2 : i32
      %mul3A_82 = arith.muli %mul3A_81, %scan3A_80 : i32
      %add3A_83 = arith.constant 1 : i32
      %add3A_84 = arith.addi %mul3A_82, %add3A_83 : i32
      %dma_start3A_85 = arith.constant 0 : i32
      %dma_start3A_86 = tpu.memref_slice %arg7[%add3A_84, %dma_start3A_85] : memref<40x128xi32, #tpu.memory_space<vmem>> -> memref<1x128xi32, #tpu.memory_space<vmem>>
      %dma_start3A_87 = tpu.memref_squeeze %dma_start3A_86 : memref<1x128xi32, #tpu.memory_space<vmem>> -> memref<128xi32, #tpu.memory_space<vmem>>
      %dma_start3A_88 = arith.constant 0 : i32
      %dma_start3A_89 = arith.constant 0 : i32
      %dma_start3A_90 = tpu.memref_slice %arg2[%dma_start3A_88, %dma_start3A_89] : memref<10240x128xbf16, #tpu.memory_space<hbm>> -> memref<10240x128xbf16, #tpu.memory_space<hbm>>
      tpu.enqueue_indirect_dma source(%dma_start3A_90 : memref<10240x128xbf16, #tpu.memory_space<hbm>>) target(%arg10 : memref<128x128xbf16, #tpu.memory_space<vmem>>) offsets(%dma_start3A_87 : memref<128xi32, #tpu.memory_space<vmem>>) semaphore(%arg12 : memref<!tpu.dma_semaphore, #tpu.memory_space<semaphore_mem>>)
      %dma_wait3A = arith.constant 0 : i32
      %dma_wait3A_91 = tpu.memref_slice %arg7[%mul3A_82, %dma_wait3A] : memref<40x128xi32, #tpu.memory_space<vmem>> -> memref<1x128xi32, #tpu.memory_space<vmem>>
      %dma_wait3A_92 = tpu.memref_squeeze %dma_wait3A_91 : memref<1x128xi32, #tpu.memory_space<vmem>> -> memref<128xi32, #tpu.memory_space<vmem>>
      %dma_wait3A_93 = arith.constant 0 : i32
      %dma_wait3A_94 = arith.constant 0 : i32
      %dma_wait3A_95 = tpu.memref_slice %arg2[%dma_wait3A_93, %dma_wait3A_94] : memref<10240x128xbf16, #tpu.memory_space<hbm>> -> memref<10240x128xbf16, #tpu.memory_space<hbm>>
      tpu.wait_indirect_dma semaphore(%arg11 : memref<!tpu.dma_semaphore, #tpu.memory_space<semaphore_mem>>) src(%dma_wait3A_95 : memref<10240x128xbf16, #tpu.memory_space<hbm>>) dst(%arg9 : memref<128x128xbf16, #tpu.memory_space<vmem>>)
      "tpu.region"() ({
        %run_scoped3A = tpu.sem_alloc : memref<!tpu.dma_semaphore, #tpu.memory_space<semaphore_mem>>
        %dma_start3A_108 = arith.constant 0 : i32
        %dma_start3A_109 = tpu.memref_slice %arg8[%mul3A_82, %dma_start3A_108] : memref<40x128xi32, #tpu.memory_space<vmem>> -> memref<1x128xi32, #tpu.memory_space<vmem>>
        %dma_start3A_110 = tpu.memref_squeeze %dma_start3A_109 : memref<1x128xi32, #tpu.memory_space<vmem>> -> memref<128xi32, #tpu.memory_space<vmem>>
        %dma_start3A_111 = arith.constant 0 : i32
        %dma_start3A_112 = arith.constant 0 : i32
        %dma_start3A_113 = tpu.memref_slice %arg6[%dma_start3A_111, %dma_start3A_112] : memref<10240x128xbf16, #tpu.memory_space<vmem_shared>> -> memref<10240x128xbf16, #tpu.memory_space<vmem_shared>>
        tpu.enqueue_indirect_dma source(%arg9 : memref<128x128xbf16, #tpu.memory_space<vmem>>) target(%dma_start3A_113 : memref<10240x128xbf16, #tpu.memory_space<vmem_shared>>) offsets(%dma_start3A_110 : memref<128xi32, #tpu.memory_space<vmem>>) semaphore(%run_scoped3A : memref<!tpu.dma_semaphore, #tpu.memory_space<semaphore_mem>>) {add = true}
        %dma_wait3A_114 = arith.constant 0 : i32
        %dma_wait3A_115 = tpu.memref_slice %arg8[%mul3A_82, %dma_wait3A_114] : memref<40x128xi32, #tpu.memory_space<vmem>> -> memref<1x128xi32, #tpu.memory_space<vmem>>
        %dma_wait3A_116 = tpu.memref_squeeze %dma_wait3A_115 : memref<1x128xi32, #tpu.memory_space<vmem>> -> memref<128xi32, #tpu.memory_space<vmem>>
        %dma_wait3A_117 = arith.constant 0 : i32
        %dma_wait3A_118 = arith.constant 0 : i32
        %dma_wait3A_119 = tpu.memref_slice %arg6[%dma_wait3A_117, %dma_wait3A_118] : memref<10240x128xbf16, #tpu.memory_space<vmem_shared>> -> memref<10240x128xbf16, #tpu.memory_space<vmem_shared>>
        tpu.wait_indirect_dma semaphore(%run_scoped3A : memref<!tpu.dma_semaphore, #tpu.memory_space<semaphore_mem>>) src(%arg9 : memref<128x128xbf16, #tpu.memory_space<vmem>>) dst(%dma_wait3A_119 : memref<10240x128xbf16, #tpu.memory_space<vmem_shared>>)
        tpu.yield
      }) : () -> ()
      %lt3A = arith.constant 19 : i32
      %lt3A_96 = arith.cmpi slt, %scan3A_80, %lt3A : i32
      %convert_element_type3A = arith.extui %lt3A_96 : i1 to i32
      %cond3A = arith.constant 0 : i32
      %cond3A_97 = arith.cmpi ne, %convert_element_type3A, %cond3A : i32
      scf.if %cond3A_97 {
        %add3A_108 = arith.constant 2 : i32
        %add3A_109 = arith.addi %mul3A_82, %add3A_108 : i32
        %dma_start3A_110 = arith.constant 0 : i32
        %dma_start3A_111 = tpu.memref_slice %arg7[%add3A_109, %dma_start3A_110] : memref<40x128xi32, #tpu.memory_space<vmem>> -> memref<1x128xi32, #tpu.memory_space<vmem>>
        %dma_start3A_112 = tpu.memref_squeeze %dma_start3A_111 : memref<1x128xi32, #tpu.memory_space<vmem>> -> memref<128xi32, #tpu.memory_space<vmem>>
        %dma_start3A_113 = arith.constant 0 : i32
        %dma_start3A_114 = arith.constant 0 : i32
        %dma_start3A_115 = tpu.memref_slice %arg2[%dma_start3A_113, %dma_start3A_114] : memref<10240x128xbf16, #tpu.memory_space<hbm>> -> memref<10240x128xbf16, #tpu.memory_space<hbm>>
        tpu.enqueue_indirect_dma source(%dma_start3A_115 : memref<10240x128xbf16, #tpu.memory_space<hbm>>) target(%arg9 : memref<128x128xbf16, #tpu.memory_space<vmem>>) offsets(%dma_start3A_112 : memref<128xi32, #tpu.memory_space<vmem>>) semaphore(%arg11 : memref<!tpu.dma_semaphore, #tpu.memory_space<semaphore_mem>>)
      } else {
      }
      %add3A_98 = arith.constant 1 : i32
      %add3A_99 = arith.addi %mul3A_82, %add3A_98 : i32
      %dma_wait3A_100 = arith.constant 0 : i32
      %dma_wait3A_101 = tpu.memref_slice %arg7[%add3A_99, %dma_wait3A_100] : memref<40x128xi32, #tpu.memory_space<vmem>> -> memref<1x128xi32, #tpu.memory_space<vmem>>
      %dma_wait3A_102 = tpu.memref_squeeze %dma_wait3A_101 : memref<1x128xi32, #tpu.memory_space<vmem>> -> memref<128xi32, #tpu.memory_space<vmem>>
      %dma_wait3A_103 = arith.constant 0 : i32
      %dma_wait3A_104 = arith.constant 0 : i32
      %dma_wait3A_105 = tpu.memref_slice %arg2[%dma_wait3A_103, %dma_wait3A_104] : memref<10240x128xbf16, #tpu.memory_space<hbm>> -> memref<10240x128xbf16, #tpu.memory_space<hbm>>
      tpu.wait_indirect_dma semaphore(%arg12 : memref<!tpu.dma_semaphore, #tpu.memory_space<semaphore_mem>>) src(%dma_wait3A_105 : memref<10240x128xbf16, #tpu.memory_space<hbm>>) dst(%arg10 : memref<128x128xbf16, #tpu.memory_space<vmem>>)
      %add3A_106 = arith.constant 1 : i32
      %add3A_107 = arith.addi %mul3A_82, %add3A_106 : i32
      "tpu.region"() ({
        %run_scoped3A = tpu.sem_alloc : memref<!tpu.dma_semaphore, #tpu.memory_space<semaphore_mem>>
        %dma_start3A_108 = arith.constant 0 : i32
        %dma_start3A_109 = tpu.memref_slice %arg8[%add3A_107, %dma_start3A_108] : memref<40x128xi32, #tpu.memory_space<vmem>> -> memref<1x128xi32, #tpu.memory_space<vmem>>
        %dma_start3A_110 = tpu.memref_squeeze %dma_start3A_109 : memref<1x128xi32, #tpu.memory_space<vmem>> -> memref<128xi32, #tpu.memory_space<vmem>>
        %dma_start3A_111 = arith.constant 0 : i32
        %dma_start3A_112 = arith.constant 0 : i32
        %dma_start3A_113 = tpu.memref_slice %arg6[%dma_start3A_111, %dma_start3A_112] : memref<10240x128xbf16, #tpu.memory_space<vmem_shared>> -> memref<10240x128xbf16, #tpu.memory_space<vmem_shared>>
        tpu.enqueue_indirect_dma source(%arg10 : memref<128x128xbf16, #tpu.memory_space<vmem>>) target(%dma_start3A_113 : memref<10240x128xbf16, #tpu.memory_space<vmem_shared>>) offsets(%dma_start3A_110 : memref<128xi32, #tpu.memory_space<vmem>>) semaphore(%run_scoped3A : memref<!tpu.dma_semaphore, #tpu.memory_space<semaphore_mem>>) {add = true}
        %dma_wait3A_114 = arith.constant 0 : i32
        %dma_wait3A_115 = tpu.memref_slice %arg8[%add3A_107, %dma_wait3A_114] : memref<40x128xi32, #tpu.memory_space<vmem>> -> memref<1x128xi32, #tpu.memory_space<vmem>>
        %dma_wait3A_116 = tpu.memref_squeeze %dma_wait3A_115 : memref<1x128xi32, #tpu.memory_space<vmem>> -> memref<128xi32, #tpu.memory_space<vmem>>
        %dma_wait3A_117 = arith.constant 0 : i32
        %dma_wait3A_118 = arith.constant 0 : i32
        %dma_wait3A_119 = tpu.memref_slice %arg6[%dma_wait3A_117, %dma_wait3A_118] : memref<10240x128xbf16, #tpu.memory_space<vmem_shared>> -> memref<10240x128xbf16, #tpu.memory_space<vmem_shared>>
        tpu.wait_indirect_dma semaphore(%run_scoped3A : memref<!tpu.dma_semaphore, #tpu.memory_space<semaphore_mem>>) src(%arg10 : memref<128x128xbf16, #tpu.memory_space<vmem>>) dst(%dma_wait3A_119 : memref<10240x128xbf16, #tpu.memory_space<vmem_shared>>)
        tpu.yield
      }) : () -> ()
    }
    %scan3A_41 = arith.constant 20 : i32
    %mul3A_42 = arith.constant 80 : i32
    %mul3A_43 = arith.muli %add3A, %mul3A_42 : i32
    %add3A_44 = arith.constant 40 : i32
    %add3A_45 = arith.addi %mul3A_43, %add3A_44 : i32
    "tpu.region"() ({
      %run_scoped3A = tpu.sem_alloc : memref<!tpu.dma_semaphore, #tpu.memory_space<semaphore_mem>>
      %dma_start3A_80 = arith.constant 0 : i32
      %dma_start3A_81 = tpu.memref_slice %arg3[%add3A_45, %dma_start3A_80] : memref<2560x128xi32, #tpu.memory_space<hbm>> -> memref<40x128xi32, #tpu.memory_space<hbm>>
      %dma_start3A_82 = arith.constant 0 : i32
      %dma_start3A_83 = tpu.memref_slice %arg3[%add3A_45, %dma_start3A_82] : memref<2560x128xi32, #tpu.memory_space<hbm>> -> memref<40x128xi32, #tpu.memory_space<hbm>>
      tpu.enqueue_dma source(%dma_start3A_83 : memref<40x128xi32, #tpu.memory_space<hbm>>) target(%arg7 : memref<40x128xi32, #tpu.memory_space<vmem>>) target_semaphore(%run_scoped3A : memref<!tpu.dma_semaphore, #tpu.memory_space<semaphore_mem>>)
      %dma_wait3A = arith.constant 0 : i32
      %dma_wait3A_84 = tpu.memref_slice %arg3[%add3A_45, %dma_wait3A] : memref<2560x128xi32, #tpu.memory_space<hbm>> -> memref<40x128xi32, #tpu.memory_space<hbm>>
      %dma_wait3A_85 = arith.constant 0 : i32
      %dma_wait3A_86 = tpu.memref_slice %arg3[%add3A_45, %dma_wait3A_85] : memref<2560x128xi32, #tpu.memory_space<hbm>> -> memref<40x128xi32, #tpu.memory_space<hbm>>
      tpu.wait_dma2 semaphore(%run_scoped3A : memref<!tpu.dma_semaphore, #tpu.memory_space<semaphore_mem>>) src(%dma_wait3A_86 : memref<40x128xi32, #tpu.memory_space<hbm>>) dst(%arg7 : memref<40x128xi32, #tpu.memory_space<vmem>>)
      tpu.yield
    }) : () -> ()
    "tpu.region"() ({
      %run_scoped3A = tpu.sem_alloc : memref<!tpu.dma_semaphore, #tpu.memory_space<semaphore_mem>>
      %dma_start3A_80 = arith.constant 0 : i32
      %dma_start3A_81 = tpu.memref_slice %arg4[%add3A_45, %dma_start3A_80] : memref<2560x128xi32, #tpu.memory_space<hbm>> -> memref<40x128xi32, #tpu.memory_space<hbm>>
      %dma_start3A_82 = arith.constant 0 : i32
      %dma_start3A_83 = tpu.memref_slice %arg4[%add3A_45, %dma_start3A_82] : memref<2560x128xi32, #tpu.memory_space<hbm>> -> memref<40x128xi32, #tpu.memory_space<hbm>>
      tpu.enqueue_dma source(%dma_start3A_83 : memref<40x128xi32, #tpu.memory_space<hbm>>) target(%arg8 : memref<40x128xi32, #tpu.memory_space<vmem>>) target_semaphore(%run_scoped3A : memref<!tpu.dma_semaphore, #tpu.memory_space<semaphore_mem>>)
      %dma_wait3A = arith.constant 0 : i32
      %dma_wait3A_84 = tpu.memref_slice %arg4[%add3A_45, %dma_wait3A] : memref<2560x128xi32, #tpu.memory_space<hbm>> -> memref<40x128xi32, #tpu.memory_space<hbm>>
      %dma_wait3A_85 = arith.constant 0 : i32
      %dma_wait3A_86 = tpu.memref_slice %arg4[%add3A_45, %dma_wait3A_85] : memref<2560x128xi32, #tpu.memory_space<hbm>> -> memref<40x128xi32, #tpu.memory_space<hbm>>
      tpu.wait_dma2 semaphore(%run_scoped3A : memref<!tpu.dma_semaphore, #tpu.memory_space<semaphore_mem>>) src(%dma_wait3A_86 : memref<40x128xi32, #tpu.memory_space<hbm>>) dst(%arg8 : memref<40x128xi32, #tpu.memory_space<vmem>>)
      tpu.yield
    }) : () -> ()
    %dma_start3A_46 = arith.constant 0 : i32
    %dma_start3A_47 = arith.constant 0 : i32
    %dma_start3A_48 = tpu.memref_slice %arg7[%dma_start3A_46, %dma_start3A_47] : memref<40x128xi32, #tpu.memory_space<vmem>> -> memref<1x128xi32, #tpu.memory_space<vmem>>
    %dma_start3A_49 = tpu.memref_squeeze %dma_start3A_48 : memref<1x128xi32, #tpu.memory_space<vmem>> -> memref<128xi32, #tpu.memory_space<vmem>>
    %dma_start3A_50 = arith.constant 0 : i32
    %dma_start3A_51 = arith.constant 0 : i32
    %dma_start3A_52 = tpu.memref_slice %arg2[%dma_start3A_50, %dma_start3A_51] : memref<10240x128xbf16, #tpu.memory_space<hbm>> -> memref<10240x128xbf16, #tpu.memory_space<hbm>>
    tpu.enqueue_indirect_dma source(%dma_start3A_52 : memref<10240x128xbf16, #tpu.memory_space<hbm>>) target(%arg9 : memref<128x128xbf16, #tpu.memory_space<vmem>>) offsets(%dma_start3A_49 : memref<128xi32, #tpu.memory_space<vmem>>) semaphore(%arg11 : memref<!tpu.dma_semaphore, #tpu.memory_space<semaphore_mem>>)
    %scan3A_53 = arith.constant 0 : i32
    %scan3A_54 = arith.constant 0 : i32
    %scan3A_55 = arith.constant 20 : i32
    %scan3A_56 = arith.addi %scan3A_54, %scan3A_55 : i32
    %scan3A_57 = arith.constant 1 : i32
    scf.for %scan3A_80 = %scan3A_54 to %scan3A_56 step %scan3A_57  : i32 {
      %mul3A_81 = arith.constant 2 : i32
      %mul3A_82 = arith.muli %mul3A_81, %scan3A_80 : i32
      %add3A_83 = arith.constant 1 : i32
      %add3A_84 = arith.addi %mul3A_82, %add3A_83 : i32
      %dma_start3A_85 = arith.constant 0 : i32
      %dma_start3A_86 = tpu.memref_slice %arg7[%add3A_84, %dma_start3A_85] : memref<40x128xi32, #tpu.memory_space<vmem>> -> memref<1x128xi32, #tpu.memory_space<vmem>>
      %dma_start3A_87 = tpu.memref_squeeze %dma_start3A_86 : memref<1x128xi32, #tpu.memory_space<vmem>> -> memref<128xi32, #tpu.memory_space<vmem>>
      %dma_start3A_88 = arith.constant 0 : i32
      %dma_start3A_89 = arith.constant 0 : i32
      %dma_start3A_90 = tpu.memref_slice %arg2[%dma_start3A_88, %dma_start3A_89] : memref<10240x128xbf16, #tpu.memory_space<hbm>> -> memref<10240x128xbf16, #tpu.memory_space<hbm>>
      tpu.enqueue_indirect_dma source(%dma_start3A_90 : memref<10240x128xbf16, #tpu.memory_space<hbm>>) target(%arg10 : memref<128x128xbf16, #tpu.memory_space<vmem>>) offsets(%dma_start3A_87 : memref<128xi32, #tpu.memory_space<vmem>>) semaphore(%arg12 : memref<!tpu.dma_semaphore, #tpu.memory_space<semaphore_mem>>)
      %dma_wait3A = arith.constant 0 : i32
      %dma_wait3A_91 = tpu.memref_slice %arg7[%mul3A_82, %dma_wait3A] : memref<40x128xi32, #tpu.memory_space<vmem>> -> memref<1x128xi32, #tpu.memory_space<vmem>>
      %dma_wait3A_92 = tpu.memref_squeeze %dma_wait3A_91 : memref<1x128xi32, #tpu.memory_space<vmem>> -> memref<128xi32, #tpu.memory_space<vmem>>
      %dma_wait3A_93 = arith.constant 0 : i32
      %dma_wait3A_94 = arith.constant 0 : i32
      %dma_wait3A_95 = tpu.memref_slice %arg2[%dma_wait3A_93, %dma_wait3A_94] : memref<10240x128xbf16, #tpu.memory_space<hbm>> -> memref<10240x128xbf16, #tpu.memory_space<hbm>>
      tpu.wait_indirect_dma semaphore(%arg11 : memref<!tpu.dma_semaphore, #tpu.memory_space<semaphore_mem>>) src(%dma_wait3A_95 : memref<10240x128xbf16, #tpu.memory_space<hbm>>) dst(%arg9 : memref<128x128xbf16, #tpu.memory_space<vmem>>)
      "tpu.region"() ({
        %run_scoped3A = tpu.sem_alloc : memref<!tpu.dma_semaphore, #tpu.memory_space<semaphore_mem>>
        %dma_start3A_108 = arith.constant 0 : i32
        %dma_start3A_109 = tpu.memref_slice %arg8[%mul3A_82, %dma_start3A_108] : memref<40x128xi32, #tpu.memory_space<vmem>> -> memref<1x128xi32, #tpu.memory_space<vmem>>
        %dma_start3A_110 = tpu.memref_squeeze %dma_start3A_109 : memref<1x128xi32, #tpu.memory_space<vmem>> -> memref<128xi32, #tpu.memory_space<vmem>>
        %dma_start3A_111 = arith.constant 0 : i32
        %dma_start3A_112 = arith.constant 0 : i32
        %dma_start3A_113 = tpu.memref_slice %arg6[%dma_start3A_111, %dma_start3A_112] : memref<10240x128xbf16, #tpu.memory_space<vmem_shared>> -> memref<10240x128xbf16, #tpu.memory_space<vmem_shared>>
        tpu.enqueue_indirect_dma source(%arg9 : memref<128x128xbf16, #tpu.memory_space<vmem>>) target(%dma_start3A_113 : memref<10240x128xbf16, #tpu.memory_space<vmem_shared>>) offsets(%dma_start3A_110 : memref<128xi32, #tpu.memory_space<vmem>>) semaphore(%run_scoped3A : memref<!tpu.dma_semaphore, #tpu.memory_space<semaphore_mem>>) {add = true}
        %dma_wait3A_114 = arith.constant 0 : i32
        %dma_wait3A_115 = tpu.memref_slice %arg8[%mul3A_82, %dma_wait3A_114] : memref<40x128xi32, #tpu.memory_space<vmem>> -> memref<1x128xi32, #tpu.memory_space<vmem>>
        %dma_wait3A_116 = tpu.memref_squeeze %dma_wait3A_115 : memref<1x128xi32, #tpu.memory_space<vmem>> -> memref<128xi32, #tpu.memory_space<vmem>>
        %dma_wait3A_117 = arith.constant 0 : i32
        %dma_wait3A_118 = arith.constant 0 : i32
        %dma_wait3A_119 = tpu.memref_slice %arg6[%dma_wait3A_117, %dma_wait3A_118] : memref<10240x128xbf16, #tpu.memory_space<vmem_shared>> -> memref<10240x128xbf16, #tpu.memory_space<vmem_shared>>
        tpu.wait_indirect_dma semaphore(%run_scoped3A : memref<!tpu.dma_semaphore, #tpu.memory_space<semaphore_mem>>) src(%arg9 : memref<128x128xbf16, #tpu.memory_space<vmem>>) dst(%dma_wait3A_119 : memref<10240x128xbf16, #tpu.memory_space<vmem_shared>>)
        tpu.yield
      }) : () -> ()
      %lt3A = arith.constant 19 : i32
      %lt3A_96 = arith.cmpi slt, %scan3A_80, %lt3A : i32
      %convert_element_type3A = arith.extui %lt3A_96 : i1 to i32
      %cond3A = arith.constant 0 : i32
      %cond3A_97 = arith.cmpi ne, %convert_element_type3A, %cond3A : i32
      scf.if %cond3A_97 {
        %add3A_108 = arith.constant 2 : i32
        %add3A_109 = arith.addi %mul3A_82, %add3A_108 : i32
        %dma_start3A_110 = arith.constant 0 : i32
        %dma_start3A_111 = tpu.memref_slice %arg7[%add3A_109, %dma_start3A_110] : memref<40x128xi32, #tpu.memory_space<vmem>> -> memref<1x128xi32, #tpu.memory_space<vmem>>
        %dma_start3A_112 = tpu.memref_squeeze %dma_start3A_111 : memref<1x128xi32, #tpu.memory_space<vmem>> -> memref<128xi32, #tpu.memory_space<vmem>>
        %dma_start3A_113 = arith.constant 0 : i32
        %dma_start3A_114 = arith.constant 0 : i32
        %dma_start3A_115 = tpu.memref_slice %arg2[%dma_start3A_113, %dma_start3A_114] : memref<10240x128xbf16, #tpu.memory_space<hbm>> -> memref<10240x128xbf16, #tpu.memory_space<hbm>>
        tpu.enqueue_indirect_dma source(%dma_start3A_115 : memref<10240x128xbf16, #tpu.memory_space<hbm>>) target(%arg9 : memref<128x128xbf16, #tpu.memory_space<vmem>>) offsets(%dma_start3A_112 : memref<128xi32, #tpu.memory_space<vmem>>) semaphore(%arg11 : memref<!tpu.dma_semaphore, #tpu.memory_space<semaphore_mem>>)
      } else {
      }
      %add3A_98 = arith.constant 1 : i32
      %add3A_99 = arith.addi %mul3A_82, %add3A_98 : i32
      %dma_wait3A_100 = arith.constant 0 : i32
      %dma_wait3A_101 = tpu.memref_slice %arg7[%add3A_99, %dma_wait3A_100] : memref<40x128xi32, #tpu.memory_space<vmem>> -> memref<1x128xi32, #tpu.memory_space<vmem>>
      %dma_wait3A_102 = tpu.memref_squeeze %dma_wait3A_101 : memref<1x128xi32, #tpu.memory_space<vmem>> -> memref<128xi32, #tpu.memory_space<vmem>>
      %dma_wait3A_103 = arith.constant 0 : i32
      %dma_wait3A_104 = arith.constant 0 : i32
      %dma_wait3A_105 = tpu.memref_slice %arg2[%dma_wait3A_103, %dma_wait3A_104] : memref<10240x128xbf16, #tpu.memory_space<hbm>> -> memref<10240x128xbf16, #tpu.memory_space<hbm>>
      tpu.wait_indirect_dma semaphore(%arg12 : memref<!tpu.dma_semaphore, #tpu.memory_space<semaphore_mem>>) src(%dma_wait3A_105 : memref<10240x128xbf16, #tpu.memory_space<hbm>>) dst(%arg10 : memref<128x128xbf16, #tpu.memory_space<vmem>>)
      %add3A_106 = arith.constant 1 : i32
      %add3A_107 = arith.addi %mul3A_82, %add3A_106 : i32
      "tpu.region"() ({
        %run_scoped3A = tpu.sem_alloc : memref<!tpu.dma_semaphore, #tpu.memory_space<semaphore_mem>>
        %dma_start3A_108 = arith.constant 0 : i32
        %dma_start3A_109 = tpu.memref_slice %arg8[%add3A_107, %dma_start3A_108] : memref<40x128xi32, #tpu.memory_space<vmem>> -> memref<1x128xi32, #tpu.memory_space<vmem>>
        %dma_start3A_110 = tpu.memref_squeeze %dma_start3A_109 : memref<1x128xi32, #tpu.memory_space<vmem>> -> memref<128xi32, #tpu.memory_space<vmem>>
        %dma_start3A_111 = arith.constant 0 : i32
        %dma_start3A_112 = arith.constant 0 : i32
        %dma_start3A_113 = tpu.memref_slice %arg6[%dma_start3A_111, %dma_start3A_112] : memref<10240x128xbf16, #tpu.memory_space<vmem_shared>> -> memref<10240x128xbf16, #tpu.memory_space<vmem_shared>>
        tpu.enqueue_indirect_dma source(%arg10 : memref<128x128xbf16, #tpu.memory_space<vmem>>) target(%dma_start3A_113 : memref<10240x128xbf16, #tpu.memory_space<vmem_shared>>) offsets(%dma_start3A_110 : memref<128xi32, #tpu.memory_space<vmem>>) semaphore(%run_scoped3A : memref<!tpu.dma_semaphore, #tpu.memory_space<semaphore_mem>>) {add = true}
        %dma_wait3A_114 = arith.constant 0 : i32
        %dma_wait3A_115 = tpu.memref_slice %arg8[%add3A_107, %dma_wait3A_114] : memref<40x128xi32, #tpu.memory_space<vmem>> -> memref<1x128xi32, #tpu.memory_space<vmem>>
        %dma_wait3A_116 = tpu.memref_squeeze %dma_wait3A_115 : memref<1x128xi32, #tpu.memory_space<vmem>> -> memref<128xi32, #tpu.memory_space<vmem>>
        %dma_wait3A_117 = arith.constant 0 : i32
        %dma_wait3A_118 = arith.constant 0 : i32
        %dma_wait3A_119 = tpu.memref_slice %arg6[%dma_wait3A_117, %dma_wait3A_118] : memref<10240x128xbf16, #tpu.memory_space<vmem_shared>> -> memref<10240x128xbf16, #tpu.memory_space<vmem_shared>>
        tpu.wait_indirect_dma semaphore(%run_scoped3A : memref<!tpu.dma_semaphore, #tpu.memory_space<semaphore_mem>>) src(%arg10 : memref<128x128xbf16, #tpu.memory_space<vmem>>) dst(%dma_wait3A_119 : memref<10240x128xbf16, #tpu.memory_space<vmem_shared>>)
        tpu.yield
      }) : () -> ()
    }
    %scan3A_58 = arith.constant 20 : i32
    %barrier3A_59 = arith.constant 0 : index
    tpu.barrier barrier_id(%barrier3A_59)
    %mul3A_60 = arith.constant 640 : i32
    %mul3A_61 = arith.muli %arg1, %mul3A_60 : i32
    %add3A_62 = arith.constant 0 : i32
    %add3A_63 = arith.addi %mul3A_61, %add3A_62 : i32
    "tpu.region"() ({
      %run_scoped3A = tpu.sem_alloc : memref<!tpu.dma_semaphore, #tpu.memory_space<semaphore_mem>>
      %dma_start3A_80 = arith.constant 0 : i32
      %dma_start3A_81 = tpu.memref_slice %arg6[%add3A_63, %dma_start3A_80] : memref<10240x128xbf16, #tpu.memory_space<vmem_shared>> -> memref<128x128xbf16, #tpu.memory_space<vmem_shared>>
      %dma_start3A_82 = arith.constant 0 : i32
      %dma_start3A_83 = tpu.memref_slice %arg6[%add3A_63, %dma_start3A_82] : memref<10240x128xbf16, #tpu.memory_space<vmem_shared>> -> memref<128x128xbf16, #tpu.memory_space<vmem_shared>>
      tpu.enqueue_dma source(%dma_start3A_83 : memref<128x128xbf16, #tpu.memory_space<vmem_shared>>) target(%arg9 : memref<128x128xbf16, #tpu.memory_space<vmem>>) target_semaphore(%run_scoped3A : memref<!tpu.dma_semaphore, #tpu.memory_space<semaphore_mem>>)
      %dma_wait3A = arith.constant 0 : i32
      %dma_wait3A_84 = tpu.memref_slice %arg6[%add3A_63, %dma_wait3A] : memref<10240x128xbf16, #tpu.memory_space<vmem_shared>> -> memref<128x128xbf16, #tpu.memory_space<vmem_shared>>
      %dma_wait3A_85 = arith.constant 0 : i32
      %dma_wait3A_86 = tpu.memref_slice %arg6[%add3A_63, %dma_wait3A_85] : memref<10240x128xbf16, #tpu.memory_space<vmem_shared>> -> memref<128x128xbf16, #tpu.memory_space<vmem_shared>>
      tpu.wait_dma2 semaphore(%run_scoped3A : memref<!tpu.dma_semaphore, #tpu.memory_space<semaphore_mem>>) src(%dma_wait3A_86 : memref<128x128xbf16, #tpu.memory_space<vmem_shared>>) dst(%arg9 : memref<128x128xbf16, #tpu.memory_space<vmem>>)
      tpu.yield
    }) : () -> ()
    "tpu.region"() ({
      %run_scoped3A = tpu.sem_alloc : memref<!tpu.dma_semaphore, #tpu.memory_space<semaphore_mem>>
      %dma_start3A_80 = arith.constant 0 : i32
      %dma_start3A_81 = tpu.memref_slice %arg5[%arg0, %add3A_63, %dma_start3A_80] : memref<2x10240x128xbf16, #tpu.memory_space<hbm>> -> memref<1x128x128xbf16, #tpu.memory_space<hbm>>
      %dma_start3A_82 = tpu.memref_squeeze %dma_start3A_81 : memref<1x128x128xbf16, #tpu.memory_space<hbm>> -> memref<128x128xbf16, #tpu.memory_space<hbm>>
      %dma_start3A_83 = arith.constant 0 : i32
      %dma_start3A_84 = tpu.memref_slice %arg5[%arg0, %add3A_63, %dma_start3A_83] : memref<2x10240x128xbf16, #tpu.memory_space<hbm>> -> memref<1x128x128xbf16, #tpu.memory_space<hbm>>
      %dma_start3A_85 = tpu.memref_squeeze %dma_start3A_84 : memref<1x128x128xbf16, #tpu.memory_space<hbm>> -> memref<128x128xbf16, #tpu.memory_space<hbm>>
      tpu.enqueue_dma source(%arg9 : memref<128x128xbf16, #tpu.memory_space<vmem>>) target(%dma_start3A_85 : memref<128x128xbf16, #tpu.memory_space<hbm>>) target_semaphore(%run_scoped3A : memref<!tpu.dma_semaphore, #tpu.memory_space<semaphore_mem>>)
      %dma_wait3A = arith.constant 0 : i32
      %dma_wait3A_86 = tpu.memref_slice %arg5[%arg0, %add3A_63, %dma_wait3A] : memref<2x10240x128xbf16, #tpu.memory_space<hbm>> -> memref<1x128x128xbf16, #tpu.memory_space<hbm>>
      %dma_wait3A_87 = tpu.memref_squeeze %dma_wait3A_86 : memref<1x128x128xbf16, #tpu.memory_space<hbm>> -> memref<128x128xbf16, #tpu.memory_space<hbm>>
      %dma_wait3A_88 = arith.constant 0 : i32
      %dma_wait3A_89 = tpu.memref_slice %arg5[%arg0, %add3A_63, %dma_wait3A_88] : memref<2x10240x128xbf16, #tpu.memory_space<hbm>> -> memref<1x128x128xbf16, #tpu.memory_space<hbm>>
      %dma_wait3A_90 = tpu.memref_squeeze %dma_wait3A_89 : memref<1x128x128xbf16, #tpu.memory_space<hbm>> -> memref<128x128xbf16, #tpu.memory_space<hbm>>
      tpu.wait_dma2 semaphore(%run_scoped3A : memref<!tpu.dma_semaphore, #tpu.memory_space<semaphore_mem>>) src(%arg9 : memref<128x128xbf16, #tpu.memory_space<vmem>>) dst(%dma_wait3A_90 : memref<128x128xbf16, #tpu.memory_space<hbm>>)
      tpu.yield
    }) : () -> ()
    %mul3A_64 = arith.constant 640 : i32
    %mul3A_65 = arith.muli %arg1, %mul3A_64 : i32
    %add3A_66 = arith.constant 128 : i32
    %add3A_67 = arith.addi %mul3A_65, %add3A_66 : i32
    "tpu.region"() ({
      %run_scoped3A = tpu.sem_alloc : memref<!tpu.dma_semaphore, #tpu.memory_space<semaphore_mem>>
      %dma_start3A_80 = arith.constant 0 : i32
      %dma_start3A_81 = tpu.memref_slice %arg6[%add3A_67, %dma_start3A_80] : memref<10240x128xbf16, #tpu.memory_space<vmem_shared>> -> memref<128x128xbf16, #tpu.memory_space<vmem_shared>>
      %dma_start3A_82 = arith.constant 0 : i32
      %dma_start3A_83 = tpu.memref_slice %arg6[%add3A_67, %dma_start3A_82] : memref<10240x128xbf16, #tpu.memory_space<vmem_shared>> -> memref<128x128xbf16, #tpu.memory_space<vmem_shared>>
      tpu.enqueue_dma source(%dma_start3A_83 : memref<128x128xbf16, #tpu.memory_space<vmem_shared>>) target(%arg9 : memref<128x128xbf16, #tpu.memory_space<vmem>>) target_semaphore(%run_scoped3A : memref<!tpu.dma_semaphore, #tpu.memory_space<semaphore_mem>>)
      %dma_wait3A = arith.constant 0 : i32
      %dma_wait3A_84 = tpu.memref_slice %arg6[%add3A_67, %dma_wait3A] : memref<10240x128xbf16, #tpu.memory_space<vmem_shared>> -> memref<128x128xbf16, #tpu.memory_space<vmem_shared>>
      %dma_wait3A_85 = arith.constant 0 : i32
      %dma_wait3A_86 = tpu.memref_slice %arg6[%add3A_67, %dma_wait3A_85] : memref<10240x128xbf16, #tpu.memory_space<vmem_shared>> -> memref<128x128xbf16, #tpu.memory_space<vmem_shared>>
      tpu.wait_dma2 semaphore(%run_scoped3A : memref<!tpu.dma_semaphore, #tpu.memory_space<semaphore_mem>>) src(%dma_wait3A_86 : memref<128x128xbf16, #tpu.memory_space<vmem_shared>>) dst(%arg9 : memref<128x128xbf16, #tpu.memory_space<vmem>>)
      tpu.yield
    }) : () -> ()
    "tpu.region"() ({
      %run_scoped3A = tpu.sem_alloc : memref<!tpu.dma_semaphore, #tpu.memory_space<semaphore_mem>>
      %dma_start3A_80 = arith.constant 0 : i32
      %dma_start3A_81 = tpu.memref_slice %arg5[%arg0, %add3A_67, %dma_start3A_80] : memref<2x10240x128xbf16, #tpu.memory_space<hbm>> -> memref<1x128x128xbf16, #tpu.memory_space<hbm>>
      %dma_start3A_82 = tpu.memref_squeeze %dma_start3A_81 : memref<1x128x128xbf16, #tpu.memory_space<hbm>> -> memref<128x128xbf16, #tpu.memory_space<hbm>>
      %dma_start3A_83 = arith.constant 0 : i32
      %dma_start3A_84 = tpu.memref_slice %arg5[%arg0, %add3A_67, %dma_start3A_83] : memref<2x10240x128xbf16, #tpu.memory_space<hbm>> -> memref<1x128x128xbf16, #tpu.memory_space<hbm>>
      %dma_start3A_85 = tpu.memref_squeeze %dma_start3A_84 : memref<1x128x128xbf16, #tpu.memory_space<hbm>> -> memref<128x128xbf16, #tpu.memory_space<hbm>>
      tpu.enqueue_dma source(%arg9 : memref<128x128xbf16, #tpu.memory_space<vmem>>) target(%dma_start3A_85 : memref<128x128xbf16, #tpu.memory_space<hbm>>) target_semaphore(%run_scoped3A : memref<!tpu.dma_semaphore, #tpu.memory_space<semaphore_mem>>)
      %dma_wait3A = arith.constant 0 : i32
      %dma_wait3A_86 = tpu.memref_slice %arg5[%arg0, %add3A_67, %dma_wait3A] : memref<2x10240x128xbf16, #tpu.memory_space<hbm>> -> memref<1x128x128xbf16, #tpu.memory_space<hbm>>
      %dma_wait3A_87 = tpu.memref_squeeze %dma_wait3A_86 : memref<1x128x128xbf16, #tpu.memory_space<hbm>> -> memref<128x128xbf16, #tpu.memory_space<hbm>>
      %dma_wait3A_88 = arith.constant 0 : i32
      %dma_wait3A_89 = tpu.memref_slice %arg5[%arg0, %add3A_67, %dma_wait3A_88] : memref<2x10240x128xbf16, #tpu.memory_space<hbm>> -> memref<1x128x128xbf16, #tpu.memory_space<hbm>>
      %dma_wait3A_90 = tpu.memref_squeeze %dma_wait3A_89 : memref<1x128x128xbf16, #tpu.memory_space<hbm>> -> memref<128x128xbf16, #tpu.memory_space<hbm>>
      tpu.wait_dma2 semaphore(%run_scoped3A : memref<!tpu.dma_semaphore, #tpu.memory_space<semaphore_mem>>) src(%arg9 : memref<128x128xbf16, #tpu.memory_space<vmem>>) dst(%dma_wait3A_90 : memref<128x128xbf16, #tpu.memory_space<hbm>>)
      tpu.yield
    }) : () -> ()
    %mul3A_68 = arith.constant 640 : i32
    %mul3A_69 = arith.muli %arg1, %mul3A_68 : i32
    %add3A_70 = arith.constant 256 : i32
    %add3A_71 = arith.addi %mul3A_69, %add3A_70 : i32
    "tpu.region"() ({
      %run_scoped3A = tpu.sem_alloc : memref<!tpu.dma_semaphore, #tpu.memory_space<semaphore_mem>>
      %dma_start3A_80 = arith.constant 0 : i32
      %dma_start3A_81 = tpu.memref_slice %arg6[%add3A_71, %dma_start3A_80] : memref<10240x128xbf16, #tpu.memory_space<vmem_shared>> -> memref<128x128xbf16, #tpu.memory_space<vmem_shared>>
      %dma_start3A_82 = arith.constant 0 : i32
      %dma_start3A_83 = tpu.memref_slice %arg6[%add3A_71, %dma_start3A_82] : memref<10240x128xbf16, #tpu.memory_space<vmem_shared>> -> memref<128x128xbf16, #tpu.memory_space<vmem_shared>>
      tpu.enqueue_dma source(%dma_start3A_83 : memref<128x128xbf16, #tpu.memory_space<vmem_shared>>) target(%arg9 : memref<128x128xbf16, #tpu.memory_space<vmem>>) target_semaphore(%run_scoped3A : memref<!tpu.dma_semaphore, #tpu.memory_space<semaphore_mem>>)
      %dma_wait3A = arith.constant 0 : i32
      %dma_wait3A_84 = tpu.memref_slice %arg6[%add3A_71, %dma_wait3A] : memref<10240x128xbf16, #tpu.memory_space<vmem_shared>> -> memref<128x128xbf16, #tpu.memory_space<vmem_shared>>
      %dma_wait3A_85 = arith.constant 0 : i32
      %dma_wait3A_86 = tpu.memref_slice %arg6[%add3A_71, %dma_wait3A_85] : memref<10240x128xbf16, #tpu.memory_space<vmem_shared>> -> memref<128x128xbf16, #tpu.memory_space<vmem_shared>>
      tpu.wait_dma2 semaphore(%run_scoped3A : memref<!tpu.dma_semaphore, #tpu.memory_space<semaphore_mem>>) src(%dma_wait3A_86 : memref<128x128xbf16, #tpu.memory_space<vmem_shared>>) dst(%arg9 : memref<128x128xbf16, #tpu.memory_space<vmem>>)
      tpu.yield
    }) : () -> ()
    "tpu.region"() ({
      %run_scoped3A = tpu.sem_alloc : memref<!tpu.dma_semaphore, #tpu.memory_space<semaphore_mem>>
      %dma_start3A_80 = arith.constant 0 : i32
      %dma_start3A_81 = tpu.memref_slice %arg5[%arg0, %add3A_71, %dma_start3A_80] : memref<2x10240x128xbf16, #tpu.memory_space<hbm>> -> memref<1x128x128xbf16, #tpu.memory_space<hbm>>
      %dma_start3A_82 = tpu.memref_squeeze %dma_start3A_81 : memref<1x128x128xbf16, #tpu.memory_space<hbm>> -> memref<128x128xbf16, #tpu.memory_space<hbm>>
      %dma_start3A_83 = arith.constant 0 : i32
      %dma_start3A_84 = tpu.memref_slice %arg5[%arg0, %add3A_71, %dma_start3A_83] : memref<2x10240x128xbf16, #tpu.memory_space<hbm>> -> memref<1x128x128xbf16, #tpu.memory_space<hbm>>
      %dma_start3A_85 = tpu.memref_squeeze %dma_start3A_84 : memref<1x128x128xbf16, #tpu.memory_space<hbm>> -> memref<128x128xbf16, #tpu.memory_space<hbm>>
      tpu.enqueue_dma source(%arg9 : memref<128x128xbf16, #tpu.memory_space<vmem>>) target(%dma_start3A_85 : memref<128x128xbf16, #tpu.memory_space<hbm>>) target_semaphore(%run_scoped3A : memref<!tpu.dma_semaphore, #tpu.memory_space<semaphore_mem>>)
      %dma_wait3A = arith.constant 0 : i32
      %dma_wait3A_86 = tpu.memref_slice %arg5[%arg0, %add3A_71, %dma_wait3A] : memref<2x10240x128xbf16, #tpu.memory_space<hbm>> -> memref<1x128x128xbf16, #tpu.memory_space<hbm>>
      %dma_wait3A_87 = tpu.memref_squeeze %dma_wait3A_86 : memref<1x128x128xbf16, #tpu.memory_space<hbm>> -> memref<128x128xbf16, #tpu.memory_space<hbm>>
      %dma_wait3A_88 = arith.constant 0 : i32
      %dma_wait3A_89 = tpu.memref_slice %arg5[%arg0, %add3A_71, %dma_wait3A_88] : memref<2x10240x128xbf16, #tpu.memory_space<hbm>> -> memref<1x128x128xbf16, #tpu.memory_space<hbm>>
      %dma_wait3A_90 = tpu.memref_squeeze %dma_wait3A_89 : memref<1x128x128xbf16, #tpu.memory_space<hbm>> -> memref<128x128xbf16, #tpu.memory_space<hbm>>
      tpu.wait_dma2 semaphore(%run_scoped3A : memref<!tpu.dma_semaphore, #tpu.memory_space<semaphore_mem>>) src(%arg9 : memref<128x128xbf16, #tpu.memory_space<vmem>>) dst(%dma_wait3A_90 : memref<128x128xbf16, #tpu.memory_space<hbm>>)
      tpu.yield
    }) : () -> ()
    %mul3A_72 = arith.constant 640 : i32
    %mul3A_73 = arith.muli %arg1, %mul3A_72 : i32
    %add3A_74 = arith.constant 384 : i32
    %add3A_75 = arith.addi %mul3A_73, %add3A_74 : i32
    "tpu.region"() ({
      %run_scoped3A = tpu.sem_alloc : memref<!tpu.dma_semaphore, #tpu.memory_space<semaphore_mem>>
      %dma_start3A_80 = arith.constant 0 : i32
      %dma_start3A_81 = tpu.memref_slice %arg6[%add3A_75, %dma_start3A_80] : memref<10240x128xbf16, #tpu.memory_space<vmem_shared>> -> memref<128x128xbf16, #tpu.memory_space<vmem_shared>>
      %dma_start3A_82 = arith.constant 0 : i32
      %dma_start3A_83 = tpu.memref_slice %arg6[%add3A_75, %dma_start3A_82] : memref<10240x128xbf16, #tpu.memory_space<vmem_shared>> -> memref<128x128xbf16, #tpu.memory_space<vmem_shared>>
      tpu.enqueue_dma source(%dma_start3A_83 : memref<128x128xbf16, #tpu.memory_space<vmem_shared>>) target(%arg9 : memref<128x128xbf16, #tpu.memory_space<vmem>>) target_semaphore(%run_scoped3A : memref<!tpu.dma_semaphore, #tpu.memory_space<semaphore_mem>>)
      %dma_wait3A = arith.constant 0 : i32
      %dma_wait3A_84 = tpu.memref_slice %arg6[%add3A_75, %dma_wait3A] : memref<10240x128xbf16, #tpu.memory_space<vmem_shared>> -> memref<128x128xbf16, #tpu.memory_space<vmem_shared>>
      %dma_wait3A_85 = arith.constant 0 : i32
      %dma_wait3A_86 = tpu.memref_slice %arg6[%add3A_75, %dma_wait3A_85] : memref<10240x128xbf16, #tpu.memory_space<vmem_shared>> -> memref<128x128xbf16, #tpu.memory_space<vmem_shared>>
      tpu.wait_dma2 semaphore(%run_scoped3A : memref<!tpu.dma_semaphore, #tpu.memory_space<semaphore_mem>>) src(%dma_wait3A_86 : memref<128x128xbf16, #tpu.memory_space<vmem_shared>>) dst(%arg9 : memref<128x128xbf16, #tpu.memory_space<vmem>>)
      tpu.yield
    }) : () -> ()
    "tpu.region"() ({
      %run_scoped3A = tpu.sem_alloc : memref<!tpu.dma_semaphore, #tpu.memory_space<semaphore_mem>>
      %dma_start3A_80 = arith.constant 0 : i32
      %dma_start3A_81 = tpu.memref_slice %arg5[%arg0, %add3A_75, %dma_start3A_80] : memref<2x10240x128xbf16, #tpu.memory_space<hbm>> -> memref<1x128x128xbf16, #tpu.memory_space<hbm>>
      %dma_start3A_82 = tpu.memref_squeeze %dma_start3A_81 : memref<1x128x128xbf16, #tpu.memory_space<hbm>> -> memref<128x128xbf16, #tpu.memory_space<hbm>>
      %dma_start3A_83 = arith.constant 0 : i32
      %dma_start3A_84 = tpu.memref_slice %arg5[%arg0, %add3A_75, %dma_start3A_83] : memref<2x10240x128xbf16, #tpu.memory_space<hbm>> -> memref<1x128x128xbf16, #tpu.memory_space<hbm>>
      %dma_start3A_85 = tpu.memref_squeeze %dma_start3A_84 : memref<1x128x128xbf16, #tpu.memory_space<hbm>> -> memref<128x128xbf16, #tpu.memory_space<hbm>>
      tpu.enqueue_dma source(%arg9 : memref<128x128xbf16, #tpu.memory_space<vmem>>) target(%dma_start3A_85 : memref<128x128xbf16, #tpu.memory_space<hbm>>) target_semaphore(%run_scoped3A : memref<!tpu.dma_semaphore, #tpu.memory_space<semaphore_mem>>)
      %dma_wait3A = arith.constant 0 : i32
      %dma_wait3A_86 = tpu.memref_slice %arg5[%arg0, %add3A_75, %dma_wait3A] : memref<2x10240x128xbf16, #tpu.memory_space<hbm>> -> memref<1x128x128xbf16, #tpu.memory_space<hbm>>
      %dma_wait3A_87 = tpu.memref_squeeze %dma_wait3A_86 : memref<1x128x128xbf16, #tpu.memory_space<hbm>> -> memref<128x128xbf16, #tpu.memory_space<hbm>>
      %dma_wait3A_88 = arith.constant 0 : i32
      %dma_wait3A_89 = tpu.memref_slice %arg5[%arg0, %add3A_75, %dma_wait3A_88] : memref<2x10240x128xbf16, #tpu.memory_space<hbm>> -> memref<1x128x128xbf16, #tpu.memory_space<hbm>>
      %dma_wait3A_90 = tpu.memref_squeeze %dma_wait3A_89 : memref<1x128x128xbf16, #tpu.memory_space<hbm>> -> memref<128x128xbf16, #tpu.memory_space<hbm>>
      tpu.wait_dma2 semaphore(%run_scoped3A : memref<!tpu.dma_semaphore, #tpu.memory_space<semaphore_mem>>) src(%arg9 : memref<128x128xbf16, #tpu.memory_space<vmem>>) dst(%dma_wait3A_90 : memref<128x128xbf16, #tpu.memory_space<hbm>>)
      tpu.yield
    }) : () -> ()
    %mul3A_76 = arith.constant 640 : i32
    %mul3A_77 = arith.muli %arg1, %mul3A_76 : i32
    %add3A_78 = arith.constant 512 : i32
    %add3A_79 = arith.addi %mul3A_77, %add3A_78 : i32
    "tpu.region"() ({
      %run_scoped3A = tpu.sem_alloc : memref<!tpu.dma_semaphore, #tpu.memory_space<semaphore_mem>>
      %dma_start3A_80 = arith.constant 0 : i32
      %dma_start3A_81 = tpu.memref_slice %arg6[%add3A_79, %dma_start3A_80] : memref<10240x128xbf16, #tpu.memory_space<vmem_shared>> -> memref<128x128xbf16, #tpu.memory_space<vmem_shared>>
      %dma_start3A_82 = arith.constant 0 : i32
      %dma_start3A_83 = tpu.memref_slice %arg6[%add3A_79, %dma_start3A_82] : memref<10240x128xbf16, #tpu.memory_space<vmem_shared>> -> memref<128x128xbf16, #tpu.memory_space<vmem_shared>>
      tpu.enqueue_dma source(%dma_start3A_83 : memref<128x128xbf16, #tpu.memory_space<vmem_shared>>) target(%arg9 : memref<128x128xbf16, #tpu.memory_space<vmem>>) target_semaphore(%run_scoped3A : memref<!tpu.dma_semaphore, #tpu.memory_space<semaphore_mem>>)
      %dma_wait3A = arith.constant 0 : i32
      %dma_wait3A_84 = tpu.memref_slice %arg6[%add3A_79, %dma_wait3A] : memref<10240x128xbf16, #tpu.memory_space<vmem_shared>> -> memref<128x128xbf16, #tpu.memory_space<vmem_shared>>
      %dma_wait3A_85 = arith.constant 0 : i32
      %dma_wait3A_86 = tpu.memref_slice %arg6[%add3A_79, %dma_wait3A_85] : memref<10240x128xbf16, #tpu.memory_space<vmem_shared>> -> memref<128x128xbf16, #tpu.memory_space<vmem_shared>>
      tpu.wait_dma2 semaphore(%run_scoped3A : memref<!tpu.dma_semaphore, #tpu.memory_space<semaphore_mem>>) src(%dma_wait3A_86 : memref<128x128xbf16, #tpu.memory_space<vmem_shared>>) dst(%arg9 : memref<128x128xbf16, #tpu.memory_space<vmem>>)
      tpu.yield
    }) : () -> ()
    "tpu.region"() ({
      %run_scoped3A = tpu.sem_alloc : memref<!tpu.dma_semaphore, #tpu.memory_space<semaphore_mem>>
      %dma_start3A_80 = arith.constant 0 : i32
      %dma_start3A_81 = tpu.memref_slice %arg5[%arg0, %add3A_79, %dma_start3A_80] : memref<2x10240x128xbf16, #tpu.memory_space<hbm>> -> memref<1x128x128xbf16, #tpu.memory_space<hbm>>
      %dma_start3A_82 = tpu.memref_squeeze %dma_start3A_81 : memref<1x128x128xbf16, #tpu.memory_space<hbm>> -> memref<128x128xbf16, #tpu.memory_space<hbm>>
      %dma_start3A_83 = arith.constant 0 : i32
      %dma_start3A_84 = tpu.memref_slice %arg5[%arg0, %add3A_79, %dma_start3A_83] : memref<2x10240x128xbf16, #tpu.memory_space<hbm>> -> memref<1x128x128xbf16, #tpu.memory_space<hbm>>
      %dma_start3A_85 = tpu.memref_squeeze %dma_start3A_84 : memref<1x128x128xbf16, #tpu.memory_space<hbm>> -> memref<128x128xbf16, #tpu.memory_space<hbm>>
      tpu.enqueue_dma source(%arg9 : memref<128x128xbf16, #tpu.memory_space<vmem>>) target(%dma_start3A_85 : memref<128x128xbf16, #tpu.memory_space<hbm>>) target_semaphore(%run_scoped3A : memref<!tpu.dma_semaphore, #tpu.memory_space<semaphore_mem>>)
      %dma_wait3A = arith.constant 0 : i32
      %dma_wait3A_86 = tpu.memref_slice %arg5[%arg0, %add3A_79, %dma_wait3A] : memref<2x10240x128xbf16, #tpu.memory_space<hbm>> -> memref<1x128x128xbf16, #tpu.memory_space<hbm>>
      %dma_wait3A_87 = tpu.memref_squeeze %dma_wait3A_86 : memref<1x128x128xbf16, #tpu.memory_space<hbm>> -> memref<128x128xbf16, #tpu.memory_space<hbm>>
      %dma_wait3A_88 = arith.constant 0 : i32
      %dma_wait3A_89 = tpu.memref_slice %arg5[%arg0, %add3A_79, %dma_wait3A_88] : memref<2x10240x128xbf16, #tpu.memory_space<hbm>> -> memref<1x128x128xbf16, #tpu.memory_space<hbm>>
      %dma_wait3A_90 = tpu.memref_squeeze %dma_wait3A_89 : memref<1x128x128xbf16, #tpu.memory_space<hbm>> -> memref<128x128xbf16, #tpu.memory_space<hbm>>
      tpu.wait_dma2 semaphore(%run_scoped3A : memref<!tpu.dma_semaphore, #tpu.memory_space<semaphore_mem>>) src(%arg9 : memref<128x128xbf16, #tpu.memory_space<vmem>>) dst(%dma_wait3A_90 : memref<128x128xbf16, #tpu.memory_space<hbm>>)
      tpu.yield
    }) : () -> ()
    return
  }
}

#map = affine_map<(d0, d1) -> (0, 0)>
module attributes {stable_mosaic.version = 14 : i64} {
  func.func @_deg_kernel(%arg0: i32, %arg1: i32, %arg2: memref<2560x128xi32, #tpu.memory_space<hbm>>, %arg3: memref<2x10240xf32, #tpu.memory_space<hbm>>, %arg4: memref<10240xf32, #tpu.memory_space<vmem_shared>>, %arg5: memref<80x128xi32, #tpu.memory_space<vmem>>, %arg6: memref<128xf32, #tpu.memory_space<vmem>>, %arg7: memref<640xf32, #tpu.memory_space<vmem>>) attributes {dimension_semantics = [#tpu.dimension_semantics<core_parallel>, #tpu.dimension_semantics<subcore_parallel>], iteration_bounds = array<i64: 2, 16>, scalar_prefetch = 0 : i64, scratch_operands = 4 : i64, tpu.core_type = #tpu.core_type<sc_vector_subcore>, window_params = [{transform_indices = #map}, {transform_indices = #map}]} {
    %mul3A = arith.constant 2 : i32
    %mul3A_0 = arith.muli %arg1, %mul3A : i32
    %add3A = arith.addi %mul3A_0, %arg0 : i32
    %broadcast_in_dim3A = arith.constant 1.000000e+00 : f32
    %broadcast_in_dim3A_1 = vector.broadcast %broadcast_in_dim3A : f32 to vector<16xf32>
    %swap3A = arith.constant 0 : index
    %swap3A_2 = tpu.vector_load %arg6[%swap3A] {strides = array<i32>} : memref<128xf32, #tpu.memory_space<vmem>>, vector<16xf32>,
    %swap3A_3 = vector.shape_cast %swap3A_2 : vector<16xf32> to vector<16xf32>
    %swap3A_4 = vector.shape_cast %broadcast_in_dim3A_1 : vector<16xf32> to vector<16xf32>
    tpu.vector_store %arg6[%swap3A], %swap3A_4 {strides = array<i32>} : memref<128xf32, #tpu.memory_space<vmem>>, vector<16xf32>,
    %broadcast_in_dim3A_5 = arith.constant 1.000000e+00 : f32
    %broadcast_in_dim3A_6 = vector.broadcast %broadcast_in_dim3A_5 : f32 to vector<16xf32>
    %swap3A_7 = arith.constant 16 : index
    %swap3A_8 = tpu.vector_load %arg6[%swap3A_7] {strides = array<i32>} : memref<128xf32, #tpu.memory_space<vmem>>, vector<16xf32>,
    %swap3A_9 = vector.shape_cast %swap3A_8 : vector<16xf32> to vector<16xf32>
    %swap3A_10 = vector.shape_cast %broadcast_in_dim3A_6 : vector<16xf32> to vector<16xf32>
    tpu.vector_store %arg6[%swap3A_7], %swap3A_10 {strides = array<i32>} : memref<128xf32, #tpu.memory_space<vmem>>, vector<16xf32>,
    %broadcast_in_dim3A_11 = arith.constant 1.000000e+00 : f32
    %broadcast_in_dim3A_12 = vector.broadcast %broadcast_in_dim3A_11 : f32 to vector<16xf32>
    %swap3A_13 = arith.constant 32 : index
    %swap3A_14 = tpu.vector_load %arg6[%swap3A_13] {strides = array<i32>} : memref<128xf32, #tpu.memory_space<vmem>>, vector<16xf32>,
    %swap3A_15 = vector.shape_cast %swap3A_14 : vector<16xf32> to vector<16xf32>
    %swap3A_16 = vector.shape_cast %broadcast_in_dim3A_12 : vector<16xf32> to vector<16xf32>
    tpu.vector_store %arg6[%swap3A_13], %swap3A_16 {strides = array<i32>} : memref<128xf32, #tpu.memory_space<vmem>>, vector<16xf32>,
    %broadcast_in_dim3A_17 = arith.constant 1.000000e+00 : f32
    %broadcast_in_dim3A_18 = vector.broadcast %broadcast_in_dim3A_17 : f32 to vector<16xf32>
    %swap3A_19 = arith.constant 48 : index
    %swap3A_20 = tpu.vector_load %arg6[%swap3A_19] {strides = array<i32>} : memref<128xf32, #tpu.memory_space<vmem>>, vector<16xf32>,
    %swap3A_21 = vector.shape_cast %swap3A_20 : vector<16xf32> to vector<16xf32>
    %swap3A_22 = vector.shape_cast %broadcast_in_dim3A_18 : vector<16xf32> to vector<16xf32>
    tpu.vector_store %arg6[%swap3A_19], %swap3A_22 {strides = array<i32>} : memref<128xf32, #tpu.memory_space<vmem>>, vector<16xf32>,
    %broadcast_in_dim3A_23 = arith.constant 1.000000e+00 : f32
    %broadcast_in_dim3A_24 = vector.broadcast %broadcast_in_dim3A_23 : f32 to vector<16xf32>
    %swap3A_25 = arith.constant 64 : index
    %swap3A_26 = tpu.vector_load %arg6[%swap3A_25] {strides = array<i32>} : memref<128xf32, #tpu.memory_space<vmem>>, vector<16xf32>,
    %swap3A_27 = vector.shape_cast %swap3A_26 : vector<16xf32> to vector<16xf32>
    %swap3A_28 = vector.shape_cast %broadcast_in_dim3A_24 : vector<16xf32> to vector<16xf32>
    tpu.vector_store %arg6[%swap3A_25], %swap3A_28 {strides = array<i32>} : memref<128xf32, #tpu.memory_space<vmem>>, vector<16xf32>,
    %broadcast_in_dim3A_29 = arith.constant 1.000000e+00 : f32
    %broadcast_in_dim3A_30 = vector.broadcast %broadcast_in_dim3A_29 : f32 to vector<16xf32>
    %swap3A_31 = arith.constant 80 : index
    %swap3A_32 = tpu.vector_load %arg6[%swap3A_31] {strides = array<i32>} : memref<128xf32, #tpu.memory_space<vmem>>, vector<16xf32>,
    %swap3A_33 = vector.shape_cast %swap3A_32 : vector<16xf32> to vector<16xf32>
    %swap3A_34 = vector.shape_cast %broadcast_in_dim3A_30 : vector<16xf32> to vector<16xf32>
    tpu.vector_store %arg6[%swap3A_31], %swap3A_34 {strides = array<i32>} : memref<128xf32, #tpu.memory_space<vmem>>, vector<16xf32>,
    %broadcast_in_dim3A_35 = arith.constant 1.000000e+00 : f32
    %broadcast_in_dim3A_36 = vector.broadcast %broadcast_in_dim3A_35 : f32 to vector<16xf32>
    %swap3A_37 = arith.constant 96 : index
    %swap3A_38 = tpu.vector_load %arg6[%swap3A_37] {strides = array<i32>} : memref<128xf32, #tpu.memory_space<vmem>>, vector<16xf32>,
    %swap3A_39 = vector.shape_cast %swap3A_38 : vector<16xf32> to vector<16xf32>
    %swap3A_40 = vector.shape_cast %broadcast_in_dim3A_36 : vector<16xf32> to vector<16xf32>
    tpu.vector_store %arg6[%swap3A_37], %swap3A_40 {strides = array<i32>} : memref<128xf32, #tpu.memory_space<vmem>>, vector<16xf32>,
    %broadcast_in_dim3A_41 = arith.constant 1.000000e+00 : f32
    %broadcast_in_dim3A_42 = vector.broadcast %broadcast_in_dim3A_41 : f32 to vector<16xf32>
    %swap3A_43 = arith.constant 112 : index
    %swap3A_44 = tpu.vector_load %arg6[%swap3A_43] {strides = array<i32>} : memref<128xf32, #tpu.memory_space<vmem>>, vector<16xf32>,
    %swap3A_45 = vector.shape_cast %swap3A_44 : vector<16xf32> to vector<16xf32>
    %swap3A_46 = vector.shape_cast %broadcast_in_dim3A_42 : vector<16xf32> to vector<16xf32>
    tpu.vector_store %arg6[%swap3A_43], %swap3A_46 {strides = array<i32>} : memref<128xf32, #tpu.memory_space<vmem>>, vector<16xf32>,
    %scan3A = arith.constant 0 : i32
    %scan3A_47 = arith.constant 0 : i32
    %scan3A_48 = arith.constant 40 : i32
    %scan3A_49 = arith.addi %scan3A_47, %scan3A_48 : i32
    %scan3A_50 = arith.constant 1 : i32
    scf.for %scan3A_67 = %scan3A_47 to %scan3A_49 step %scan3A_50  : i32 {
      %broadcast_in_dim3A_68 = arith.constant 0.000000e+00 : f32
      %broadcast_in_dim3A_69 = vector.broadcast %broadcast_in_dim3A_68 : f32 to vector<16xf32>
      %mul3A_70 = arith.constant 16 : i32
      %mul3A_71 = arith.muli %scan3A_67, %mul3A_70 : i32
      %swap3A_72 = arith.index_cast %mul3A_71 : i32 to index
      %swap3A_73 = tpu.vector_load %arg7[%swap3A_72] {strides = array<i32>} : memref<640xf32, #tpu.memory_space<vmem>>, vector<16xf32>,
      %swap3A_74 = vector.shape_cast %swap3A_73 : vector<16xf32> to vector<16xf32>
      %swap3A_75 = vector.shape_cast %broadcast_in_dim3A_69 : vector<16xf32> to vector<16xf32>
      tpu.vector_store %arg7[%swap3A_72], %swap3A_75 {strides = array<i32>} : memref<640xf32, #tpu.memory_space<vmem>>, vector<16xf32>,
    }
    %scan3A_51 = arith.constant 40 : i32
    %mul3A_52 = arith.constant 640 : i32
    %mul3A_53 = arith.muli %arg1, %mul3A_52 : i32
    "tpu.region"() ({
      %run_scoped3A = tpu.sem_alloc : memref<!tpu.dma_semaphore, #tpu.memory_space<semaphore_mem>>
      %dma_start3A = tpu.memref_slice %arg4[%mul3A_53] : memref<10240xf32, #tpu.memory_space<vmem_shared>> -> memref<640xf32, #tpu.memory_space<vmem_shared>>
      %dma_start3A_67 = tpu.memref_slice %arg4[%mul3A_53] : memref<10240xf32, #tpu.memory_space<vmem_shared>> -> memref<640xf32, #tpu.memory_space<vmem_shared>>
      tpu.enqueue_dma source(%arg7 : memref<640xf32, #tpu.memory_space<vmem>>) target(%dma_start3A_67 : memref<640xf32, #tpu.memory_space<vmem_shared>>) target_semaphore(%run_scoped3A : memref<!tpu.dma_semaphore, #tpu.memory_space<semaphore_mem>>)
      %dma_wait3A = tpu.memref_slice %arg4[%mul3A_53] : memref<10240xf32, #tpu.memory_space<vmem_shared>> -> memref<640xf32, #tpu.memory_space<vmem_shared>>
      %dma_wait3A_68 = tpu.memref_slice %arg4[%mul3A_53] : memref<10240xf32, #tpu.memory_space<vmem_shared>> -> memref<640xf32, #tpu.memory_space<vmem_shared>>
      tpu.wait_dma2 semaphore(%run_scoped3A : memref<!tpu.dma_semaphore, #tpu.memory_space<semaphore_mem>>) src(%arg7 : memref<640xf32, #tpu.memory_space<vmem>>) dst(%dma_wait3A_68 : memref<640xf32, #tpu.memory_space<vmem_shared>>)
      tpu.yield
    }) : () -> ()
    %barrier3A = arith.constant 0 : index
    tpu.barrier barrier_id(%barrier3A)
    %mul3A_54 = arith.constant 80 : i32
    %mul3A_55 = arith.muli %add3A, %mul3A_54 : i32
    "tpu.region"() ({
      %run_scoped3A = tpu.sem_alloc : memref<!tpu.dma_semaphore, #tpu.memory_space<semaphore_mem>>
      %dma_start3A = arith.constant 0 : i32
      %dma_start3A_67 = tpu.memref_slice %arg2[%mul3A_55, %dma_start3A] : memref<2560x128xi32, #tpu.memory_space<hbm>> -> memref<80x128xi32, #tpu.memory_space<hbm>>
      %dma_start3A_68 = arith.constant 0 : i32
      %dma_start3A_69 = tpu.memref_slice %arg2[%mul3A_55, %dma_start3A_68] : memref<2560x128xi32, #tpu.memory_space<hbm>> -> memref<80x128xi32, #tpu.memory_space<hbm>>
      tpu.enqueue_dma source(%dma_start3A_69 : memref<80x128xi32, #tpu.memory_space<hbm>>) target(%arg5 : memref<80x128xi32, #tpu.memory_space<vmem>>) target_semaphore(%run_scoped3A : memref<!tpu.dma_semaphore, #tpu.memory_space<semaphore_mem>>)
      %dma_wait3A = arith.constant 0 : i32
      %dma_wait3A_70 = tpu.memref_slice %arg2[%mul3A_55, %dma_wait3A] : memref<2560x128xi32, #tpu.memory_space<hbm>> -> memref<80x128xi32, #tpu.memory_space<hbm>>
      %dma_wait3A_71 = arith.constant 0 : i32
      %dma_wait3A_72 = tpu.memref_slice %arg2[%mul3A_55, %dma_wait3A_71] : memref<2560x128xi32, #tpu.memory_space<hbm>> -> memref<80x128xi32, #tpu.memory_space<hbm>>
      tpu.wait_dma2 semaphore(%run_scoped3A : memref<!tpu.dma_semaphore, #tpu.memory_space<semaphore_mem>>) src(%dma_wait3A_72 : memref<80x128xi32, #tpu.memory_space<hbm>>) dst(%arg5 : memref<80x128xi32, #tpu.memory_space<vmem>>)
      tpu.yield
    }) : () -> ()
    %scan3A_56 = arith.constant 0 : i32
    %scan3A_57 = arith.constant 0 : i32
    %scan3A_58 = arith.constant 80 : i32
    %scan3A_59 = arith.addi %scan3A_57, %scan3A_58 : i32
    %scan3A_60 = arith.constant 1 : i32
    scf.for %scan3A_67 = %scan3A_57 to %scan3A_59 step %scan3A_60  : i32 {
      "tpu.region"() ({
        %run_scoped3A = tpu.sem_alloc : memref<!tpu.dma_semaphore, #tpu.memory_space<semaphore_mem>>
        %dma_start3A = arith.constant 0 : i32
        %dma_start3A_68 = tpu.memref_slice %arg5[%scan3A_67, %dma_start3A] : memref<80x128xi32, #tpu.memory_space<vmem>> -> memref<1x128xi32, #tpu.memory_space<vmem>>
        %dma_start3A_69 = tpu.memref_squeeze %dma_start3A_68 : memref<1x128xi32, #tpu.memory_space<vmem>> -> memref<128xi32, #tpu.memory_space<vmem>>
        %dma_start3A_70 = arith.constant 0 : i32
        %dma_start3A_71 = tpu.memref_slice %arg4[%dma_start3A_70] : memref<10240xf32, #tpu.memory_space<vmem_shared>> -> memref<10240xf32, #tpu.memory_space<vmem_shared>>
        tpu.enqueue_indirect_dma source(%arg6 : memref<128xf32, #tpu.memory_space<vmem>>) target(%dma_start3A_71 : memref<10240xf32, #tpu.memory_space<vmem_shared>>) offsets(%dma_start3A_69 : memref<128xi32, #tpu.memory_space<vmem>>) semaphore(%run_scoped3A : memref<!tpu.dma_semaphore, #tpu.memory_space<semaphore_mem>>) {add = true}
        %dma_wait3A = arith.constant 0 : i32
        %dma_wait3A_72 = tpu.memref_slice %arg5[%scan3A_67, %dma_wait3A] : memref<80x128xi32, #tpu.memory_space<vmem>> -> memref<1x128xi32, #tpu.memory_space<vmem>>
        %dma_wait3A_73 = tpu.memref_squeeze %dma_wait3A_72 : memref<1x128xi32, #tpu.memory_space<vmem>> -> memref<128xi32, #tpu.memory_space<vmem>>
        %dma_wait3A_74 = arith.constant 0 : i32
        %dma_wait3A_75 = tpu.memref_slice %arg4[%dma_wait3A_74] : memref<10240xf32, #tpu.memory_space<vmem_shared>> -> memref<10240xf32, #tpu.memory_space<vmem_shared>>
        tpu.wait_indirect_dma semaphore(%run_scoped3A : memref<!tpu.dma_semaphore, #tpu.memory_space<semaphore_mem>>) src(%arg6 : memref<128xf32, #tpu.memory_space<vmem>>) dst(%dma_wait3A_75 : memref<10240xf32, #tpu.memory_space<vmem_shared>>)
        tpu.yield
      }) : () -> ()
    }
    %scan3A_61 = arith.constant 80 : i32
    %barrier3A_62 = arith.constant 0 : index
    tpu.barrier barrier_id(%barrier3A_62)
    %mul3A_63 = arith.constant 640 : i32
    %mul3A_64 = arith.muli %arg1, %mul3A_63 : i32
    "tpu.region"() ({
      %run_scoped3A = tpu.sem_alloc : memref<!tpu.dma_semaphore, #tpu.memory_space<semaphore_mem>>
      %dma_start3A = tpu.memref_slice %arg4[%mul3A_64] : memref<10240xf32, #tpu.memory_space<vmem_shared>> -> memref<640xf32, #tpu.memory_space<vmem_shared>>
      %dma_start3A_67 = tpu.memref_slice %arg4[%mul3A_64] : memref<10240xf32, #tpu.memory_space<vmem_shared>> -> memref<640xf32, #tpu.memory_space<vmem_shared>>
      tpu.enqueue_dma source(%dma_start3A_67 : memref<640xf32, #tpu.memory_space<vmem_shared>>) target(%arg7 : memref<640xf32, #tpu.memory_space<vmem>>) target_semaphore(%run_scoped3A : memref<!tpu.dma_semaphore, #tpu.memory_space<semaphore_mem>>)
      %dma_wait3A = tpu.memref_slice %arg4[%mul3A_64] : memref<10240xf32, #tpu.memory_space<vmem_shared>> -> memref<640xf32, #tpu.memory_space<vmem_shared>>
      %dma_wait3A_68 = tpu.memref_slice %arg4[%mul3A_64] : memref<10240xf32, #tpu.memory_space<vmem_shared>> -> memref<640xf32, #tpu.memory_space<vmem_shared>>
      tpu.wait_dma2 semaphore(%run_scoped3A : memref<!tpu.dma_semaphore, #tpu.memory_space<semaphore_mem>>) src(%dma_wait3A_68 : memref<640xf32, #tpu.memory_space<vmem_shared>>) dst(%arg7 : memref<640xf32, #tpu.memory_space<vmem>>)
      tpu.yield
    }) : () -> ()
    %mul3A_65 = arith.constant 640 : i32
    %mul3A_66 = arith.muli %arg1, %mul3A_65 : i32
    "tpu.region"() ({
      %run_scoped3A = tpu.sem_alloc : memref<!tpu.dma_semaphore, #tpu.memory_space<semaphore_mem>>
      %dma_start3A = tpu.memref_slice %arg3[%arg0, %mul3A_66] : memref<2x10240xf32, #tpu.memory_space<hbm>> -> memref<1x640xf32, #tpu.memory_space<hbm>>
      %dma_start3A_67 = tpu.memref_squeeze %dma_start3A : memref<1x640xf32, #tpu.memory_space<hbm>> -> memref<640xf32, #tpu.memory_space<hbm>>
      %dma_start3A_68 = tpu.memref_slice %arg3[%arg0, %mul3A_66] : memref<2x10240xf32, #tpu.memory_space<hbm>> -> memref<1x640xf32, #tpu.memory_space<hbm>>
      %dma_start3A_69 = tpu.memref_squeeze %dma_start3A_68 : memref<1x640xf32, #tpu.memory_space<hbm>> -> memref<640xf32, #tpu.memory_space<hbm>>
      tpu.enqueue_dma source(%arg7 : memref<640xf32, #tpu.memory_space<vmem>>) target(%dma_start3A_69 : memref<640xf32, #tpu.memory_space<hbm>>) target_semaphore(%run_scoped3A : memref<!tpu.dma_semaphore, #tpu.memory_space<semaphore_mem>>)
      %dma_wait3A = tpu.memref_slice %arg3[%arg0, %mul3A_66] : memref<2x10240xf32, #tpu.memory_space<hbm>> -> memref<1x640xf32, #tpu.memory_space<hbm>>
      %dma_wait3A_70 = tpu.memref_squeeze %dma_wait3A : memref<1x640xf32, #tpu.memory_space<hbm>> -> memref<640xf32, #tpu.memory_space<hbm>>
      %dma_wait3A_71 = tpu.memref_slice %arg3[%arg0, %mul3A_66] : memref<2x10240xf32, #tpu.memory_space<hbm>> -> memref<1x640xf32, #tpu.memory_space<hbm>>
      %dma_wait3A_72 = tpu.memref_squeeze %dma_wait3A_71 : memref<1x640xf32, #tpu.memory_space<hbm>> -> memref<640xf32, #tpu.memory_space<hbm>>
      tpu.wait_dma2 semaphore(%run_scoped3A : memref<!tpu.dma_semaphore, #tpu.memory_space<semaphore_mem>>) src(%arg7 : memref<640xf32, #tpu.memory_space<vmem>>) dst(%dma_wait3A_72 : memref<640xf32, #tpu.memory_space<hbm>>)
      tpu.yield
    }) : () -> ()
    return
  }
}

module attributes {stable_mosaic.version = 14 : i64} {
  func.func @_lin1_body(%arg0: i32, %arg1: memref<2x1024x1xf32, #tpu.memory_space<vmem>>, %arg2: memref<1024x128xf32, #tpu.memory_space<vmem>>, %arg3: memref<128x128xf32, #tpu.memory_space<vmem>>, %arg4: memref<1024x128xf32, #tpu.memory_space<vmem>>, %arg5: memref<1024x1xf32, #tpu.memory_space<vmem>>) attributes {dimension_semantics = [#tpu.dimension_semantics<arbitrary>], iteration_bounds = array<i64: 10>, scalar_prefetch = 0 : i64, scratch_operands = 0 : i64, tpu.core_type = #tpu.core_type<tc>, window_params = [{transform_indices = @transform_0, window_bounds = array<i64: 2, 1024, 1>}, {transform_indices = @transform_1, window_bounds = array<i64: 1024, 128>}, {pipeline_mode = #tpu.pipeline_mode<synchronous>, transform_indices = @transform_2, window_bounds = array<i64: 128, 128>}, {transform_indices = @transform_3, window_bounds = array<i64: 1024, 128>}, {transform_indices = @transform_4, window_bounds = array<i64: 1024, 1>}]} {
    %get3A = arith.constant 0 : index
    %get3A_0 = arith.constant 0 : index
    %get3A_1 = arith.constant 0 : index
    %get3A_2 = vector.load %arg1[%get3A, %get3A_0, %get3A_1] : memref<2x1024x1xf32, #tpu.memory_space<vmem>>, vector<1x1024x1xf32>
    %get3A_3 = vector.shape_cast %get3A_2 : vector<1x1024x1xf32> to vector<1024x1xf32>
    %get3A_4 = arith.constant 1 : index
    %get3A_5 = arith.constant 0 : index
    %get3A_6 = arith.constant 0 : index
    %get3A_7 = vector.load %arg1[%get3A_4, %get3A_5, %get3A_6] : memref<2x1024x1xf32, #tpu.memory_space<vmem>>, vector<1x1024x1xf32>
    %get3A_8 = vector.shape_cast %get3A_7 : vector<1x1024x1xf32> to vector<1024x1xf32>
    %add3A = arith.addf %get3A_3, %get3A_8 : vector<1024x1xf32>
    %add3A_9 = arith.constant 1.000000e+00 : f32
    %add3A_10 = vector.broadcast %add3A_9 : f32 to vector<1024x1xf32>
    %add3A_11 = arith.addf %add3A, %add3A_10 : vector<1024x1xf32>
    %rsqrt3A = math.rsqrt %add3A_11 : vector<1024x1xf32>
    %swap3A = arith.constant 0 : index
    %swap3A_12 = arith.constant 0 : index
    %swap3A_13 = vector.load %arg5[%swap3A, %swap3A_12] : memref<1024x1xf32, #tpu.memory_space<vmem>>, vector<1024x1xf32>
    tpu.vector_store %arg5[%swap3A, %swap3A_12], %rsqrt3A {strides = array<i32>} : memref<1024x1xf32, #tpu.memory_space<vmem>>, vector<1024x1xf32>,
    %get3A_14 = arith.constant 0 : index
    %get3A_15 = arith.constant 0 : index
    %get3A_16 = vector.load %arg2[%get3A_14, %get3A_15] : memref<1024x128xf32, #tpu.memory_space<vmem>>, vector<1024x128xf32>
    %get3A_17 = arith.constant 0 : index
    %get3A_18 = arith.constant 0 : index
    %get3A_19 = vector.load %arg3[%get3A_17, %get3A_18] : memref<128x128xf32, #tpu.memory_space<vmem>>, vector<128x128xf32>
    %dot_general3A = arith.constant dense<0.000000e+00> : vector<1024x128xf32>
    %dot_general3A_20 = tpu.matmul %get3A_16, %get3A_19, %dot_general3A {dimension_numbers = #tpu.dot_dimension_numbers<[1], [0], [0], [1], [0, 0, 1, 1], [], []>, transpose_lhs_hint = false} : vector<1024x128xf32>, vector<128x128xf32>, vector<1024x128xf32> -> vector<1024x128xf32>
    %mul3A = vector.broadcast %rsqrt3A : vector<1024x1xf32> to vector<1024x128xf32>
    %mul3A_21 = arith.mulf %dot_general3A_20, %mul3A : vector<1024x128xf32>
    %swap3A_22 = arith.constant 0 : index
    %swap3A_23 = arith.constant 0 : index
    %swap3A_24 = vector.load %arg4[%swap3A_22, %swap3A_23] : memref<1024x128xf32, #tpu.memory_space<vmem>>, vector<1024x128xf32>
    tpu.vector_store %arg4[%swap3A_22, %swap3A_23], %mul3A_21 {strides = array<i32>} : memref<1024x128xf32, #tpu.memory_space<vmem>>, vector<1024x128xf32>,
    return
  }
  func.func @transform_0(%arg0: i32) -> (i32, i32, i32) {
    %c0_i32 = arith.constant 0 : i32
    %c0_i32_0 = arith.constant 0 : i32
    %c0_i32_1 = arith.constant 0 : i32
    return %c0_i32, %arg0, %c0_i32_0 : i32, i32, i32
  }
  func.func @transform_1(%arg0: i32) -> (i32, i32) {
    %c0_i32 = arith.constant 0 : i32
    %c0_i32_0 = arith.constant 0 : i32
    return %arg0, %c0_i32 : i32, i32
  }
  func.func @transform_2(%arg0: i32) -> (i32, i32) {
    %c0_i32 = arith.constant 0 : i32
    %c0_i32_0 = arith.constant 0 : i32
    %c0_i32_1 = arith.constant 0 : i32
    return %c0_i32, %c0_i32_0 : i32, i32
  }
  func.func @transform_3(%arg0: i32) -> (i32, i32) {
    %c0_i32 = arith.constant 0 : i32
    %c0_i32_0 = arith.constant 0 : i32
    return %arg0, %c0_i32 : i32, i32
  }
  func.func @transform_4(%arg0: i32) -> (i32, i32) {
    %c0_i32 = arith.constant 0 : i32
    %c0_i32_0 = arith.constant 0 : i32
    return %arg0, %c0_i32 : i32, i32
  }
}

module attributes {stable_mosaic.version = 14 : i64} {
  func.func @_mid_body(%arg0: i32, %arg1: memref<2x1024x128xbf16, #tpu.memory_space<vmem>>, %arg2: memref<1024x128xf32, #tpu.memory_space<vmem>>, %arg3: memref<1024x1xf32, #tpu.memory_space<vmem>>, %arg4: memref<1x128xf32, #tpu.memory_space<vmem>>, %arg5: memref<1x128xf32, #tpu.memory_space<vmem>>, %arg6: memref<1x128xf32, #tpu.memory_space<vmem>>, %arg7: memref<1x128xf32, #tpu.memory_space<vmem>>, %arg8: memref<1x128xf32, #tpu.memory_space<vmem>>, %arg9: memref<128x128xf32, #tpu.memory_space<vmem>>, %arg10: memref<1024x128xf32, #tpu.memory_space<vmem>>) attributes {dimension_semantics = [#tpu.dimension_semantics<arbitrary>], iteration_bounds = array<i64: 10>, scalar_prefetch = 0 : i64, scratch_operands = 0 : i64, tpu.core_type = #tpu.core_type<tc>, window_params = [{transform_indices = @transform_0, window_bounds = array<i64: 2, 1024, 128>}, {transform_indices = @transform_1, window_bounds = array<i64: 1024, 128>}, {transform_indices = @transform_2, window_bounds = array<i64: 1024, 1>}, {pipeline_mode = #tpu.pipeline_mode<synchronous>, transform_indices = @transform_3, window_bounds = array<i64: 1, 128>}, {pipeline_mode = #tpu.pipeline_mode<synchronous>, transform_indices = @transform_4, window_bounds = array<i64: 1, 128>}, {pipeline_mode = #tpu.pipeline_mode<synchronous>, transform_indices = @transform_5, window_bounds = array<i64: 1, 128>}, {pipeline_mode = #tpu.pipeline_mode<synchronous>, transform_indices = @transform_6, window_bounds = array<i64: 1, 128>}, {pipeline_mode = #tpu.pipeline_mode<synchronous>, transform_indices = @transform_7, window_bounds = array<i64: 1, 128>}, {pipeline_mode = #tpu.pipeline_mode<synchronous>, transform_indices = @transform_8, window_bounds = array<i64: 128, 128>}, {transform_indices = @transform_9, window_bounds = array<i64: 1024, 128>}]} {
    %get3A = arith.constant 0 : index
    %get3A_0 = arith.constant 0 : index
    %get3A_1 = vector.load %arg3[%get3A, %get3A_0] : memref<1024x1xf32, #tpu.memory_space<vmem>>, vector<1024x1xf32>
    %get3A_2 = arith.constant 0 : index
    %get3A_3 = arith.constant 0 : index
    %get3A_4 = arith.constant 0 : index
    %get3A_5 = vector.load %arg1[%get3A_2, %get3A_3, %get3A_4] : memref<2x1024x128xbf16, #tpu.memory_space<vmem>>, vector<1x1024x128xbf16>
    %get3A_6 = vector.shape_cast %get3A_5 : vector<1x1024x128xbf16> to vector<1024x128xbf16>
    %convert_element_type3A = arith.extf %get3A_6 : vector<1024x128xbf16> to vector<1024x128xf32>
    %get3A_7 = arith.constant 1 : index
    %get3A_8 = arith.constant 0 : index
    %get3A_9 = arith.constant 0 : index
    %get3A_10 = vector.load %arg1[%get3A_7, %get3A_8, %get3A_9] : memref<2x1024x128xbf16, #tpu.memory_space<vmem>>, vector<1x1024x128xbf16>
    %get3A_11 = vector.shape_cast %get3A_10 : vector<1x1024x128xbf16> to vector<1024x128xbf16>
    %convert_element_type3A_12 = arith.extf %get3A_11 : vector<1024x128xbf16> to vector<1024x128xf32>
    %add3A = arith.addf %convert_element_type3A, %convert_element_type3A_12 : vector<1024x128xf32>
    %get3A_13 = arith.constant 0 : index
    %get3A_14 = arith.constant 0 : index
    %get3A_15 = vector.load %arg2[%get3A_13, %get3A_14] : memref<1024x128xf32, #tpu.memory_space<vmem>>, vector<1024x128xf32>
    %add3A_16 = arith.addf %add3A, %get3A_15 : vector<1024x128xf32>
    %mul3A = vector.broadcast %get3A_1 : vector<1024x1xf32> to vector<1024x128xf32>
    %mul3A_17 = arith.mulf %mul3A, %add3A_16 : vector<1024x128xf32>
    %get3A_18 = arith.constant 0 : index
    %get3A_19 = arith.constant 0 : index
    %get3A_20 = vector.load %arg4[%get3A_18, %get3A_19] : memref<1x128xf32, #tpu.memory_space<vmem>>, vector<1x128xf32>
    %add3A_21 = vector.broadcast %get3A_20 : vector<1x128xf32> to vector<1024x128xf32>
    %add3A_22 = arith.addf %mul3A_17, %add3A_21 : vector<1024x128xf32>
    %get3A_23 = arith.constant 0 : index
    %get3A_24 = arith.constant 0 : index
    %get3A_25 = vector.load %arg7[%get3A_23, %get3A_24] : memref<1x128xf32, #tpu.memory_space<vmem>>, vector<1x128xf32>
    %sub3A = vector.broadcast %get3A_25 : vector<1x128xf32> to vector<1024x128xf32>
    %sub3A_26 = arith.subf %add3A_22, %sub3A : vector<1024x128xf32>
    %get3A_27 = arith.constant 0 : index
    %get3A_28 = arith.constant 0 : index
    %get3A_29 = vector.load %arg8[%get3A_27, %get3A_28] : memref<1x128xf32, #tpu.memory_space<vmem>>, vector<1x128xf32>
    %add3A_30 = arith.constant 9.99999974E-6 : f32
    %add3A_31 = vector.broadcast %add3A_30 : f32 to vector<1x128xf32>
    %add3A_32 = arith.addf %get3A_29, %add3A_31 : vector<1x128xf32>
    %rsqrt3A = math.rsqrt %add3A_32 : vector<1x128xf32>
    %mul3A_33 = vector.broadcast %rsqrt3A : vector<1x128xf32> to vector<1024x128xf32>
    %mul3A_34 = arith.mulf %sub3A_26, %mul3A_33 : vector<1024x128xf32>
    %get3A_35 = arith.constant 0 : index
    %get3A_36 = arith.constant 0 : index
    %get3A_37 = vector.load %arg5[%get3A_35, %get3A_36] : memref<1x128xf32, #tpu.memory_space<vmem>>, vector<1x128xf32>
    %mul3A_38 = vector.broadcast %get3A_37 : vector<1x128xf32> to vector<1024x128xf32>
    %mul3A_39 = arith.mulf %mul3A_34, %mul3A_38 : vector<1024x128xf32>
    %get3A_40 = arith.constant 0 : index
    %get3A_41 = arith.constant 0 : index
    %get3A_42 = vector.load %arg6[%get3A_40, %get3A_41] : memref<1x128xf32, #tpu.memory_space<vmem>>, vector<1x128xf32>
    %add3A_43 = vector.broadcast %get3A_42 : vector<1x128xf32> to vector<1024x128xf32>
    %add3A_44 = arith.addf %mul3A_39, %add3A_43 : vector<1024x128xf32>
    %max3A = arith.constant 0.000000e+00 : f32
    %max3A_45 = vector.broadcast %max3A : f32 to vector<1024x128xf32>
    %max3A_46 = arith.maximumf %add3A_44, %max3A_45 : vector<1024x128xf32>
    %get3A_47 = arith.constant 0 : index
    %get3A_48 = arith.constant 0 : index
    %get3A_49 = vector.load %arg9[%get3A_47, %get3A_48] : memref<128x128xf32, #tpu.memory_space<vmem>>, vector<128x128xf32>
    %dot_general3A = arith.constant dense<0.000000e+00> : vector<1024x128xf32>
    %dot_general3A_50 = tpu.matmul %max3A_46, %get3A_49, %dot_general3A {dimension_numbers = #tpu.dot_dimension_numbers<[1], [0], [0], [1], [0, 0, 1, 1], [], []>, transpose_lhs_hint = false} : vector<1024x128xf32>, vector<128x128xf32>, vector<1024x128xf32> -> vector<1024x128xf32>
    %mul3A_51 = vector.broadcast %get3A_1 : vector<1024x1xf32> to vector<1024x128xf32>
    %mul3A_52 = arith.mulf %dot_general3A_50, %mul3A_51 : vector<1024x128xf32>
    %swap3A = arith.constant 0 : index
    %swap3A_53 = arith.constant 0 : index
    %swap3A_54 = vector.load %arg10[%swap3A, %swap3A_53] : memref<1024x128xf32, #tpu.memory_space<vmem>>, vector<1024x128xf32>
    tpu.vector_store %arg10[%swap3A, %swap3A_53], %mul3A_52 {strides = array<i32>} : memref<1024x128xf32, #tpu.memory_space<vmem>>, vector<1024x128xf32>,
    return
  }
  func.func @transform_0(%arg0: i32) -> (i32, i32, i32) {
    %c0_i32 = arith.constant 0 : i32
    %c0_i32_0 = arith.constant 0 : i32
    %c0_i32_1 = arith.constant 0 : i32
    return %c0_i32, %arg0, %c0_i32_0 : i32, i32, i32
  }
  func.func @transform_1(%arg0: i32) -> (i32, i32) {
    %c0_i32 = arith.constant 0 : i32
    %c0_i32_0 = arith.constant 0 : i32
    return %arg0, %c0_i32 : i32, i32
  }
  func.func @transform_2(%arg0: i32) -> (i32, i32) {
    %c0_i32 = arith.constant 0 : i32
    %c0_i32_0 = arith.constant 0 : i32
    return %arg0, %c0_i32 : i32, i32
  }
  func.func @transform_3(%arg0: i32) -> (i32, i32) {
    %c0_i32 = arith.constant 0 : i32
    %c0_i32_0 = arith.constant 0 : i32
    %c0_i32_1 = arith.constant 0 : i32
    return %c0_i32, %c0_i32_0 : i32, i32
  }
  func.func @transform_4(%arg0: i32) -> (i32, i32) {
    %c0_i32 = arith.constant 0 : i32
    %c0_i32_0 = arith.constant 0 : i32
    %c0_i32_1 = arith.constant 0 : i32
    return %c0_i32, %c0_i32_0 : i32, i32
  }
  func.func @transform_5(%arg0: i32) -> (i32, i32) {
    %c0_i32 = arith.constant 0 : i32
    %c0_i32_0 = arith.constant 0 : i32
    %c0_i32_1 = arith.constant 0 : i32
    return %c0_i32, %c0_i32_0 : i32, i32
  }
  func.func @transform_6(%arg0: i32) -> (i32, i32) {
    %c0_i32 = arith.constant 0 : i32
    %c0_i32_0 = arith.constant 0 : i32
    %c0_i32_1 = arith.constant 0 : i32
    return %c0_i32, %c0_i32_0 : i32, i32
  }
  func.func @transform_7(%arg0: i32) -> (i32, i32) {
    %c0_i32 = arith.constant 0 : i32
    %c0_i32_0 = arith.constant 0 : i32
    %c0_i32_1 = arith.constant 0 : i32
    return %c0_i32, %c0_i32_0 : i32, i32
  }
  func.func @transform_8(%arg0: i32) -> (i32, i32) {
    %c0_i32 = arith.constant 0 : i32
    %c0_i32_0 = arith.constant 0 : i32
    %c0_i32_1 = arith.constant 0 : i32
    return %c0_i32, %c0_i32_0 : i32, i32
  }
  func.func @transform_9(%arg0: i32) -> (i32, i32) {
    %c0_i32 = arith.constant 0 : i32
    %c0_i32_0 = arith.constant 0 : i32
    return %arg0, %c0_i32 : i32, i32
  }
}

module attributes {stable_mosaic.version = 14 : i64} {
  func.func @_fin_body(%arg0: i32, %arg1: memref<2x1024x128xbf16, #tpu.memory_space<vmem>>, %arg2: memref<1024x128xf32, #tpu.memory_space<vmem>>, %arg3: memref<1024x1xf32, #tpu.memory_space<vmem>>, %arg4: memref<1x128xf32, #tpu.memory_space<vmem>>, %arg5: memref<1024x128xf32, #tpu.memory_space<vmem>>) attributes {dimension_semantics = [#tpu.dimension_semantics<arbitrary>], iteration_bounds = array<i64: 10>, scalar_prefetch = 0 : i64, scratch_operands = 0 : i64, tpu.core_type = #tpu.core_type<tc>, window_params = [{transform_indices = @transform_0, window_bounds = array<i64: 2, 1024, 128>}, {transform_indices = @transform_1, window_bounds = array<i64: 1024, 128>}, {transform_indices = @transform_2, window_bounds = array<i64: 1024, 1>}, {pipeline_mode = #tpu.pipeline_mode<synchronous>, transform_indices = @transform_3, window_bounds = array<i64: 1, 128>}, {transform_indices = @transform_4, window_bounds = array<i64: 1024, 128>}]} {
    %get3A = arith.constant 0 : index
    %get3A_0 = arith.constant 0 : index
    %get3A_1 = arith.constant 0 : index
    %get3A_2 = vector.load %arg1[%get3A, %get3A_0, %get3A_1] : memref<2x1024x128xbf16, #tpu.memory_space<vmem>>, vector<1x1024x128xbf16>
    %get3A_3 = vector.shape_cast %get3A_2 : vector<1x1024x128xbf16> to vector<1024x128xbf16>
    %convert_element_type3A = arith.extf %get3A_3 : vector<1024x128xbf16> to vector<1024x128xf32>
    %get3A_4 = arith.constant 1 : index
    %get3A_5 = arith.constant 0 : index
    %get3A_6 = arith.constant 0 : index
    %get3A_7 = vector.load %arg1[%get3A_4, %get3A_5, %get3A_6] : memref<2x1024x128xbf16, #tpu.memory_space<vmem>>, vector<1x1024x128xbf16>
    %get3A_8 = vector.shape_cast %get3A_7 : vector<1x1024x128xbf16> to vector<1024x128xbf16>
    %convert_element_type3A_9 = arith.extf %get3A_8 : vector<1024x128xbf16> to vector<1024x128xf32>
    %add3A = arith.addf %convert_element_type3A, %convert_element_type3A_9 : vector<1024x128xf32>
    %get3A_10 = arith.constant 0 : index
    %get3A_11 = arith.constant 0 : index
    %get3A_12 = vector.load %arg3[%get3A_10, %get3A_11] : memref<1024x1xf32, #tpu.memory_space<vmem>>, vector<1024x1xf32>
    %get3A_13 = arith.constant 0 : index
    %get3A_14 = arith.constant 0 : index
    %get3A_15 = vector.load %arg2[%get3A_13, %get3A_14] : memref<1024x128xf32, #tpu.memory_space<vmem>>, vector<1024x128xf32>
    %add3A_16 = arith.addf %add3A, %get3A_15 : vector<1024x128xf32>
    %mul3A = vector.broadcast %get3A_12 : vector<1024x1xf32> to vector<1024x128xf32>
    %mul3A_17 = arith.mulf %mul3A, %add3A_16 : vector<1024x128xf32>
    %get3A_18 = arith.constant 0 : index
    %get3A_19 = arith.constant 0 : index
    %get3A_20 = vector.load %arg4[%get3A_18, %get3A_19] : memref<1x128xf32, #tpu.memory_space<vmem>>, vector<1x128xf32>
    %add3A_21 = vector.broadcast %get3A_20 : vector<1x128xf32> to vector<1024x128xf32>
    %add3A_22 = arith.addf %mul3A_17, %add3A_21 : vector<1024x128xf32>
    %swap3A = arith.constant 0 : index
    %swap3A_23 = arith.constant 0 : index
    %swap3A_24 = vector.load %arg5[%swap3A, %swap3A_23] : memref<1024x128xf32, #tpu.memory_space<vmem>>, vector<1024x128xf32>
    tpu.vector_store %arg5[%swap3A, %swap3A_23], %add3A_22 {strides = array<i32>} : memref<1024x128xf32, #tpu.memory_space<vmem>>, vector<1024x128xf32>,
    return
  }
  func.func @transform_0(%arg0: i32) -> (i32, i32, i32) {
    %c0_i32 = arith.constant 0 : i32
    %c0_i32_0 = arith.constant 0 : i32
    %c0_i32_1 = arith.constant 0 : i32
    return %c0_i32, %arg0, %c0_i32_0 : i32, i32, i32
  }
  func.func @transform_1(%arg0: i32) -> (i32, i32) {
    %c0_i32 = arith.constant 0 : i32
    %c0_i32_0 = arith.constant 0 : i32
    return %arg0, %c0_i32 : i32, i32
  }
  func.func @transform_2(%arg0: i32) -> (i32, i32) {
    %c0_i32 = arith.constant 0 : i32
    %c0_i32_0 = arith.constant 0 : i32
    return %arg0, %c0_i32 : i32, i32
  }
  func.func @transform_3(%arg0: i32) -> (i32, i32) {
    %c0_i32 = arith.constant 0 : i32
    %c0_i32_0 = arith.constant 0 : i32
    %c0_i32_1 = arith.constant 0 : i32
    return %c0_i32, %c0_i32_0 : i32, i32
  }
  func.func @transform_4(%arg0: i32) -> (i32, i32) {
    %c0_i32 = arith.constant 0 : i32
    %c0_i32_0 = arith.constant 0 : i32
    return %arg0, %c0_i32 : i32, i32
  }
}

</mosaic_0001>

<sc_bundles>
// kernel: kernel.11.cloned.1.call-start
scs
__scs_entry_jumppad:
0x0: {  	(pc) =	sbr.rel $0x88, $3  }
0x1: {  	(tag) =	ssettag $0x0;
	lr =	simm.s32 $0x1  }
0x2: {  	[smem:$0x3F97] =	sst lr;
	_ =	strace $0xD0000000  }
0x3: {  	_ = 	snop  }
0x4: {  	_ = 	snop  }
0x5: {  	_ = 	snop  }
0x6: {  	_ = 	snop  }
0x7: {  	_ = 	snop  }
__scs_overlays_trampoline_lowered:
0x8: {  	[smem:$0x3FA6] =	sst s0  }
0x9: {  	[smem:$0x3FA7] =	sst s1  }
0xa: {  	[smem:$0x3FA8] =	sst s2  }
0xb: {  	[smem:$0x3FA9] =	sst s3  }
0xc: {  	[smem:$0x3FAA] =	sst s4  }
0xd: {  	[smem:$0x3FAB] =	sst s5  }
0xe: {  	[smem:$0x3FAC] =	sst s6  }
0xf: {  	[smem:$0x3FAD] =	sst s7  }
0x10: {  	[smem:$0x3FAE] =	sst s8  }
0x11: {  	[smem:$0x3FAF] =	sst s9;
	s0 =	simm.s32 @!p0 $0x0  }
0x12: {  	s1 =	sld [smem:$0x3F95];
	s0 =	simm.s32 @p0 $0x1  }
0x13: {  	[smem:$0x3FB0] =	sst s0;
	s0 =	simm.s32 @!p1 $0x0  }
0x14: {  	s2 =	sld [smem:$0x3F94];
	s0 =	simm.s32 @p1 $0x1  }
0x15: {  	[smem:$0x3FB1] =	sst s0;
	s0 =	simm.s32 @!p2 $0x0  }
0x16: {  	s3 =	sld [smem:$0x3FDB];
	s0 =	simm.s32 @p2 $0x1  }
0x17: {  	s4 =	simm.s32 $0x1BF5;
	[smem:$0x3FB3] =	sst s0  }
0x18: {  	s0 =	sld [smem:$0x3F96];
	_ =	swait.ge [sflag:s4], $0x0  }
0x19: {  	s7 =	sld [smem:$0x3F97]  }
0x1a: {  	s8 =	sadd.s32 $0xFFFFE003, lr  }
0x1b: {  	s9 =	sadd.s32 $0xFFFFFEF7, lr;
	s5 =	simm.s32 $0xFFFFFFFF;
	p2 =	slt.u32 s8, $0xFFFFF086  }
0x1c: {  	p1 =	slt.u32 s9, $0xF7A;
	s5 =	simm.s32 @!p2 $0x0  }
0x1d: {  	s5 =	simm.s32 @p1 $0x1;
	p0 =	seq.s32 s7, s2  }
0x1e: {  	s7 =	smul.u32 @!p0 $0xF7A, s2;
	p2 =	seq.s32 @!p0 s5, $0x0  }
0x1f: {  	s9 =	smul.u32 $0xF7A, s1;
	s8 =	simm.s32 @!p0 $0x1BF5;
	p2 =	por !p2, p0  }
0x20: {  	[sflag:s8] =	ssyncset.s32 @!p0 $0xFFFFF086;
	s6 =	sadd.s32 @!p0 s3, s7;
	s7 =	simm.s32 @!p0 $0x108  }
0x21: {  	s3 =	sadd.s32 s3, s9;
	s6 =	sadd.s32 @!p0 $0x88, s6;
	s7 =	simm.s32 @p2 $0x1082  }
0x22: {  	[simem:s7], [sflag:s8] =	dma.local @!p0 [hbm:s6], $0xF7A  }
0x23: {  	s9 =	sor.u32 $0xD0000000, s2;
	s6 =	simm.s32 $0x108;
	_ =	swait.ge @!p0 [sflag:s8], $0x0  }
0x24: {  	s3 =	sadd.s32 $0x88, s3;
	s6 =	simm.s32 @!p1 $0x1082;
	[sflag:s4] =	ssyncset.s32 $0xFFFFF086  }
0x25: {  	[simem:s6], [sflag:s4] =	dma.local [hbm:s3], $0xF7A  }
0x26: {  	[smem:$0x3F97] =	sst s1;
	(tag) =	ssettag s2;
	_ =	strace s9  }
0x27: {  	s1 =	sld [smem:$0x3FA7]  }
0x28: {  	s2 =	sld [smem:$0x3FA8]  }
0x29: {  	s4 =	sld [smem:$0x3FAA]  }
0x2a: {  	p0 =	seq.s32 s5, $0x0;
	s5 =	sld [smem:$0x3FAB]  }
0x2b: {  	s6 =	sld [smem:$0x3FAC]  }
0x2c: {  	s7 =	sld [smem:$0x3FAD]  }
0x2d: {  	s3 =	simm.s32 $0x108;
	s8 =	sld [smem:$0x3FAE]  }
0x2e: {  	s3 =	simm.s32 @!p0 $0x1082;
	s9 =	sld [smem:$0x3FAF]  }
0x2f: {  	lr =	sadd.s32 s0, s3;
	s0 =	sld [smem:$0x3FA6]  }
0x30: {  	s3 =	sld [smem:$0x3FA9]  }
0x31: {  	[smem:$0x3FB2] =	sst s10  }
0x32: {  	s10 =	sld [smem:$0x3FB0];
	_ =	sdelay $0x3  }
0x33: {  	p0 =	seq.s32 s10, $0x1;
	s10 =	sld [smem:$0x3FB2];
	_ =	sdelay $0x3  }
0x34: {  	[smem:$0x3FB2] =	sst s10  }
0x35: {  	s10 =	sld [smem:$0x3FB1];
	_ =	sdelay $0x3  }
0x36: {  	p1 =	seq.s32 s10, $0x1;
	s10 =	sld [smem:$0x3FB2];
	_ =	sdelay $0x3  }
0x37: {  	[smem:$0x3FB2] =	sst s10  }
0x38: {  	s10 =	sld [smem:$0x3FB3]  }
0x39: {  	_ = 	snop;
	(pc) =	sbr.ind lr, $3  }
0x3a: {  	_ = 	snop  }
0x3b: {  	_ = 	snop  }
0x3c: {  	p2 =	seq.s32 s10, $0x1;
	s10 =	sld [smem:$0x3FB2]  }
0x3d: {  	_ =	shalt  }
0x3e: {  	_ =	shalt  }
0x3f: {  	_ =	shalt  }
0x40: {  	_ =	shalt  }
0x41: {  	_ =	shalt  }
0x42: {  	_ =	shalt  }
0x43: {  	_ =	shalt  }
0x44: {  	_ =	shalt  }
0x45: {  	_ =	shalt  }
0x46: {  	_ =	shalt  }
0x47: {  	_ =	shalt  }
0x48: {  	_ =	shalt  }
0x49: {  	_ =	shalt  }
0x4a: {  	_ =	shalt  }
0x4b: {  	_ =	shalt  }
0x4c: {  	_ =	shalt  }
0x4d: {  	_ =	shalt  }
0x4e: {  	_ =	shalt  }
0x4f: {  	_ =	shalt  }
0x50: {  	_ =	shalt  }
0x51: {  	_ =	shalt  }
0x52: {  	_ =	shalt  }
0x53: {  	_ =	shalt  }
0x54: {  	_ =	shalt  }
0x55: {  	_ =	shalt  }
0x56: {  	_ =	shalt  }
0x57: {  	_ =	shalt  }
0x58: {  	_ =	shalt  }
0x59: {  	_ =	shalt  }
0x5a: {  	_ =	shalt  }
0x5b: {  	_ =	shalt  }
0x5c: {  	_ =	shalt  }
0x5d: {  	_ =	shalt  }
0x5e: {  	_ =	shalt  }
0x5f: {  	_ =	shalt  }
0x60: {  	_ =	shalt  }
0x61: {  	_ =	shalt  }
0x62: {  	_ =	shalt  }
0x63: {  	_ =	shalt  }
0x64: {  	_ =	shalt  }
0x65: {  	_ =	shalt  }
0x66: {  	_ =	shalt  }
0x67: {  	_ =	shalt  }
0x68: {  	_ =	shalt  }
0x69: {  	_ =	shalt  }
0x6a: {  	_ =	shalt  }
0x6b: {  	_ =	shalt  }
0x6c: {  	_ =	shalt  }
0x6d: {  	_ =	shalt  }
0x6e: {  	_ =	shalt  }
0x6f: {  	_ =	shalt  }
0x70: {  	_ =	shalt  }
0x71: {  	_ =	shalt  }
0x72: {  	_ =	shalt  }
0x73: {  	_ =	shalt  }
0x74: {  	_ =	shalt  }
0x75: {  	_ =	shalt  }
0x76: {  	_ =	shalt  }
0x77: {  	_ =	shalt  }
0x78: {  	_ =	shalt  }
0x79: {  	_ =	shalt  }
0x7a: {  	_ =	shalt  }
0x7b: {  	_ =	shalt  }
0x7c: {  	_ =	shalt  }
0x7d: {  	_ =	shalt  }
0x7e: {  	_ =	shalt  }
0x7f: {  	_ =	shalt  }
0x80: {  	_ =	shalt  }
0x81: {  	_ =	shalt  }
0x82: {  	_ =	shalt  }
0x83: {  	_ =	shalt  }
0x84: {  	_ =	shalt  }
0x85: {  	_ =	shalt  }
0x86: {  	_ =	shalt  }
0x87: {  	_ =	shalt  }
.Lfunc_end0:
.L_simem_size_0:
called_computation.1_lowered:
.L_overlay_start_0:
0x88: {  	s2 =	sld [smem:$0x3FD9]  }
0x89: {  	s3 =	sld [smem:$0x3FFE];
	_ =	sdelay $0x1  }
0x8a: {  	s1 =	srdreg.scid  }
0x8b: {  	s0 =	sand.u32 $0x1, s1  }
0x8c: {  	s17 =	sshll.u32 s0, $0xA;
	s2 =	sadd.s32 s3, s2  }
0x8d: {  	s2 =	sadd.s32 s2, s17  }
0x8e: {  	[smem:$0x3FBE] =	sst s2  }
0x8f: {  	_ = 	snop  }
0x90: {  	s2 =	sld [smem:$0x3FD0];
	(tm) =	ssettm $0x1  }
0x91: {  	s18 =	sld [smem:$0x3FFB];
	_ =	sdelay $0x3  }
0x92: {  	_ =	strace s18  }
0x93: {  	s3 =	sld [smem:$0x3FFC];
	_ =	sdelay $0x3  }
0x94: {  	_ =	strace s3  }
0x95: {  	s3 =	sld [smem:$0x3FFD];
	_ =	sdelay $0x3  }
0x96: {  	_ =	strace s3  }
0x97: {  	_ =	strace $0x8FFFFFFF  }
0x98: {  	s19 =	sld [smem:$0x3FDB];
	_ =	sdelay $0x1  }
0x99: {  	s4 =	simm.s32 $_scs_section_size  }
0x9a: {  	s5 =	simm.s32 $_size__tile_overlayer_lowered;
	s6 =	simm.s32 $_tile_overlayer_lowered  }
0x9b: {  	s22 =	simm.s32 $0x1BFF;
	s21 =	sshll.u32 s6, $0x1;
	s3 =	sadd.s32 s4, s19  }
0x9c: {  	s7 =	simm.s32 $0x0;
	s20 =	sshll.u32 s5, $0x1;
	s5 =	sadd.s32 s21, s3  }
0x9d: {  	[timem:s7], [sflag:s22] =	dma.local [hbm:s5], s20  }
0x9e: {  	_ =	swait.ge [sflag:s22], s20  }
0x9f: {  	s4 =	ssub.s32 $0x0, s20;
	[sflag:s22] =	ssyncset.done $0x0  }
0xa0: {  	[sflag:s22] =	ssyncadd.s32 s4;
	_ =	sdelay $0x1  }
0xa1: {  	s23 =	simm.s32 $0x1B8B  }
0xa2: {  	_ =	swait.ge [sflag:s23], $0x1  }
0xa3: {  	[sflag:s23] =	ssyncset.done $0x0  }
0xa4: {  	s25 =	simm.s32 $0x1B8E;
	s24 =	sld [smem:$0x3FFE];
	[sflag:s23] =	ssyncadd.s32 $0xFFFFFFFF  }
0xa5: {  	s26 =	simm.s32 $execute0_lowered;
	[smem:$0x3FD2] =	sst s25  }
0xa6: {  	s5 =	sshll.u32 s26, $0x1;
	_ =	strace $0x80000049;
	[dreg:$0x1] =	wrdreg $0xFFFFFFFF  }
0xa7: {  	s28 =	simm.s32 $_size_execute0_lowered;
	s3 =	sadd.s32 s3, s5;
	[dreg:$0x0] =	wrdreg $0x0  }
0xa8: {  	s5 =	sshll.u32 s28, $0x1;
	[dreg:$0x2] =	wrdreg s3  }
0xa9: {  	[dreg:$0x3] =	wrdreg s5  }
0xaa: {  	[dreg:$0x4] =	wrdreg $0xC0  }
0xab: {  	_ =	task [dreg:s7], $0x5FFFF  }
0xac: {  	[dreg:$0x1] =	wrdreg $0xFFFFFFFF  }
0xad: {  	[dreg:$0x0] =	wrdreg $0x60  }
0xae: {  	[dreg:$0x2] =	wrdreg s2  }
0xaf: {  	[dreg:$0x3] =	wrdreg s24  }
0xb0: {  	[dreg:$0x4] =	wrdreg $0x0  }
0xb1: {  	[dreg:$0x5] =	wrdreg $0x9  }
0xb2: {  	_ =	task.clear_ibuf [dreg:s7], $0x6FFFF;
	_ =	strace $0x90000049  }
0xb3: {  	s29 =	simm.s32 $0x9;
	_ =	strace $0x8000004B  }
0xb4: {  	_ =	swait.ge [sflag:s29], $0x1  }
0xb5: {  	[sflag:s29] =	ssyncadd.s32 $0xFFFFFFFF  }
0xb6: {  	_ =	strace $0x9000004B  }
0xb7: {  	_ =	sfence  }
0xb8: {  	s30 =	sld [smem:$0x0];
	_ =	sdelay $0x2  }
0xb9: {  	s31 =	sshll.u32 s1, $0xD;
	s1 =	sshrl.u32 s1, $0x2  }
0xba: {  	s3 =	sand.u32 $0x4000, s31;
	s1 =	sadd.s32 s1, s30  }
0xbb: {  	s0 =	sor.u32 s3, s0;
	s1 =	sshll.u32 s1, $0x11  }
0xbc: {  	s0 =	sor.u32 s1, s0  }
0xbd: {  	s0 =	sadd.s32 $0x8F2B, s0  }
0xbe: {  	[sflag:s0] =	ssyncadd.remote.s32 $0x1  }
0xbf: {  	_ =	sfence.sel $0xFFFF  }
0xc0: {  	[dreg:$0x0] =	wrdreg $0xFFFFFFFF;
	(pc) =	sbr.abs _section_cstart, $3  }
0xc1: {  	[dreg:$0x1] =	wrdreg $0xFFFFFFFF  }
0xc2: {  	_ =	task.clear_ibuf [dreg:s7], $0x2FFFF;
	_ =	strace $0x9FFFFFFF  }
0xc3: {  	(tm) =	ssettm $0x7FFFFFFF  }
tec
execute0_lowered:
.L_overlay_start_1:
0x0: {  	(tag) =	ssettag $0x1  }
0x1: {  	s1 =	rddreg [dreg:$0x0]  }
0x2: {  	s0 =	rddreg [dreg:$0x1]  }
0x3: {  	s2 =	rddreg [dreg:$0x2];
	s3 =	simm.s32 $0x0  }
0x4: {  	s4 =	srdreg.scid;
	s8 =	stileid.u32;
	s28 =	simm.s32 $0x2  }
0x5: {  	s29 =	simm.s32 $0xB380;
	s30 =	simm.s32 $0xC700;
	s31 =	simm.s32 $0xC780  }
0x6: {  	[smem:$0x7FF] =	sst s3;
	s10 =	sadd.s32 $0xC800, s0;
	s4 =	sand.u32 $0x1, s4  }
0x7: {  	s13 =	sadd.s32 $0x2800, s0;
	s7 =	sshll.u32 s8, $0x1;
	s14 =	smul.u32 $0x14000, s8  }
0x8: {  	s0 =	sadd.s32 $0x3E800, s0;
	_ =	strace $0x8000004A;
	s5 =	ssub.s32 $0x2, s4  }
0x9: {  	s9 =	sor.u32 s4, s7;
	s4 =	smul.u32 $0x140000, s4;
	s6 =	sshrl.u32 s5, $0x1  }
0xa: {  	s21 =	sshrl.u32 s14, $0x1;
	s15 =	sadd.s32 $0x4000, s14;
	s16 =	sadd.s32 $0x8000, s14  }
0xb: {  	s17 =	sadd.s32 $0xC000, s14;
	s18 =	sadd.s32 $0x10000, s14;
	s11 =	smul.u32 $0x2800, s9  }
0xc: {  	s20 =	smul.u32 $0x500, s9;
	s19 =	ssub.s32 s5, s6;
	s5 =	sadd.s32 s21, s2  }
0xd: {  	s22 =	sshrl.u32 s15, $0x1;
	s23 =	sshrl.u32 s16, $0x1;
	s24 =	sshrl.u32 s17, $0x1  }
0xe: {  	s12 =	sshrl.u32 s18, $0x1;
	s17 =	sadd.s32 s4, s17;
	s6 =	sadd.s32 s22, s2  }
0xf: {  	s7 =	sadd.s32 s23, s2;
	s8 =	sadd.s32 s24, s2;
	s9 =	sadd.s32 s12, s2  }
0x10: {  	s25 =	sshrl.u32 s11, $0x3;
	s26 =	sadd.s32 s10, s20;
	s20 =	sadd.s32 s13, s20  }
0x11: {  	s22 =	sadd.s32 s14, s4;
	s23 =	sadd.s32 s4, s15;
	[dreg:$0x4] =	wrdreg s26  }
0x12: {  	s19 =	smax.u32 s19, $0x1;
	[dreg:$0x5] =	wrdreg s20;
	s21 =	sadd.s32 $0x280, s25  }
0x13: {  	s15 =	sshrl.u32 s23, $0x4;
	s25 =	sadd.s32 s4, s16;
	s4 =	sadd.s32 s4, s18  }
0x14: {  	s26 =	sshrl.u32 s17, $0x4;
	s20 =	simm.s32 $0xC800;
	s23 =	simm.s32 $0xB400  }
0x15: {  	s10 =	sadd.s32 s10, s21;
	s24 =	sadd.s32 s13, s21;
	s15 =	sadd.s32 s0, s15  }
0x16: {  	s4 =	sshrl.u32 s4, $0x4;
	s17 =	sadd.s32 s0, s26;
	[dreg:$0x6] =	wrdreg s10  }
0x17: {  	s21 =	simm.s32 $0x3;
	s26 =	simm.s32 $0x1;
	[dreg:$0x7] =	wrdreg s24  }
0x18: {  	s10 =	sshrl.u32 s22, $0x4;
	s18 =	sadd.s32 s0, s4;
	s22 =	simm.s32 $0xA000  }
0x19: {  	s24 =	simm.s32 $0x80;
	s14 =	sadd.s32 s0, s10;
	s10 =	sshrl.u32 s25, $0x4  }
0x1a: {  	v0 =	vimm.bf16 $0.0e+00;
	s25 =	simm.s32 $0xE800;
	s16 =	sadd.s32 s0, s10;
	s0 =	simm.s32 $0x0  }
.LBB2_1:
0x1b: {  	s10 =	simm.s32 $0x100;
	s4 =	simm.s32 $0x0  }
.LBB2_2:
0x1c: {  	p0 =	sne.s32 s10, $0x7F00;
	[tilespmem:s4+$0xC830] =	vst v0;
	s11 =	smov.u32 s10;
	s10 =	sadd.s32 $0x100, s10  }
.Ltmp0:
0x1d: {  	[tilespmem:s4+$0xC820] =	vst v0;
	(pc) =	sbr.rel @p0 .LBB2_2-.Ltmp0, $3  }
0x1e: {  	[tilespmem:s4+$0xC800] =	vst v0  }
0x1f: {  	[tilespmem:s4+$0xC810] =	vst v0;
	_ =	sdelay $0x1  }
0x20: {  	s4 =	sshra.s32 s11, $0x2  }
0x21: {  	[tilespmem:s4+$0xC830] =	vst v0  }
0x22: {  	[tilespmem:s4+$0xC820] =	vst v0  }
0x23: {  	[tilespmem:s4+$0xC800] =	vst v0  }
0x24: {  	[tilespmem:s4+$0xC810] =	vst v0  }
0x25: {  	[spmem:s5] =	stream.linear.scatter [tilespmem:s20], [sflag:$0x3], $0x2000, $0x38;
	[tilespmem:$0x10800] =	vst v63  }
0x26: {  	_ =	swait.ge [sflag:s21], $0x2000  }
0x27: {  	[sflag:s21] =	ssyncset.done $0x0  }
0x28: {  	[sflag:s21] =	ssyncadd.s32 $0xFFFFE000  }
0x29: {  	[spmem:s6] =	stream.linear.scatter [tilespmem:s20], [sflag:$0x3], $0x2000, $0x38;
	[tilespmem:$0x10800] =	vst v63  }
0x2a: {  	_ =	swait.ge [sflag:s21], $0x2000  }
0x2b: {  	[sflag:s21] =	ssyncset.done $0x0  }
0x2c: {  	[sflag:s21] =	ssyncadd.s32 $0xFFFFE000  }
0x2d: {  	[spmem:s7] =	stream.linear.scatter [tilespmem:s20], [sflag:$0x3], $0x2000, $0x38;
	[tilespmem:$0x10800] =	vst v63  }
0x2e: {  	_ =	swait.ge [sflag:s21], $0x2000  }
0x2f: {  	[sflag:s21] =	ssyncset.done $0x0  }
0x30: {  	[sflag:s21] =	ssyncadd.s32 $0xFFFFE000  }
0x31: {  	[spmem:s8] =	stream.linear.scatter [tilespmem:s20], [sflag:$0x3], $0x2000, $0x38;
	[tilespmem:$0x10800] =	vst v63  }
0x32: {  	_ =	swait.ge [sflag:s21], $0x2000  }
0x33: {  	[sflag:s21] =	ssyncset.done $0x0  }
0x34: {  	[sflag:s21] =	ssyncadd.s32 $0xFFFFE000  }
0x35: {  	[spmem:s9] =	stream.linear.scatter [tilespmem:s20], [sflag:$0x3], $0x2000, $0x38;
	[tilespmem:$0x10800] =	vst v63  }
0x36: {  	_ =	swait.ge [sflag:s21], $0x2000  }
0x37: {  	[sflag:s21] =	ssyncset.done $0x0  }
0x38: {  	[sflag:s21] =	ssyncadd.s32 $0xFFFFE000  }
0x39: {  	[bflag:$0x0] =	sbarrier.arrive $0xFFFF  }
0x3a: {  	s12 =	simm.s32 $0x0;
	s10 =	rddreg [dreg:$0x4]  }
0x3b: {  	[tilespmem:s22], [sflag:$0x3] =	stream.linear.gather [hbm4b:s10+s12], $0x1400, $0x38;
	[tilespmem:$0x10800] =	vst v63  }
0x3c: {  	_ =	swait.ge [sflag:s21], $0x1400  }
0x3d: {  	[sflag:s21] =	ssyncset.done $0x0  }
0x3e: {  	s13 =	rddreg [dreg:$0x5];
	[sflag:s21] =	ssyncadd.s32 $0xFFFFEC00  }
0x3f: {  	[tilespmem:s23], [sflag:$0x3] =	stream.linear.gather [hbm4b:s13+s12], $0x1400, $0x38;
	[tilespmem:$0x10800] =	vst v63  }
0x40: {  	_ =	swait.ge [sflag:s21], $0x1400  }
0x41: {  	[sflag:s21] =	ssyncset.done $0x0  }
0x42: {  	[sflag:s21] =	ssyncadd.s32 $0xFFFFEC00  }
0x43: {  	[tilespmem:s20], [sflag:$0x1] =	stream.indirect.gather [hbm4b:s1+s24], $0x40, s22, s24, $0xb8;
	[tilespmem:$0x10800] =	vst v63  }
0x44: {  	s10 =	simm.s32 $0xA080  }
0x45: {  	[tilespmem:s25], [sflag:$0x2] =	stream.indirect.gather [hbm4b:s1+s24], $0x40, s10, s24, $0xb8;
	[tilespmem:$0x10800] =	vst v63  }
0x46: {  	_ =	swait.ge [sflag:s26], $0x2000  }
0x47: {  	[sflag:s26] =	ssyncset.done $0x0  }
0x48: {  	s11 =	simm.s32 $0xB400;
	[sflag:s26] =	ssyncadd.s32 $0xFFFFE000  }
0x49: {  	[spmem:s2] =	stream.indirect.scatter.add.bf16 [tilespmem:s20], [sflag:$0x3], $0x40, s11, s24, $0xb8;
	[tilespmem:$0x10800] =	vst v63  }
0x4a: {  	_ =	swait.ge [sflag:s21], $0x2000  }
0x4b: {  	[sflag:s21] =	ssyncset.done $0x0  }
0x4c: {  	s12 =	simm.s32 $0xA100;
	[sflag:s21] =	ssyncadd.s32 $0xFFFFE000  }
0x4d: {  	[tilespmem:s20], [sflag:$0x1] =	stream.indirect.gather [hbm4b:s1+s24], $0x40, s12, s24, $0xb8;
	[tilespmem:$0x10800] =	vst v63  }
0x4e: {  	_ =	swait.ge [sflag:s28], $0x2000  }
0x4f: {  	[sflag:s28] =	ssyncset.done $0x0  }
0x50: {  	s13 =	simm.s32 $0xB480;
	[sflag:s28] =	ssyncadd.s32 $0xFFFFE000  }
0x51: {  	[spmem:s2] =	stream.indirect.scatter.add.bf16 [tilespmem:s25], [sflag:$0x3], $0x40, s13, s24, $0xb8;
	[tilespmem:$0x10800] =	vst v63  }
0x52: {  	_ =	swait.ge [sflag:s21], $0x2000  }
0x53: {  	s4 =	simm.s32 $0x100;
	s10 =	simm.s32 $0x800;
	[sflag:s21] =	ssyncset.done $0x0  }
.LBB2_4:
0x54: {  	s11 =	sadd.s32 $0xA080, s4  }
0x55: {  	[sflag:s21] =	ssyncadd.s32 $0xFFFFE000;
	s12 =	smov.u32 s10;
	s13 =	sadd.s32 $0x400, s10  }
0x56: {  	[tilespmem:s25], [sflag:$0x2] =	stream.indirect.gather [hbm4b:s1+s24], $0x40, s11, s24, $0xb8;
	[tilespmem:$0x10800] =	vst v63  }
0x57: {  	p0 =	sne.s32 s10, $0x4800;
	_ =	swait.ge [sflag:s26], $0x2000  }
0x58: {  	[sflag:s26] =	ssyncset.done $0x0  }
0x59: {  	s10 =	sadd.s32 $0xB400, s4;
	[sflag:s26] =	ssyncadd.s32 $0xFFFFE000  }
0x5a: {  	[spmem:s2] =	stream.indirect.scatter.add.bf16 [tilespmem:s20], [sflag:$0x3], $0x40, s10, s24, $0xb8;
	[tilespmem:$0x10800] =	vst v63  }
0x5b: {  	_ =	swait.ge [sflag:s21], $0x2000  }
0x5c: {  	[sflag:s21] =	ssyncset.done $0x0  }
0x5d: {  	s10 =	sadd.s32 $0xA100, s4;
	[sflag:s21] =	ssyncadd.s32 $0xFFFFE000  }
0x5e: {  	[tilespmem:s20], [sflag:$0x1] =	stream.indirect.gather [hbm4b:s1+s24], $0x40, s10, s24, $0xb8;
	[tilespmem:$0x10800] =	vst v63  }
0x5f: {  	_ =	swait.ge [sflag:s28], $0x2000  }
.Ltmp1:
0x60: {  	[sflag:s28] =	ssyncset.done $0x0;
	(pc) =	sbr.rel @p0 .LBB2_4-.Ltmp1, $4  }
0x61: {  	s4 =	sadd.s32 $0xB480, s4;
	[sflag:s28] =	ssyncadd.s32 $0xFFFFE000  }
0x62: {  	[spmem:s2] =	stream.indirect.scatter.add.bf16 [tilespmem:s25], [sflag:$0x3], $0x40, s4, s24, $0xb8;
	[tilespmem:$0x10800] =	vst v63  }
0x63: {  	_ =	swait.ge [sflag:s21], $0x2000  }
0x64: {  	s10 =	smov.u32 s13;
	s4 =	sshra.s32 s12, $0x2;
	[sflag:s21] =	ssyncset.done $0x0  }
0x65: {  	s10 =	sadd.s32 $0xA080, s4;
	[sflag:s21] =	ssyncadd.s32 $0xFFFFE000  }
0x66: {  	[tilespmem:s25], [sflag:$0x2] =	stream.indirect.gather [hbm4b:s1+s24], $0x40, s10, s24, $0xb8;
	[tilespmem:$0x10800] =	vst v63  }
0x67: {  	_ =	swait.ge [sflag:s26], $0x2000  }
0x68: {  	[sflag:s26] =	ssyncset.done $0x0  }
0x69: {  	s12 =	sadd.s32 $0xB400, s4;
	[sflag:s26] =	ssyncadd.s32 $0xFFFFE000  }
0x6a: {  	[spmem:s2] =	stream.indirect.scatter.add.bf16 [tilespmem:s20], [sflag:$0x3], $0x40, s12, s24, $0xb8;
	[tilespmem:$0x10800] =	vst v63  }
0x6b: {  	_ =	swait.ge [sflag:s21], $0x2000  }
0x6c: {  	[sflag:s21] =	ssyncset.done $0x0  }
0x6d: {  	s13 =	sadd.s32 $0xA100, s4;
	[sflag:s21] =	ssyncadd.s32 $0xFFFFE000  }
0x6e: {  	[tilespmem:s20], [sflag:$0x1] =	stream.indirect.gather [hbm4b:s1+s24], $0x40, s13, s24, $0xb8;
	[tilespmem:$0x10800] =	vst v63  }
0x6f: {  	_ =	swait.ge [sflag:s28], $0x2000  }
0x70: {  	[sflag:s28] =	ssyncset.done $0x0  }
0x71: {  	s10 =	sadd.s32 $0xB480, s4;
	[sflag:s28] =	ssyncadd.s32 $0xFFFFE000  }
0x72: {  	[spmem:s2] =	stream.indirect.scatter.add.bf16 [tilespmem:s25], [sflag:$0x3], $0x40, s10, s24, $0xb8;
	[tilespmem:$0x10800] =	vst v63  }
0x73: {  	_ =	swait.ge [sflag:s21], $0x2000  }
0x74: {  	[sflag:s21] =	ssyncset.done $0x0  }
0x75: {  	[sflag:s21] =	ssyncadd.s32 $0xFFFFE000  }
0x76: {  	[tilespmem:s25], [sflag:$0x2] =	stream.indirect.gather [hbm4b:s1+s24], $0x40, s29, s24, $0xb8;
	[tilespmem:$0x10800] =	vst v63  }
0x77: {  	_ =	swait.ge [sflag:s26], $0x2000  }
0x78: {  	[sflag:s26] =	ssyncset.done $0x0  }
0x79: {  	[sflag:s26] =	ssyncadd.s32 $0xFFFFE000  }
0x7a: {  	[spmem:s2] =	stream.indirect.scatter.add.bf16 [tilespmem:s20], [sflag:$0x3], $0x40, s30, s24, $0xb8;
	[tilespmem:$0x10800] =	vst v63  }
0x7b: {  	_ =	swait.ge [sflag:s21], $0x2000  }
0x7c: {  	[sflag:s21] =	ssyncset.done $0x0  }
0x7d: {  	[sflag:s21] =	ssyncadd.s32 $0xFFFFE000  }
0x7e: {  	_ =	swait.ge [sflag:s28], $0x2000  }
0x7f: {  	[sflag:s28] =	ssyncset.done $0x0  }
0x80: {  	[sflag:s28] =	ssyncadd.s32 $0xFFFFE000  }
0x81: {  	[spmem:s2] =	stream.indirect.scatter.add.bf16 [tilespmem:s25], [sflag:$0x3], $0x40, s31, s24, $0xb8;
	[tilespmem:$0x10800] =	vst v63  }
0x82: {  	_ =	swait.ge [sflag:s21], $0x2000  }
0x83: {  	[sflag:s21] =	ssyncset.done $0x0  }
0x84: {  	s11 =	simm.s32 $0x0;
	s12 =	rddreg [dreg:$0x6];
	[sflag:s21] =	ssyncadd.s32 $0xFFFFE000  }
0x85: {  	[tilespmem:s22], [sflag:$0x3] =	stream.linear.gather [hbm4b:s12+s11], $0x1400, $0x38;
	[tilespmem:$0x10800] =	vst v63  }
0x86: {  	_ =	swait.ge [sflag:s21], $0x1400  }
0x87: {  	[sflag:s21] =	ssyncset.done $0x0  }
0x88: {  	s13 =	rddreg [dreg:$0x7];
	[sflag:s21] =	ssyncadd.s32 $0xFFFFEC00  }
0x89: {  	[tilespmem:s23], [sflag:$0x3] =	stream.linear.gather [hbm4b:s13+s11], $0x1400, $0x38;
	[tilespmem:$0x10800] =	vst v63  }
0x8a: {  	_ =	swait.ge [sflag:s21], $0x1400  }
0x8b: {  	[sflag:s21] =	ssyncset.done $0x0  }
0x8c: {  	[sflag:s21] =	ssyncadd.s32 $0xFFFFEC00  }
0x8d: {  	[tilespmem:s20], [sflag:$0x1] =	stream.indirect.gather [hbm4b:s1+s24], $0x40, s22, s24, $0xb8;
	[tilespmem:$0x10800] =	vst v63  }
0x8e: {  	s10 =	simm.s32 $0xA080  }
0x8f: {  	[tilespmem:s25], [sflag:$0x2] =	stream.indirect.gather [hbm4b:s1+s24], $0x40, s10, s24, $0xb8;
	[tilespmem:$0x10800] =	vst v63  }
0x90: {  	_ =	swait.ge [sflag:s26], $0x2000  }
0x91: {  	[sflag:s26] =	ssyncset.done $0x0  }
0x92: {  	s11 =	simm.s32 $0xB400;
	[sflag:s26] =	ssyncadd.s32 $0xFFFFE000  }
0x93: {  	[spmem:s2] =	stream.indirect.scatter.add.bf16 [tilespmem:s20], [sflag:$0x3], $0x40, s11, s24, $0xb8;
	[tilespmem:$0x10800] =	vst v63  }
0x94: {  	_ =	swait.ge [sflag:s21], $0x2000  }
0x95: {  	[sflag:s21] =	ssyncset.done $0x0  }
0x96: {  	s12 =	simm.s32 $0xA100;
	[sflag:s21] =	ssyncadd.s32 $0xFFFFE000  }
0x97: {  	[tilespmem:s20], [sflag:$0x1] =	stream.indirect.gather [hbm4b:s1+s24], $0x40, s12, s24, $0xb8;
	[tilespmem:$0x10800] =	vst v63  }
0x98: {  	_ =	swait.ge [sflag:s28], $0x2000  }
0x99: {  	[sflag:s28] =	ssyncset.done $0x0  }
0x9a: {  	s13 =	simm.s32 $0xB480;
	[sflag:s28] =	ssyncadd.s32 $0xFFFFE000  }
0x9b: {  	[spmem:s2] =	stream.indirect.scatter.add.bf16 [tilespmem:s25], [sflag:$0x3], $0x40, s13, s24, $0xb8;
	[tilespmem:$0x10800] =	vst v63  }
0x9c: {  	_ =	swait.ge [sflag:s21], $0x2000  }
0x9d: {  	s4 =	simm.s32 $0x100;
	s10 =	simm.s32 $0x800;
	[sflag:s21] =	ssyncset.done $0x0  }
.LBB2_6:
0x9e: {  	s11 =	sadd.s32 $0xA080, s4  }
0x9f: {  	[sflag:s21] =	ssyncadd.s32 $0xFFFFE000;
	s12 =	smov.u32 s10;
	s13 =	sadd.s32 $0x400, s10  }
0xa0: {  	[tilespmem:s25], [sflag:$0x2] =	stream.indirect.gather [hbm4b:s1+s24], $0x40, s11, s24, $0xb8;
	[tilespmem:$0x10800] =	vst v63  }
0xa1: {  	p0 =	sne.s32 s10, $0x4800;
	_ =	swait.ge [sflag:s26], $0x2000  }
0xa2: {  	[sflag:s26] =	ssyncset.done $0x0  }
0xa3: {  	s10 =	sadd.s32 $0xB400, s4;
	[sflag:s26] =	ssyncadd.s32 $0xFFFFE000  }
0xa4: {  	[spmem:s2] =	stream.indirect.scatter.add.bf16 [tilespmem:s20], [sflag:$0x3], $0x40, s10, s24, $0xb8;
	[tilespmem:$0x10800] =	vst v63  }
0xa5: {  	_ =	swait.ge [sflag:s21], $0x2000  }
0xa6: {  	[sflag:s21] =	ssyncset.done $0x0  }
0xa7: {  	s10 =	sadd.s32 $0xA100, s4;
	[sflag:s21] =	ssyncadd.s32 $0xFFFFE000  }
0xa8: {  	[tilespmem:s20], [sflag:$0x1] =	stream.indirect.gather [hbm4b:s1+s24], $0x40, s10, s24, $0xb8;
	[tilespmem:$0x10800] =	vst v63  }
0xa9: {  	_ =	swait.ge [sflag:s28], $0x2000  }
.Ltmp2:
0xaa: {  	[sflag:s28] =	ssyncset.done $0x0;
	(pc) =	sbr.rel @p0 .LBB2_6-.Ltmp2, $4  }
0xab: {  	s4 =	sadd.s32 $0xB480, s4;
	[sflag:s28] =	ssyncadd.s32 $0xFFFFE000  }
0xac: {  	[spmem:s2] =	stream.indirect.scatter.add.bf16 [tilespmem:s25], [sflag:$0x3], $0x40, s4, s24, $0xb8;
	[tilespmem:$0x10800] =	vst v63  }
0xad: {  	_ =	swait.ge [sflag:s21], $0x2000  }
0xae: {  	s10 =	smov.u32 s13;
	s4 =	sshra.s32 s12, $0x2;
	[sflag:s21] =	ssyncset.done $0x0  }
0xaf: {  	s10 =	sadd.s32 $0xA080, s4;
	[sflag:s21] =	ssyncadd.s32 $0xFFFFE000  }
0xb0: {  	[tilespmem:s25], [sflag:$0x2] =	stream.indirect.gather [hbm4b:s1+s24], $0x40, s10, s24, $0xb8;
	[tilespmem:$0x10800] =	vst v63  }
0xb1: {  	_ =	swait.ge [sflag:s26], $0x2000  }
0xb2: {  	[sflag:s26] =	ssyncset.done $0x0  }
0xb3: {  	s11 =	sadd.s32 $0xB400, s4;
	[sflag:s26] =	ssyncadd.s32 $0xFFFFE000  }
0xb4: {  	[spmem:s2] =	stream.indirect.scatter.add.bf16 [tilespmem:s20], [sflag:$0x3], $0x40, s11, s24, $0xb8;
	[tilespmem:$0x10800] =	vst v63  }
0xb5: {  	_ =	swait.ge [sflag:s21], $0x2000  }
0xb6: {  	[sflag:s21] =	ssyncset.done $0x0  }
0xb7: {  	s12 =	sadd.s32 $0xA100, s4;
	[sflag:s21] =	ssyncadd.s32 $0xFFFFE000  }
0xb8: {  	[tilespmem:s20], [sflag:$0x1] =	stream.indirect.gather [hbm4b:s1+s24], $0x40, s12, s24, $0xb8;
	[tilespmem:$0x10800] =	vst v63  }
0xb9: {  	_ =	swait.ge [sflag:s28], $0x2000  }
0xba: {  	[sflag:s28] =	ssyncset.done $0x0  }
0xbb: {  	s13 =	sadd.s32 $0xB480, s4;
	[sflag:s28] =	ssyncadd.s32 $0xFFFFE000  }
0xbc: {  	[spmem:s2] =	stream.indirect.scatter.add.bf16 [tilespmem:s25], [sflag:$0x3], $0x40, s13, s24, $0xb8;
	[tilespmem:$0x10800] =	vst v63  }
0xbd: {  	_ =	swait.ge [sflag:s21], $0x2000  }
0xbe: {  	[sflag:s21] =	ssyncset.done $0x0  }
0xbf: {  	[sflag:s21] =	ssyncadd.s32 $0xFFFFE000  }
0xc0: {  	[tilespmem:s25], [sflag:$0x2] =	stream.indirect.gather [hbm4b:s1+s24], $0x40, s29, s24, $0xb8;
	[tilespmem:$0x10800] =	vst v63  }
0xc1: {  	_ =	swait.ge [sflag:s26], $0x2000  }
0xc2: {  	[sflag:s26] =	ssyncset.done $0x0  }
0xc3: {  	[sflag:s26] =	ssyncadd.s32 $0xFFFFE000  }
0xc4: {  	[spmem:s2] =	stream.indirect.scatter.add.bf16 [tilespmem:s20], [sflag:$0x3], $0x40, s30, s24, $0xb8;
	[tilespmem:$0x10800] =	vst v63  }
0xc5: {  	_ =	swait.ge [sflag:s21], $0x2000  }
0xc6: {  	[sflag:s21] =	ssyncset.done $0x0  }
0xc7: {  	[sflag:s21] =	ssyncadd.s32 $0xFFFFE000  }
0xc8: {  	_ =	swait.ge [sflag:s28], $0x2000  }
0xc9: {  	[sflag:s28] =	ssyncset.done $0x0  }
0xca: {  	[sflag:s28] =	ssyncadd.s32 $0xFFFFE000  }
0xcb: {  	[spmem:s2] =	stream.indirect.scatter.add.bf16 [tilespmem:s25], [sflag:$0x3], $0x40, s31, s24, $0xb8;
	[tilespmem:$0x10800] =	vst v63  }
0xcc: {  	_ =	swait.ge [sflag:s21], $0x2000  }
0xcd: {  	[sflag:s21] =	ssyncset.done $0x0  }
0xce: {  	[sflag:s21] =	ssyncadd.s32 $0xFFFFE000  }
0xcf: {  	[bflag:$0x0] =	sbarrier.arrive $0xFFFF  }
0xd0: {  	[tilespmem:s20], [sflag:$0x3] =	stream.linear.gather [spmem:s5], $0x2000, $0x38;
	[tilespmem:$0x10800] =	vst v63  }
0xd1: {  	_ =	swait.ge [sflag:s21], $0x2000  }
0xd2: {  	[sflag:s21] =	ssyncset.done $0x0  }
0xd3: {  	[sflag:s21] =	ssyncadd.s32 $0xFFFFE000  }
0xd4: {  	[hbm4b:s14+s3] =	stream.linear.scatter [tilespmem:s20], [sflag:$0x3], $0x2000, $0x38;
	[tilespmem:$0x10800] =	vst v63  }
0xd5: {  	_ =	swait.ge [sflag:s21], $0x2000  }
0xd6: {  	[sflag:s21] =	ssyncset.done $0x0  }
0xd7: {  	[sflag:s21] =	ssyncadd.s32 $0xFFFFE000  }
0xd8: {  	[tilespmem:s20], [sflag:$0x3] =	stream.linear.gather [spmem:s6], $0x2000, $0x38;
	[tilespmem:$0x10800] =	vst v63  }
0xd9: {  	_ =	swait.ge [sflag:s21], $0x2000  }
0xda: {  	[sflag:s21] =	ssyncset.done $0x0  }
0xdb: {  	[sflag:s21] =	ssyncadd.s32 $0xFFFFE000  }
0xdc: {  	[hbm4b:s15+s3] =	stream.linear.scatter [tilespmem:s20], [sflag:$0x3], $0x2000, $0x38;
	[tilespmem:$0x10800] =	vst v63  }
0xdd: {  	_ =	swait.ge [sflag:s21], $0x2000  }
0xde: {  	[sflag:s21] =	ssyncset.done $0x0  }
0xdf: {  	[sflag:s21] =	ssyncadd.s32 $0xFFFFE000  }
0xe0: {  	[tilespmem:s20], [sflag:$0x3] =	stream.linear.gather [spmem:s7], $0x2000, $0x38;
	[tilespmem:$0x10800] =	vst v63  }
0xe1: {  	_ =	swait.ge [sflag:s21], $0x2000  }
0xe2: {  	[sflag:s21] =	ssyncset.done $0x0  }
0xe3: {  	[sflag:s21] =	ssyncadd.s32 $0xFFFFE000  }
0xe4: {  	[hbm4b:s16+s3] =	stream.linear.scatter [tilespmem:s20], [sflag:$0x3], $0x2000, $0x38;
	[tilespmem:$0x10800] =	vst v63  }
0xe5: {  	_ =	swait.ge [sflag:s21], $0x2000  }
0xe6: {  	[sflag:s21] =	ssyncset.done $0x0  }
0xe7: {  	[sflag:s21] =	ssyncadd.s32 $0xFFFFE000  }
0xe8: {  	[tilespmem:s20], [sflag:$0x3] =	stream.linear.gather [spmem:s8], $0x2000, $0x38;
	[tilespmem:$0x10800] =	vst v63  }
0xe9: {  	_ =	swait.ge [sflag:s21], $0x2000  }
0xea: {  	[sflag:s21] =	ssyncset.done $0x0  }
0xeb: {  	[sflag:s21] =	ssyncadd.s32 $0xFFFFE000  }
0xec: {  	[hbm4b:s17+s3] =	stream.linear.scatter [tilespmem:s20], [sflag:$0x3], $0x2000, $0x38;
	[tilespmem:$0x10800] =	vst v63  }
0xed: {  	_ =	swait.ge [sflag:s21], $0x2000  }
0xee: {  	[sflag:s21] =	ssyncset.done $0x0  }
0xef: {  	[sflag:s21] =	ssyncadd.s32 $0xFFFFE000  }
0xf0: {  	[tilespmem:s20], [sflag:$0x3] =	stream.linear.gather [spmem:s9], $0x2000, $0x38;
	[tilespmem:$0x10800] =	vst v63  }
0xf1: {  	s0 =	sadd.s32 $0x1, s0;
	_ =	swait.ge [sflag:s21], $0x2000  }
0xf2: {  	p0 =	sne.s32 s0, s19;
	[sflag:s21] =	ssyncset.done $0x0  }
.Ltmp3:
0xf3: {  	[sflag:s21] =	ssyncadd.s32 $0xFFFFE000;
	(pc) =	sbr.rel @p0 .LBB2_1-.Ltmp3, $4  }
0xf4: {  	[hbm4b:s18+s3] =	stream.linear.scatter [tilespmem:s20], [sflag:$0x3], $0x2000, $0x38;
	[tilespmem:$0x10800] =	vst v63  }
0xf5: {  	_ =	swait.ge [sflag:s21], $0x2000  }
0xf6: {  	[sflag:s21] =	ssyncset.done $0x0  }
0xf7: {  	[sflag:s21] =	ssyncadd.s32 $0xFFFFE000  }
0xf8: {  	_ =	sfence.sel $0x180000  }
0xf9: {  	[bflag:$0x0] =	sbarrier.arrive $0xFFFF  }
0xfa: {  	_ =	strace $0x9000004A  }
0xfb: {  	s0 =	stileid.u32;
	[bflag:$0x2] =	sbarrier.arrive $0xFFFF  }
0xfc: {  	p0 =	sne.s32 s0, $0x0;
	s0 =	rddreg [dreg:$0x3]  }
0xfd: {  	s0 =	sadd.s32 @!p0 $0x100000, s0  }
0xfe: {  	[sflag:s0] =	ssyncadd.tile.s32 @!p0 $0x1;
	_ =	shalt  }
.Lfunc_end2:
_tile_overlayer_lowered:
.L_overlay_start_2:
0xff: {  	(tag) =	ssettag $0x2  }
0x100: {  	s0 =	rddreg [dreg:$0x0];
	s2 =	stileid.u32  }
0x101: {  	s1 =	rddreg [dreg:$0x1];
	p0 =	sne.s32 s2, $0x0  }
0x102: {  	s3 =	rddreg [dreg:$0x2];
	[bflag:$0x3] =	sbarrier.arrive $0xFFFF;
	s2 =	simm.s32 @!p0 $0x1C03  }
0x103: {  	[timem:s3], [sflag:s2] =	dma.local @!p0 [hbm:s0], s1  }
0x104: {  	s0 =	simm.s32 @!p0 $0x3  }
0x105: {  	_ =	swait.ge @!p0 [sflag:s0], s1  }
0x106: {  	s1 =	ssub.s32 @!p0 $0x0, s1;
	[sflag:s0] =	ssyncset.done @!p0 $0x0  }
0x107: {  	[sflag:s0] =	ssyncadd.s32 @!p0 s1  }
0x108: {  	[bflag:$0x3] =	sbarrier.arrive $0xFFFF  }
0x109: {  	_ =	shalt  }

// kernel: kernel.14.cloned.1.call-start
scs
__scs_entry_jumppad:
0x0: {  	(pc) =	sbr.rel $0x88, $3  }
0x1: {  	(tag) =	ssettag $0x0;
	lr =	simm.s32 $0x1  }
0x2: {  	[smem:$0x3F97] =	sst lr;
	_ =	strace $0xD0000000  }
0x3: {  	_ = 	snop  }
0x4: {  	_ = 	snop  }
0x5: {  	_ = 	snop  }
0x6: {  	_ = 	snop  }
0x7: {  	_ = 	snop  }
__scs_overlays_trampoline_lowered:
0x8: {  	[smem:$0x3FA6] =	sst s0  }
0x9: {  	[smem:$0x3FA7] =	sst s1  }
0xa: {  	[smem:$0x3FA8] =	sst s2  }
0xb: {  	[smem:$0x3FA9] =	sst s3  }
0xc: {  	[smem:$0x3FAA] =	sst s4  }
0xd: {  	[smem:$0x3FAB] =	sst s5  }
0xe: {  	[smem:$0x3FAC] =	sst s6  }
0xf: {  	[smem:$0x3FAD] =	sst s7  }
0x10: {  	[smem:$0x3FAE] =	sst s8  }
0x11: {  	[smem:$0x3FAF] =	sst s9;
	s0 =	simm.s32 @!p0 $0x0  }
0x12: {  	s1 =	sld [smem:$0x3F95];
	s0 =	simm.s32 @p0 $0x1  }
0x13: {  	[smem:$0x3FB0] =	sst s0;
	s0 =	simm.s32 @!p1 $0x0  }
0x14: {  	s2 =	sld [smem:$0x3F94];
	s0 =	simm.s32 @p1 $0x1  }
0x15: {  	[smem:$0x3FB1] =	sst s0;
	s0 =	simm.s32 @!p2 $0x0  }
0x16: {  	s3 =	sld [smem:$0x3FDB];
	s0 =	simm.s32 @p2 $0x1  }
0x17: {  	s4 =	simm.s32 $0x1BF5;
	[smem:$0x3FB3] =	sst s0  }
0x18: {  	s0 =	sld [smem:$0x3F96];
	_ =	swait.ge [sflag:s4], $0x0  }
0x19: {  	s7 =	sld [smem:$0x3F97]  }
0x1a: {  	s8 =	sadd.s32 $0xFFFFE003, lr  }
0x1b: {  	s9 =	sadd.s32 $0xFFFFFEF7, lr;
	s5 =	simm.s32 $0xFFFFFFFF;
	p2 =	slt.u32 s8, $0xFFFFF086  }
0x1c: {  	p1 =	slt.u32 s9, $0xF7A;
	s5 =	simm.s32 @!p2 $0x0  }
0x1d: {  	s5 =	simm.s32 @p1 $0x1;
	p0 =	seq.s32 s7, s2  }
0x1e: {  	s7 =	smul.u32 @!p0 $0xF7A, s2;
	p2 =	seq.s32 @!p0 s5, $0x0  }
0x1f: {  	s9 =	smul.u32 $0xF7A, s1;
	s8 =	simm.s32 @!p0 $0x1BF5;
	p2 =	por !p2, p0  }
0x20: {  	[sflag:s8] =	ssyncset.s32 @!p0 $0xFFFFF086;
	s6 =	sadd.s32 @!p0 s3, s7;
	s7 =	simm.s32 @!p0 $0x108  }
0x21: {  	s3 =	sadd.s32 s3, s9;
	s6 =	sadd.s32 @!p0 $0x88, s6;
	s7 =	simm.s32 @p2 $0x1082  }
0x22: {  	[simem:s7], [sflag:s8] =	dma.local @!p0 [hbm:s6], $0xF7A  }
0x23: {  	s9 =	sor.u32 $0xD0000000, s2;
	s6 =	simm.s32 $0x108;
	_ =	swait.ge @!p0 [sflag:s8], $0x0  }
0x24: {  	s3 =	sadd.s32 $0x88, s3;
	s6 =	simm.s32 @!p1 $0x1082;
	[sflag:s4] =	ssyncset.s32 $0xFFFFF086  }
0x25: {  	[simem:s6], [sflag:s4] =	dma.local [hbm:s3], $0xF7A  }
0x26: {  	[smem:$0x3F97] =	sst s1;
	(tag) =	ssettag s2;
	_ =	strace s9  }
0x27: {  	s1 =	sld [smem:$0x3FA7]  }
0x28: {  	s2 =	sld [smem:$0x3FA8]  }
0x29: {  	s4 =	sld [smem:$0x3FAA]  }
0x2a: {  	p0 =	seq.s32 s5, $0x0;
	s5 =	sld [smem:$0x3FAB]  }
0x2b: {  	s6 =	sld [smem:$0x3FAC]  }
0x2c: {  	s7 =	sld [smem:$0x3FAD]  }
0x2d: {  	s3 =	simm.s32 $0x108;
	s8 =	sld [smem:$0x3FAE]  }
0x2e: {  	s3 =	simm.s32 @!p0 $0x1082;
	s9 =	sld [smem:$0x3FAF]  }
0x2f: {  	lr =	sadd.s32 s0, s3;
	s0 =	sld [smem:$0x3FA6]  }
0x30: {  	s3 =	sld [smem:$0x3FA9]  }
0x31: {  	[smem:$0x3FB2] =	sst s10  }
0x32: {  	s10 =	sld [smem:$0x3FB0];
	_ =	sdelay $0x3  }
0x33: {  	p0 =	seq.s32 s10, $0x1;
	s10 =	sld [smem:$0x3FB2];
	_ =	sdelay $0x3  }
0x34: {  	[smem:$0x3FB2] =	sst s10  }
0x35: {  	s10 =	sld [smem:$0x3FB1];
	_ =	sdelay $0x3  }
0x36: {  	p1 =	seq.s32 s10, $0x1;
	s10 =	sld [smem:$0x3FB2];
	_ =	sdelay $0x3  }
0x37: {  	[smem:$0x3FB2] =	sst s10  }
0x38: {  	s10 =	sld [smem:$0x3FB3]  }
0x39: {  	_ = 	snop;
	(pc) =	sbr.ind lr, $3  }
0x3a: {  	_ = 	snop  }
0x3b: {  	_ = 	snop  }
0x3c: {  	p2 =	seq.s32 s10, $0x1;
	s10 =	sld [smem:$0x3FB2]  }
0x3d: {  	_ =	shalt  }
0x3e: {  	_ =	shalt  }
0x3f: {  	_ =	shalt  }
0x40: {  	_ =	shalt  }
0x41: {  	_ =	shalt  }
0x42: {  	_ =	shalt  }
0x43: {  	_ =	shalt  }
0x44: {  	_ =	shalt  }
0x45: {  	_ =	shalt  }
0x46: {  	_ =	shalt  }
0x47: {  	_ =	shalt  }
0x48: {  	_ =	shalt  }
0x49: {  	_ =	shalt  }
0x4a: {  	_ =	shalt  }
0x4b: {  	_ =	shalt  }
0x4c: {  	_ =	shalt  }
0x4d: {  	_ =	shalt  }
0x4e: {  	_ =	shalt  }
0x4f: {  	_ =	shalt  }
0x50: {  	_ =	shalt  }
0x51: {  	_ =	shalt  }
0x52: {  	_ =	shalt  }
0x53: {  	_ =	shalt  }
0x54: {  	_ =	shalt  }
0x55: {  	_ =	shalt  }
0x56: {  	_ =	shalt  }
0x57: {  	_ =	shalt  }
0x58: {  	_ =	shalt  }
0x59: {  	_ =	shalt  }
0x5a: {  	_ =	shalt  }
0x5b: {  	_ =	shalt  }
0x5c: {  	_ =	shalt  }
0x5d: {  	_ =	shalt  }
0x5e: {  	_ =	shalt  }
0x5f: {  	_ =	shalt  }
0x60: {  	_ =	shalt  }
0x61: {  	_ =	shalt  }
0x62: {  	_ =	shalt  }
0x63: {  	_ =	shalt  }
0x64: {  	_ =	shalt  }
0x65: {  	_ =	shalt  }
0x66: {  	_ =	shalt  }
0x67: {  	_ =	shalt  }
0x68: {  	_ =	shalt  }
0x69: {  	_ =	shalt  }
0x6a: {  	_ =	shalt  }
0x6b: {  	_ =	shalt  }
0x6c: {  	_ =	shalt  }
0x6d: {  	_ =	shalt  }
0x6e: {  	_ =	shalt  }
0x6f: {  	_ =	shalt  }
0x70: {  	_ =	shalt  }
0x71: {  	_ =	shalt  }
0x72: {  	_ =	shalt  }
0x73: {  	_ =	shalt  }
0x74: {  	_ =	shalt  }
0x75: {  	_ =	shalt  }
0x76: {  	_ =	shalt  }
0x77: {  	_ =	shalt  }
0x78: {  	_ =	shalt  }
0x79: {  	_ =	shalt  }
0x7a: {  	_ =	shalt  }
0x7b: {  	_ =	shalt  }
0x7c: {  	_ =	shalt  }
0x7d: {  	_ =	shalt  }
0x7e: {  	_ =	shalt  }
0x7f: {  	_ =	shalt  }
0x80: {  	_ =	shalt  }
0x81: {  	_ =	shalt  }
0x82: {  	_ =	shalt  }
0x83: {  	_ =	shalt  }
0x84: {  	_ =	shalt  }
0x85: {  	_ =	shalt  }
0x86: {  	_ =	shalt  }
0x87: {  	_ =	shalt  }
.Lfunc_end0:
.L_simem_size_0:
called_computation.2_lowered:
.L_overlay_start_0:
0x88: {  	s2 =	sld [smem:$0x3FD9]  }
0x89: {  	s3 =	sld [smem:$0x3FFE];
	_ =	sdelay $0x1  }
0x8a: {  	s1 =	srdreg.scid  }
0x8b: {  	s0 =	sand.u32 $0x1, s1  }
0x8c: {  	s17 =	sshll.u32 s0, $0xA;
	s2 =	sadd.s32 s3, s2  }
0x8d: {  	s2 =	sadd.s32 s2, s17  }
0x8e: {  	[smem:$0x3FBE] =	sst s2  }
0x8f: {  	_ = 	snop  }
0x90: {  	s2 =	sld [smem:$0x3FD0];
	(tm) =	ssettm $0x1  }
0x91: {  	s18 =	sld [smem:$0x3FFB];
	_ =	sdelay $0x3  }
0x92: {  	_ =	strace s18  }
0x93: {  	s3 =	sld [smem:$0x3FFC];
	_ =	sdelay $0x3  }
0x94: {  	_ =	strace s3  }
0x95: {  	s3 =	sld [smem:$0x3FFD];
	_ =	sdelay $0x3  }
0x96: {  	_ =	strace s3  }
0x97: {  	_ =	strace $0x8FFFFFFF  }
0x98: {  	s19 =	sld [smem:$0x3FDB];
	_ =	sdelay $0x1  }
0x99: {  	s4 =	simm.s32 $_scs_section_size  }
0x9a: {  	s5 =	simm.s32 $_size__tile_overlayer_lowered;
	s6 =	simm.s32 $_tile_overlayer_lowered  }
0x9b: {  	s22 =	simm.s32 $0x1BFF;
	s21 =	sshll.u32 s6, $0x1;
	s3 =	sadd.s32 s4, s19  }
0x9c: {  	s7 =	simm.s32 $0x0;
	s20 =	sshll.u32 s5, $0x1;
	s5 =	sadd.s32 s21, s3  }
0x9d: {  	[timem:s7], [sflag:s22] =	dma.local [hbm:s5], s20  }
0x9e: {  	_ =	swait.ge [sflag:s22], s20  }
0x9f: {  	s4 =	ssub.s32 $0x0, s20;
	[sflag:s22] =	ssyncset.done $0x0  }
0xa0: {  	[sflag:s22] =	ssyncadd.s32 s4;
	_ =	sdelay $0x1  }
0xa1: {  	s23 =	simm.s32 $0x1B8B  }
0xa2: {  	_ =	swait.ge [sflag:s23], $0x1  }
0xa3: {  	[sflag:s23] =	ssyncset.done $0x0  }
0xa4: {  	s25 =	simm.s32 $0x1B8E;
	s24 =	sld [smem:$0x3FFE];
	[sflag:s23] =	ssyncadd.s32 $0xFFFFFFFF  }
0xa5: {  	s26 =	simm.s32 $execute0_lowered;
	[smem:$0x3FD2] =	sst s25  }
0xa6: {  	s5 =	sshll.u32 s26, $0x1;
	_ =	strace $0x8000004C;
	[dreg:$0x1] =	wrdreg $0xFFFFFFFF  }
0xa7: {  	s28 =	simm.s32 $_size_execute0_lowered;
	s3 =	sadd.s32 s3, s5;
	[dreg:$0x0] =	wrdreg $0x0  }
0xa8: {  	s5 =	sshll.u32 s28, $0x1;
	[dreg:$0x2] =	wrdreg s3  }
0xa9: {  	[dreg:$0x3] =	wrdreg s5  }
0xaa: {  	[dreg:$0x4] =	wrdreg $0xC0  }
0xab: {  	_ =	task [dreg:s7], $0x5FFFF  }
0xac: {  	[dreg:$0x1] =	wrdreg $0xFFFFFFFF  }
0xad: {  	[dreg:$0x0] =	wrdreg $0x60  }
0xae: {  	[dreg:$0x2] =	wrdreg s2  }
0xaf: {  	[dreg:$0x3] =	wrdreg s24  }
0xb0: {  	[dreg:$0x4] =	wrdreg $0x0  }
0xb1: {  	[dreg:$0x5] =	wrdreg $0x9  }
0xb2: {  	_ =	task.clear_ibuf [dreg:s7], $0x6FFFF;
	_ =	strace $0x9000004C  }
0xb3: {  	s29 =	simm.s32 $0x9;
	_ =	strace $0x8000004E  }
0xb4: {  	_ =	swait.ge [sflag:s29], $0x1  }
0xb5: {  	[sflag:s29] =	ssyncadd.s32 $0xFFFFFFFF  }
0xb6: {  	_ =	strace $0x9000004E  }
0xb7: {  	_ =	sfence  }
0xb8: {  	s30 =	sld [smem:$0x0];
	_ =	sdelay $0x2  }
0xb9: {  	s31 =	sshll.u32 s1, $0xD;
	s1 =	sshrl.u32 s1, $0x2  }
0xba: {  	s3 =	sand.u32 $0x4000, s31;
	s1 =	sadd.s32 s1, s30  }
0xbb: {  	s0 =	sor.u32 s3, s0;
	s1 =	sshll.u32 s1, $0x11  }
0xbc: {  	s0 =	sor.u32 s1, s0  }
0xbd: {  	s0 =	sadd.s32 $0x8F2B, s0  }
0xbe: {  	[sflag:s0] =	ssyncadd.remote.s32 $0x1  }
0xbf: {  	_ =	sfence.sel $0xFFFF  }
0xc0: {  	[dreg:$0x0] =	wrdreg $0xFFFFFFFF;
	(pc) =	sbr.abs _section_cstart, $3  }
0xc1: {  	[dreg:$0x1] =	wrdreg $0xFFFFFFFF  }
0xc2: {  	_ =	task.clear_ibuf [dreg:s7], $0x2FFFF;
	_ =	strace $0x9FFFFFFF  }
0xc3: {  	(tm) =	ssettm $0x7FFFFFFF  }
tec
execute0_lowered:
.L_overlay_start_1:
0x0: {  	(tag) =	ssettag $0x1  }
0x1: {  	s1 =	rddreg [dreg:$0x0]  }
0x2: {  	s0 =	rddreg [dreg:$0x1]  }
0x3: {  	s2 =	rddreg [dreg:$0x2];
	s3 =	simm.s32 $0x0  }
0x4: {  	s4 =	srdreg.scid;
	s8 =	stileid.u32;
	s28 =	simm.s32 $0x2  }
0x5: {  	s29 =	simm.s32 $0xB380;
	s30 =	simm.s32 $0xC700;
	s31 =	simm.s32 $0xC780  }
0x6: {  	[smem:$0x7FF] =	sst s3;
	s10 =	sadd.s32 $0xC800, s0;
	s4 =	sand.u32 $0x1, s4  }
0x7: {  	s13 =	sadd.s32 $0x2800, s0;
	s7 =	sshll.u32 s8, $0x1;
	s14 =	smul.u32 $0x14000, s8  }
0x8: {  	s0 =	sadd.s32 $0x16800, s0;
	_ =	strace $0x8000004D;
	s5 =	ssub.s32 $0x2, s4  }
0x9: {  	s9 =	sor.u32 s4, s7;
	s4 =	smul.u32 $0x140000, s4;
	s6 =	sshrl.u32 s5, $0x1  }
0xa: {  	s21 =	sshrl.u32 s14, $0x1;
	s15 =	sadd.s32 $0x4000, s14;
	s16 =	sadd.s32 $0x8000, s14  }
0xb: {  	s17 =	sadd.s32 $0xC000, s14;
	s18 =	sadd.s32 $0x10000, s14;
	s11 =	smul.u32 $0x2800, s9  }
0xc: {  	s20 =	smul.u32 $0x500, s9;
	s19 =	ssub.s32 s5, s6;
	s5 =	sadd.s32 s21, s2  }
0xd: {  	s22 =	sshrl.u32 s15, $0x1;
	s23 =	sshrl.u32 s16, $0x1;
	s24 =	sshrl.u32 s17, $0x1  }
0xe: {  	s12 =	sshrl.u32 s18, $0x1;
	s17 =	sadd.s32 s4, s17;
	s6 =	sadd.s32 s22, s2  }
0xf: {  	s7 =	sadd.s32 s23, s2;
	s8 =	sadd.s32 s24, s2;
	s9 =	sadd.s32 s12, s2  }
0x10: {  	s25 =	sshrl.u32 s11, $0x3;
	s26 =	sadd.s32 s10, s20;
	s20 =	sadd.s32 s13, s20  }
0x11: {  	s22 =	sadd.s32 s14, s4;
	s23 =	sadd.s32 s4, s15;
	[dreg:$0x4] =	wrdreg s26  }
0x12: {  	s19 =	smax.u32 s19, $0x1;
	[dreg:$0x5] =	wrdreg s20;
	s21 =	sadd.s32 $0x280, s25  }
0x13: {  	s15 =	sshrl.u32 s23, $0x4;
	s25 =	sadd.s32 s4, s16;
	s4 =	sadd.s32 s4, s18  }
0x14: {  	s26 =	sshrl.u32 s17, $0x4;
	s20 =	simm.s32 $0xC800;
	s23 =	simm.s32 $0xB400  }
0x15: {  	s10 =	sadd.s32 s10, s21;
	s24 =	sadd.s32 s13, s21;
	s15 =	sadd.s32 s0, s15  }
0x16: {  	s4 =	sshrl.u32 s4, $0x4;
	s17 =	sadd.s32 s0, s26;
	[dreg:$0x6] =	wrdreg s10  }
0x17: {  	s21 =	simm.s32 $0x3;
	s26 =	simm.s32 $0x1;
	[dreg:$0x7] =	wrdreg s24  }
0x18: {  	s10 =	sshrl.u32 s22, $0x4;
	s18 =	sadd.s32 s0, s4;
	s22 =	simm.s32 $0xA000  }
0x19: {  	s24 =	simm.s32 $0x80;
	s14 =	sadd.s32 s0, s10;
	s10 =	sshrl.u32 s25, $0x4  }
0x1a: {  	v0 =	vimm.bf16 $0.0e+00;
	s25 =	simm.s32 $0xE800;
	s16 =	sadd.s32 s0, s10;
	s0 =	simm.s32 $0x0  }
.LBB2_1:
0x1b: {  	s10 =	simm.s32 $0x100;
	s4 =	simm.s32 $0x0  }
.LBB2_2:
0x1c: {  	p0 =	sne.s32 s10, $0x7F00;
	[tilespmem:s4+$0xC830] =	vst v0;
	s11 =	smov.u32 s10;
	s10 =	sadd.s32 $0x100, s10  }
.Ltmp0:
0x1d: {  	[tilespmem:s4+$0xC820] =	vst v0;
	(pc) =	sbr.rel @p0 .LBB2_2-.Ltmp0, $3  }
0x1e: {  	[tilespmem:s4+$0xC800] =	vst v0  }
0x1f: {  	[tilespmem:s4+$0xC810] =	vst v0;
	_ =	sdelay $0x1  }
0x20: {  	s4 =	sshra.s32 s11, $0x2  }
0x21: {  	[tilespmem:s4+$0xC830] =	vst v0  }
0x22: {  	[tilespmem:s4+$0xC820] =	vst v0  }
0x23: {  	[tilespmem:s4+$0xC800] =	vst v0  }
0x24: {  	[tilespmem:s4+$0xC810] =	vst v0  }
0x25: {  	[spmem:s5] =	stream.linear.scatter [tilespmem:s20], [sflag:$0x3], $0x2000, $0x38;
	[tilespmem:$0x10800] =	vst v63  }
0x26: {  	_ =	swait.ge [sflag:s21], $0x2000  }
0x27: {  	[sflag:s21] =	ssyncset.done $0x0  }
0x28: {  	[sflag:s21] =	ssyncadd.s32 $0xFFFFE000  }
0x29: {  	[spmem:s6] =	stream.linear.scatter [tilespmem:s20], [sflag:$0x3], $0x2000, $0x38;
	[tilespmem:$0x10800] =	vst v63  }
0x2a: {  	_ =	swait.ge [sflag:s21], $0x2000  }
0x2b: {  	[sflag:s21] =	ssyncset.done $0x0  }
0x2c: {  	[sflag:s21] =	ssyncadd.s32 $0xFFFFE000  }
0x2d: {  	[spmem:s7] =	stream.linear.scatter [tilespmem:s20], [sflag:$0x3], $0x2000, $0x38;
	[tilespmem:$0x10800] =	vst v63  }
0x2e: {  	_ =	swait.ge [sflag:s21], $0x2000  }
0x2f: {  	[sflag:s21] =	ssyncset.done $0x0  }
0x30: {  	[sflag:s21] =	ssyncadd.s32 $0xFFFFE000  }
0x31: {  	[spmem:s8] =	stream.linear.scatter [tilespmem:s20], [sflag:$0x3], $0x2000, $0x38;
	[tilespmem:$0x10800] =	vst v63  }
0x32: {  	_ =	swait.ge [sflag:s21], $0x2000  }
0x33: {  	[sflag:s21] =	ssyncset.done $0x0  }
0x34: {  	[sflag:s21] =	ssyncadd.s32 $0xFFFFE000  }
0x35: {  	[spmem:s9] =	stream.linear.scatter [tilespmem:s20], [sflag:$0x3], $0x2000, $0x38;
	[tilespmem:$0x10800] =	vst v63  }
0x36: {  	_ =	swait.ge [sflag:s21], $0x2000  }
0x37: {  	[sflag:s21] =	ssyncset.done $0x0  }
0x38: {  	[sflag:s21] =	ssyncadd.s32 $0xFFFFE000  }
0x39: {  	[bflag:$0x0] =	sbarrier.arrive $0xFFFF  }
0x3a: {  	s12 =	simm.s32 $0x0;
	s10 =	rddreg [dreg:$0x4]  }
0x3b: {  	[tilespmem:s22], [sflag:$0x3] =	stream.linear.gather [hbm4b:s10+s12], $0x1400, $0x38;
	[tilespmem:$0x10800] =	vst v63  }
0x3c: {  	_ =	swait.ge [sflag:s21], $0x1400  }
0x3d: {  	[sflag:s21] =	ssyncset.done $0x0  }
0x3e: {  	s13 =	rddreg [dreg:$0x5];
	[sflag:s21] =	ssyncadd.s32 $0xFFFFEC00  }
0x3f: {  	[tilespmem:s23], [sflag:$0x3] =	stream.linear.gather [hbm4b:s13+s12], $0x1400, $0x38;
	[tilespmem:$0x10800] =	vst v63  }
0x40: {  	_ =	swait.ge [sflag:s21], $0x1400  }
0x41: {  	[sflag:s21] =	ssyncset.done $0x0  }
0x42: {  	[sflag:s21] =	ssyncadd.s32 $0xFFFFEC00  }
0x43: {  	[tilespmem:s20], [sflag:$0x1] =	stream.indirect.gather [hbm4b:s1+s24], $0x40, s22, s24, $0xb8;
	[tilespmem:$0x10800] =	vst v63  }
0x44: {  	s10 =	simm.s32 $0xA080  }
0x45: {  	[tilespmem:s25], [sflag:$0x2] =	stream.indirect.gather [hbm4b:s1+s24], $0x40, s10, s24, $0xb8;
	[tilespmem:$0x10800] =	vst v63  }
0x46: {  	_ =	swait.ge [sflag:s26], $0x2000  }
0x47: {  	[sflag:s26] =	ssyncset.done $0x0  }
0x48: {  	s11 =	simm.s32 $0xB400;
	[sflag:s26] =	ssyncadd.s32 $0xFFFFE000  }
0x49: {  	[spmem:s2] =	stream.indirect.scatter.add.bf16 [tilespmem:s20], [sflag:$0x3], $0x40, s11, s24, $0xb8;
	[tilespmem:$0x10800] =	vst v63  }
0x4a: {  	_ =	swait.ge [sflag:s21], $0x2000  }
0x4b: {  	[sflag:s21] =	ssyncset.done $0x0  }
0x4c: {  	s12 =	simm.s32 $0xA100;
	[sflag:s21] =	ssyncadd.s32 $0xFFFFE000  }
0x4d: {  	[tilespmem:s20], [sflag:$0x1] =	stream.indirect.gather [hbm4b:s1+s24], $0x40, s12, s24, $0xb8;
	[tilespmem:$0x10800] =	vst v63  }
0x4e: {  	_ =	swait.ge [sflag:s28], $0x2000  }
0x4f: {  	[sflag:s28] =	ssyncset.done $0x0  }
0x50: {  	s13 =	simm.s32 $0xB480;
	[sflag:s28] =	ssyncadd.s32 $0xFFFFE000  }
0x51: {  	[spmem:s2] =	stream.indirect.scatter.add.bf16 [tilespmem:s25], [sflag:$0x3], $0x40, s13, s24, $0xb8;
	[tilespmem:$0x10800] =	vst v63  }
0x52: {  	_ =	swait.ge [sflag:s21], $0x2000  }
0x53: {  	s4 =	simm.s32 $0x100;
	s10 =	simm.s32 $0x800;
	[sflag:s21] =	ssyncset.done $0x0  }
.LBB2_4:
0x54: {  	s11 =	sadd.s32 $0xA080, s4  }
0x55: {  	[sflag:s21] =	ssyncadd.s32 $0xFFFFE000;
	s12 =	smov.u32 s10;
	s13 =	sadd.s32 $0x400, s10  }
0x56: {  	[tilespmem:s25], [sflag:$0x2] =	stream.indirect.gather [hbm4b:s1+s24], $0x40, s11, s24, $0xb8;
	[tilespmem:$0x10800] =	vst v63  }
0x57: {  	p0 =	sne.s32 s10, $0x4800;
	_ =	swait.ge [sflag:s26], $0x2000  }
0x58: {  	[sflag:s26] =	ssyncset.done $0x0  }
0x59: {  	s10 =	sadd.s32 $0xB400, s4;
	[sflag:s26] =	ssyncadd.s32 $0xFFFFE000  }
0x5a: {  	[spmem:s2] =	stream.indirect.scatter.add.bf16 [tilespmem:s20], [sflag:$0x3], $0x40, s10, s24, $0xb8;
	[tilespmem:$0x10800] =	vst v63  }
0x5b: {  	_ =	swait.ge [sflag:s21], $0x2000  }
0x5c: {  	[sflag:s21] =	ssyncset.done $0x0  }
0x5d: {  	s10 =	sadd.s32 $0xA100, s4;
	[sflag:s21] =	ssyncadd.s32 $0xFFFFE000  }
0x5e: {  	[tilespmem:s20], [sflag:$0x1] =	stream.indirect.gather [hbm4b:s1+s24], $0x40, s10, s24, $0xb8;
	[tilespmem:$0x10800] =	vst v63  }
0x5f: {  	_ =	swait.ge [sflag:s28], $0x2000  }
.Ltmp1:
0x60: {  	[sflag:s28] =	ssyncset.done $0x0;
	(pc) =	sbr.rel @p0 .LBB2_4-.Ltmp1, $4  }
0x61: {  	s4 =	sadd.s32 $0xB480, s4;
	[sflag:s28] =	ssyncadd.s32 $0xFFFFE000  }
0x62: {  	[spmem:s2] =	stream.indirect.scatter.add.bf16 [tilespmem:s25], [sflag:$0x3], $0x40, s4, s24, $0xb8;
	[tilespmem:$0x10800] =	vst v63  }
0x63: {  	_ =	swait.ge [sflag:s21], $0x2000  }
0x64: {  	s10 =	smov.u32 s13;
	s4 =	sshra.s32 s12, $0x2;
	[sflag:s21] =	ssyncset.done $0x0  }
0x65: {  	s10 =	sadd.s32 $0xA080, s4;
	[sflag:s21] =	ssyncadd.s32 $0xFFFFE000  }
0x66: {  	[tilespmem:s25], [sflag:$0x2] =	stream.indirect.gather [hbm4b:s1+s24], $0x40, s10, s24, $0xb8;
	[tilespmem:$0x10800] =	vst v63  }
0x67: {  	_ =	swait.ge [sflag:s26], $0x2000  }
0x68: {  	[sflag:s26] =	ssyncset.done $0x0  }
0x69: {  	s12 =	sadd.s32 $0xB400, s4;
	[sflag:s26] =	ssyncadd.s32 $0xFFFFE000  }
0x6a: {  	[spmem:s2] =	stream.indirect.scatter.add.bf16 [tilespmem:s20], [sflag:$0x3], $0x40, s12, s24, $0xb8;
	[tilespmem:$0x10800] =	vst v63  }
0x6b: {  	_ =	swait.ge [sflag:s21], $0x2000  }
0x6c: {  	[sflag:s21] =	ssyncset.done $0x0  }
0x6d: {  	s13 =	sadd.s32 $0xA100, s4;
	[sflag:s21] =	ssyncadd.s32 $0xFFFFE000  }
0x6e: {  	[tilespmem:s20], [sflag:$0x1] =	stream.indirect.gather [hbm4b:s1+s24], $0x40, s13, s24, $0xb8;
	[tilespmem:$0x10800] =	vst v63  }
0x6f: {  	_ =	swait.ge [sflag:s28], $0x2000  }
0x70: {  	[sflag:s28] =	ssyncset.done $0x0  }
0x71: {  	s10 =	sadd.s32 $0xB480, s4;
	[sflag:s28] =	ssyncadd.s32 $0xFFFFE000  }
0x72: {  	[spmem:s2] =	stream.indirect.scatter.add.bf16 [tilespmem:s25], [sflag:$0x3], $0x40, s10, s24, $0xb8;
	[tilespmem:$0x10800] =	vst v63  }
0x73: {  	_ =	swait.ge [sflag:s21], $0x2000  }
0x74: {  	[sflag:s21] =	ssyncset.done $0x0  }
0x75: {  	[sflag:s21] =	ssyncadd.s32 $0xFFFFE000  }
0x76: {  	[tilespmem:s25], [sflag:$0x2] =	stream.indirect.gather [hbm4b:s1+s24], $0x40, s29, s24, $0xb8;
	[tilespmem:$0x10800] =	vst v63  }
0x77: {  	_ =	swait.ge [sflag:s26], $0x2000  }
0x78: {  	[sflag:s26] =	ssyncset.done $0x0  }
0x79: {  	[sflag:s26] =	ssyncadd.s32 $0xFFFFE000  }
0x7a: {  	[spmem:s2] =	stream.indirect.scatter.add.bf16 [tilespmem:s20], [sflag:$0x3], $0x40, s30, s24, $0xb8;
	[tilespmem:$0x10800] =	vst v63  }
0x7b: {  	_ =	swait.ge [sflag:s21], $0x2000  }
0x7c: {  	[sflag:s21] =	ssyncset.done $0x0  }
0x7d: {  	[sflag:s21] =	ssyncadd.s32 $0xFFFFE000  }
0x7e: {  	_ =	swait.ge [sflag:s28], $0x2000  }
0x7f: {  	[sflag:s28] =	ssyncset.done $0x0  }
0x80: {  	[sflag:s28] =	ssyncadd.s32 $0xFFFFE000  }
0x81: {  	[spmem:s2] =	stream.indirect.scatter.add.bf16 [tilespmem:s25], [sflag:$0x3], $0x40, s31, s24, $0xb8;
	[tilespmem:$0x10800] =	vst v63  }
0x82: {  	_ =	swait.ge [sflag:s21], $0x2000  }
0x83: {  	[sflag:s21] =	ssyncset.done $0x0  }
0x84: {  	s11 =	simm.s32 $0x0;
	s12 =	rddreg [dreg:$0x6];
	[sflag:s21] =	ssyncadd.s32 $0xFFFFE000  }
0x85: {  	[tilespmem:s22], [sflag:$0x3] =	stream.linear.gather [hbm4b:s12+s11], $0x1400, $0x38;
	[tilespmem:$0x10800] =	vst v63  }
0x86: {  	_ =	swait.ge [sflag:s21], $0x1400  }
0x87: {  	[sflag:s21] =	ssyncset.done $0x0  }
0x88: {  	s13 =	rddreg [dreg:$0x7];
	[sflag:s21] =	ssyncadd.s32 $0xFFFFEC00  }
0x89: {  	[tilespmem:s23], [sflag:$0x3] =	stream.linear.gather [hbm4b:s13+s11], $0x1400, $0x38;
	[tilespmem:$0x10800] =	vst v63  }
0x8a: {  	_ =	swait.ge [sflag:s21], $0x1400  }
0x8b: {  	[sflag:s21] =	ssyncset.done $0x0  }
0x8c: {  	[sflag:s21] =	ssyncadd.s32 $0xFFFFEC00  }
0x8d: {  	[tilespmem:s20], [sflag:$0x1] =	stream.indirect.gather [hbm4b:s1+s24], $0x40, s22, s24, $0xb8;
	[tilespmem:$0x10800] =	vst v63  }
0x8e: {  	s10 =	simm.s32 $0xA080  }
0x8f: {  	[tilespmem:s25], [sflag:$0x2] =	stream.indirect.gather [hbm4b:s1+s24], $0x40, s10, s24, $0xb8;
	[tilespmem:$0x10800] =	vst v63  }
0x90: {  	_ =	swait.ge [sflag:s26], $0x2000  }
0x91: {  	[sflag:s26] =	ssyncset.done $0x0  }
0x92: {  	s11 =	simm.s32 $0xB400;
	[sflag:s26] =	ssyncadd.s32 $0xFFFFE000  }
0x93: {  	[spmem:s2] =	stream.indirect.scatter.add.bf16 [tilespmem:s20], [sflag:$0x3], $0x40, s11, s24, $0xb8;
	[tilespmem:$0x10800] =	vst v63  }
0x94: {  	_ =	swait.ge [sflag:s21], $0x2000  }
0x95: {  	[sflag:s21] =	ssyncset.done $0x0  }
0x96: {  	s12 =	simm.s32 $0xA100;
	[sflag:s21] =	ssyncadd.s32 $0xFFFFE000  }
0x97: {  	[tilespmem:s20], [sflag:$0x1] =	stream.indirect.gather [hbm4b:s1+s24], $0x40, s12, s24, $0xb8;
	[tilespmem:$0x10800] =	vst v63  }
0x98: {  	_ =	swait.ge [sflag:s28], $0x2000  }
0x99: {  	[sflag:s28] =	ssyncset.done $0x0  }
0x9a: {  	s13 =	simm.s32 $0xB480;
	[sflag:s28] =	ssyncadd.s32 $0xFFFFE000  }
0x9b: {  	[spmem:s2] =	stream.indirect.scatter.add.bf16 [tilespmem:s25], [sflag:$0x3], $0x40, s13, s24, $0xb8;
	[tilespmem:$0x10800] =	vst v63  }
0x9c: {  	_ =	swait.ge [sflag:s21], $0x2000  }
0x9d: {  	s4 =	simm.s32 $0x100;
	s10 =	simm.s32 $0x800;
	[sflag:s21] =	ssyncset.done $0x0  }
.LBB2_6:
0x9e: {  	s11 =	sadd.s32 $0xA080, s4  }
0x9f: {  	[sflag:s21] =	ssyncadd.s32 $0xFFFFE000;
	s12 =	smov.u32 s10;
	s13 =	sadd.s32 $0x400, s10  }
0xa0: {  	[tilespmem:s25], [sflag:$0x2] =	stream.indirect.gather [hbm4b:s1+s24], $0x40, s11, s24, $0xb8;
	[tilespmem:$0x10800] =	vst v63  }
0xa1: {  	p0 =	sne.s32 s10, $0x4800;
	_ =	swait.ge [sflag:s26], $0x2000  }
0xa2: {  	[sflag:s26] =	ssyncset.done $0x0  }
0xa3: {  	s10 =	sadd.s32 $0xB400, s4;
	[sflag:s26] =	ssyncadd.s32 $0xFFFFE000  }
0xa4: {  	[spmem:s2] =	stream.indirect.scatter.add.bf16 [tilespmem:s20], [sflag:$0x3], $0x40, s10, s24, $0xb8;
	[tilespmem:$0x10800] =	vst v63  }
0xa5: {  	_ =	swait.ge [sflag:s21], $0x2000  }
0xa6: {  	[sflag:s21] =	ssyncset.done $0x0  }
0xa7: {  	s10 =	sadd.s32 $0xA100, s4;
	[sflag:s21] =	ssyncadd.s32 $0xFFFFE000  }
0xa8: {  	[tilespmem:s20], [sflag:$0x1] =	stream.indirect.gather [hbm4b:s1+s24], $0x40, s10, s24, $0xb8;
	[tilespmem:$0x10800] =	vst v63  }
0xa9: {  	_ =	swait.ge [sflag:s28], $0x2000  }
.Ltmp2:
0xaa: {  	[sflag:s28] =	ssyncset.done $0x0;
	(pc) =	sbr.rel @p0 .LBB2_6-.Ltmp2, $4  }
0xab: {  	s4 =	sadd.s32 $0xB480, s4;
	[sflag:s28] =	ssyncadd.s32 $0xFFFFE000  }
0xac: {  	[spmem:s2] =	stream.indirect.scatter.add.bf16 [tilespmem:s25], [sflag:$0x3], $0x40, s4, s24, $0xb8;
	[tilespmem:$0x10800] =	vst v63  }
0xad: {  	_ =	swait.ge [sflag:s21], $0x2000  }
0xae: {  	s10 =	smov.u32 s13;
	s4 =	sshra.s32 s12, $0x2;
	[sflag:s21] =	ssyncset.done $0x0  }
0xaf: {  	s10 =	sadd.s32 $0xA080, s4;
	[sflag:s21] =	ssyncadd.s32 $0xFFFFE000  }
0xb0: {  	[tilespmem:s25], [sflag:$0x2] =	stream.indirect.gather [hbm4b:s1+s24], $0x40, s10, s24, $0xb8;
	[tilespmem:$0x10800] =	vst v63  }
0xb1: {  	_ =	swait.ge [sflag:s26], $0x2000  }
0xb2: {  	[sflag:s26] =	ssyncset.done $0x0  }
0xb3: {  	s11 =	sadd.s32 $0xB400, s4;
	[sflag:s26] =	ssyncadd.s32 $0xFFFFE000  }
0xb4: {  	[spmem:s2] =	stream.indirect.scatter.add.bf16 [tilespmem:s20], [sflag:$0x3], $0x40, s11, s24, $0xb8;
	[tilespmem:$0x10800] =	vst v63  }
0xb5: {  	_ =	swait.ge [sflag:s21], $0x2000  }
0xb6: {  	[sflag:s21] =	ssyncset.done $0x0  }
0xb7: {  	s12 =	sadd.s32 $0xA100, s4;
	[sflag:s21] =	ssyncadd.s32 $0xFFFFE000  }
0xb8: {  	[tilespmem:s20], [sflag:$0x1] =	stream.indirect.gather [hbm4b:s1+s24], $0x40, s12, s24, $0xb8;
	[tilespmem:$0x10800] =	vst v63  }
0xb9: {  	_ =	swait.ge [sflag:s28], $0x2000  }
0xba: {  	[sflag:s28] =	ssyncset.done $0x0  }
0xbb: {  	s13 =	sadd.s32 $0xB480, s4;
	[sflag:s28] =	ssyncadd.s32 $0xFFFFE000  }
0xbc: {  	[spmem:s2] =	stream.indirect.scatter.add.bf16 [tilespmem:s25], [sflag:$0x3], $0x40, s13, s24, $0xb8;
	[tilespmem:$0x10800] =	vst v63  }
0xbd: {  	_ =	swait.ge [sflag:s21], $0x2000  }
0xbe: {  	[sflag:s21] =	ssyncset.done $0x0  }
0xbf: {  	[sflag:s21] =	ssyncadd.s32 $0xFFFFE000  }
0xc0: {  	[tilespmem:s25], [sflag:$0x2] =	stream.indirect.gather [hbm4b:s1+s24], $0x40, s29, s24, $0xb8;
	[tilespmem:$0x10800] =	vst v63  }
0xc1: {  	_ =	swait.ge [sflag:s26], $0x2000  }
0xc2: {  	[sflag:s26] =	ssyncset.done $0x0  }
0xc3: {  	[sflag:s26] =	ssyncadd.s32 $0xFFFFE000  }
0xc4: {  	[spmem:s2] =	stream.indirect.scatter.add.bf16 [tilespmem:s20], [sflag:$0x3], $0x40, s30, s24, $0xb8;
	[tilespmem:$0x10800] =	vst v63  }
0xc5: {  	_ =	swait.ge [sflag:s21], $0x2000  }
0xc6: {  	[sflag:s21] =	ssyncset.done $0x0  }
0xc7: {  	[sflag:s21] =	ssyncadd.s32 $0xFFFFE000  }
0xc8: {  	_ =	swait.ge [sflag:s28], $0x2000  }
0xc9: {  	[sflag:s28] =	ssyncset.done $0x0  }
0xca: {  	[sflag:s28] =	ssyncadd.s32 $0xFFFFE000  }
0xcb: {  	[spmem:s2] =	stream.indirect.scatter.add.bf16 [tilespmem:s25], [sflag:$0x3], $0x40, s31, s24, $0xb8;
	[tilespmem:$0x10800] =	vst v63  }
0xcc: {  	_ =	swait.ge [sflag:s21], $0x2000  }
0xcd: {  	[sflag:s21] =	ssyncset.done $0x0  }
0xce: {  	[sflag:s21] =	ssyncadd.s32 $0xFFFFE000  }
0xcf: {  	[bflag:$0x0] =	sbarrier.arrive $0xFFFF  }
0xd0: {  	[tilespmem:s20], [sflag:$0x3] =	stream.linear.gather [spmem:s5], $0x2000, $0x38;
	[tilespmem:$0x10800] =	vst v63  }
0xd1: {  	_ =	swait.ge [sflag:s21], $0x2000  }
0xd2: {  	[sflag:s21] =	ssyncset.done $0x0  }
0xd3: {  	[sflag:s21] =	ssyncadd.s32 $0xFFFFE000  }
0xd4: {  	[hbm4b:s14+s3] =	stream.linear.scatter [tilespmem:s20], [sflag:$0x3], $0x2000, $0x38;
	[tilespmem:$0x10800] =	vst v63  }
0xd5: {  	_ =	swait.ge [sflag:s21], $0x2000  }
0xd6: {  	[sflag:s21] =	ssyncset.done $0x0  }
0xd7: {  	[sflag:s21] =	ssyncadd.s32 $0xFFFFE000  }
0xd8: {  	[tilespmem:s20], [sflag:$0x3] =	stream.linear.gather [spmem:s6], $0x2000, $0x38;
	[tilespmem:$0x10800] =	vst v63  }
0xd9: {  	_ =	swait.ge [sflag:s21], $0x2000  }
0xda: {  	[sflag:s21] =	ssyncset.done $0x0  }
0xdb: {  	[sflag:s21] =	ssyncadd.s32 $0xFFFFE000  }
0xdc: {  	[hbm4b:s15+s3] =	stream.linear.scatter [tilespmem:s20], [sflag:$0x3], $0x2000, $0x38;
	[tilespmem:$0x10800] =	vst v63  }
0xdd: {  	_ =	swait.ge [sflag:s21], $0x2000  }
0xde: {  	[sflag:s21] =	ssyncset.done $0x0  }
0xdf: {  	[sflag:s21] =	ssyncadd.s32 $0xFFFFE000  }
0xe0: {  	[tilespmem:s20], [sflag:$0x3] =	stream.linear.gather [spmem:s7], $0x2000, $0x38;
	[tilespmem:$0x10800] =	vst v63  }
0xe1: {  	_ =	swait.ge [sflag:s21], $0x2000  }
0xe2: {  	[sflag:s21] =	ssyncset.done $0x0  }
0xe3: {  	[sflag:s21] =	ssyncadd.s32 $0xFFFFE000  }
0xe4: {  	[hbm4b:s16+s3] =	stream.linear.scatter [tilespmem:s20], [sflag:$0x3], $0x2000, $0x38;
	[tilespmem:$0x10800] =	vst v63  }
0xe5: {  	_ =	swait.ge [sflag:s21], $0x2000  }
0xe6: {  	[sflag:s21] =	ssyncset.done $0x0  }
0xe7: {  	[sflag:s21] =	ssyncadd.s32 $0xFFFFE000  }
0xe8: {  	[tilespmem:s20], [sflag:$0x3] =	stream.linear.gather [spmem:s8], $0x2000, $0x38;
	[tilespmem:$0x10800] =	vst v63  }
0xe9: {  	_ =	swait.ge [sflag:s21], $0x2000  }
0xea: {  	[sflag:s21] =	ssyncset.done $0x0  }
0xeb: {  	[sflag:s21] =	ssyncadd.s32 $0xFFFFE000  }
0xec: {  	[hbm4b:s17+s3] =	stream.linear.scatter [tilespmem:s20], [sflag:$0x3], $0x2000, $0x38;
	[tilespmem:$0x10800] =	vst v63  }
0xed: {  	_ =	swait.ge [sflag:s21], $0x2000  }
0xee: {  	[sflag:s21] =	ssyncset.done $0x0  }
0xef: {  	[sflag:s21] =	ssyncadd.s32 $0xFFFFE000  }
0xf0: {  	[tilespmem:s20], [sflag:$0x3] =	stream.linear.gather [spmem:s9], $0x2000, $0x38;
	[tilespmem:$0x10800] =	vst v63  }
0xf1: {  	s0 =	sadd.s32 $0x1, s0;
	_ =	swait.ge [sflag:s21], $0x2000  }
0xf2: {  	p0 =	sne.s32 s0, s19;
	[sflag:s21] =	ssyncset.done $0x0  }
.Ltmp3:
0xf3: {  	[sflag:s21] =	ssyncadd.s32 $0xFFFFE000;
	(pc) =	sbr.rel @p0 .LBB2_1-.Ltmp3, $4  }
0xf4: {  	[hbm4b:s18+s3] =	stream.linear.scatter [tilespmem:s20], [sflag:$0x3], $0x2000, $0x38;
	[tilespmem:$0x10800] =	vst v63  }
0xf5: {  	_ =	swait.ge [sflag:s21], $0x2000  }
0xf6: {  	[sflag:s21] =	ssyncset.done $0x0  }
0xf7: {  	[sflag:s21] =	ssyncadd.s32 $0xFFFFE000  }
0xf8: {  	_ =	sfence.sel $0x180000  }
0xf9: {  	[bflag:$0x0] =	sbarrier.arrive $0xFFFF  }
0xfa: {  	_ =	strace $0x9000004D  }
0xfb: {  	s0 =	stileid.u32;
	[bflag:$0x2] =	sbarrier.arrive $0xFFFF  }
0xfc: {  	p0 =	sne.s32 s0, $0x0;
	s0 =	rddreg [dreg:$0x3]  }
0xfd: {  	s0 =	sadd.s32 @!p0 $0x100000, s0  }
0xfe: {  	[sflag:s0] =	ssyncadd.tile.s32 @!p0 $0x1;
	_ =	shalt  }
.Lfunc_end2:
_tile_overlayer_lowered:
.L_overlay_start_2:
0xff: {  	(tag) =	ssettag $0x2  }
0x100: {  	s0 =	rddreg [dreg:$0x0];
	s2 =	stileid.u32  }
0x101: {  	s1 =	rddreg [dreg:$0x1];
	p0 =	sne.s32 s2, $0x0  }
0x102: {  	s3 =	rddreg [dreg:$0x2];
	[bflag:$0x3] =	sbarrier.arrive $0xFFFF;
	s2 =	simm.s32 @!p0 $0x1C03  }
0x103: {  	[timem:s3], [sflag:s2] =	dma.local @!p0 [hbm:s0], s1  }
0x104: {  	s0 =	simm.s32 @!p0 $0x3  }
0x105: {  	_ =	swait.ge @!p0 [sflag:s0], s1  }
0x106: {  	s1 =	ssub.s32 @!p0 $0x0, s1;
	[sflag:s0] =	ssyncset.done @!p0 $0x0  }
0x107: {  	[sflag:s0] =	ssyncadd.s32 @!p0 s1  }
0x108: {  	[bflag:$0x3] =	sbarrier.arrive $0xFFFF  }
0x109: {  	_ =	shalt  }

// kernel: kernel.8.cloned.1.call-start
scs
__scs_entry_jumppad:
0x0: {  	(pc) =	sbr.rel $0x88, $3  }
0x1: {  	(tag) =	ssettag $0x0;
	lr =	simm.s32 $0x1  }
0x2: {  	[smem:$0x3F97] =	sst lr;
	_ =	strace $0xD0000000  }
0x3: {  	_ = 	snop  }
0x4: {  	_ = 	snop  }
0x5: {  	_ = 	snop  }
0x6: {  	_ = 	snop  }
0x7: {  	_ = 	snop  }
__scs_overlays_trampoline_lowered:
0x8: {  	[smem:$0x3FA6] =	sst s0  }
0x9: {  	[smem:$0x3FA7] =	sst s1  }
0xa: {  	[smem:$0x3FA8] =	sst s2  }
0xb: {  	[smem:$0x3FA9] =	sst s3  }
0xc: {  	[smem:$0x3FAA] =	sst s4  }
0xd: {  	[smem:$0x3FAB] =	sst s5  }
0xe: {  	[smem:$0x3FAC] =	sst s6  }
0xf: {  	[smem:$0x3FAD] =	sst s7  }
0x10: {  	[smem:$0x3FAE] =	sst s8  }
0x11: {  	[smem:$0x3FAF] =	sst s9;
	s0 =	simm.s32 @!p0 $0x0  }
0x12: {  	s1 =	sld [smem:$0x3F95];
	s0 =	simm.s32 @p0 $0x1  }
0x13: {  	[smem:$0x3FB0] =	sst s0;
	s0 =	simm.s32 @!p1 $0x0  }
0x14: {  	s2 =	sld [smem:$0x3F94];
	s0 =	simm.s32 @p1 $0x1  }
0x15: {  	[smem:$0x3FB1] =	sst s0;
	s0 =	simm.s32 @!p2 $0x0  }
0x16: {  	s3 =	sld [smem:$0x3FDB];
	s0 =	simm.s32 @p2 $0x1  }
0x17: {  	s4 =	simm.s32 $0x1BF5;
	[smem:$0x3FB3] =	sst s0  }
0x18: {  	s0 =	sld [smem:$0x3F96];
	_ =	swait.ge [sflag:s4], $0x0  }
0x19: {  	s7 =	sld [smem:$0x3F97]  }
0x1a: {  	s8 =	sadd.s32 $0xFFFFE003, lr  }
0x1b: {  	s9 =	sadd.s32 $0xFFFFFEF7, lr;
	s5 =	simm.s32 $0xFFFFFFFF;
	p2 =	slt.u32 s8, $0xFFFFF086  }
0x1c: {  	p1 =	slt.u32 s9, $0xF7A;
	s5 =	simm.s32 @!p2 $0x0  }
0x1d: {  	s5 =	simm.s32 @p1 $0x1;
	p0 =	seq.s32 s7, s2  }
0x1e: {  	s7 =	smul.u32 @!p0 $0xF7A, s2;
	p2 =	seq.s32 @!p0 s5, $0x0  }
0x1f: {  	s9 =	smul.u32 $0xF7A, s1;
	s8 =	simm.s32 @!p0 $0x1BF5;
	p2 =	por !p2, p0  }
0x20: {  	[sflag:s8] =	ssyncset.s32 @!p0 $0xFFFFF086;
	s6 =	sadd.s32 @!p0 s3, s7;
	s7 =	simm.s32 @!p0 $0x108  }
0x21: {  	s3 =	sadd.s32 s3, s9;
	s6 =	sadd.s32 @!p0 $0x88, s6;
	s7 =	simm.s32 @p2 $0x1082  }
0x22: {  	[simem:s7], [sflag:s8] =	dma.local @!p0 [hbm:s6], $0xF7A  }
0x23: {  	s9 =	sor.u32 $0xD0000000, s2;
	s6 =	simm.s32 $0x108;
	_ =	swait.ge @!p0 [sflag:s8], $0x0  }
0x24: {  	s3 =	sadd.s32 $0x88, s3;
	s6 =	simm.s32 @!p1 $0x1082;
	[sflag:s4] =	ssyncset.s32 $0xFFFFF086  }
0x25: {  	[simem:s6], [sflag:s4] =	dma.local [hbm:s3], $0xF7A  }
0x26: {  	[smem:$0x3F97] =	sst s1;
	(tag) =	ssettag s2;
	_ =	strace s9  }
0x27: {  	s1 =	sld [smem:$0x3FA7]  }
0x28: {  	s2 =	sld [smem:$0x3FA8]  }
0x29: {  	s4 =	sld [smem:$0x3FAA]  }
0x2a: {  	p0 =	seq.s32 s5, $0x0;
	s5 =	sld [smem:$0x3FAB]  }
0x2b: {  	s6 =	sld [smem:$0x3FAC]  }
0x2c: {  	s7 =	sld [smem:$0x3FAD]  }
0x2d: {  	s3 =	simm.s32 $0x108;
	s8 =	sld [smem:$0x3FAE]  }
0x2e: {  	s3 =	simm.s32 @!p0 $0x1082;
	s9 =	sld [smem:$0x3FAF]  }
0x2f: {  	lr =	sadd.s32 s0, s3;
	s0 =	sld [smem:$0x3FA6]  }
0x30: {  	s3 =	sld [smem:$0x3FA9]  }
0x31: {  	[smem:$0x3FB2] =	sst s10  }
0x32: {  	s10 =	sld [smem:$0x3FB0];
	_ =	sdelay $0x3  }
0x33: {  	p0 =	seq.s32 s10, $0x1;
	s10 =	sld [smem:$0x3FB2];
	_ =	sdelay $0x3  }
0x34: {  	[smem:$0x3FB2] =	sst s10  }
0x35: {  	s10 =	sld [smem:$0x3FB1];
	_ =	sdelay $0x3  }
0x36: {  	p1 =	seq.s32 s10, $0x1;
	s10 =	sld [smem:$0x3FB2];
	_ =	sdelay $0x3  }
0x37: {  	[smem:$0x3FB2] =	sst s10  }
0x38: {  	s10 =	sld [smem:$0x3FB3]  }
0x39: {  	_ = 	snop;
	(pc) =	sbr.ind lr, $3  }
0x3a: {  	_ = 	snop  }
0x3b: {  	_ = 	snop  }
0x3c: {  	p2 =	seq.s32 s10, $0x1;
	s10 =	sld [smem:$0x3FB2]  }
0x3d: {  	_ =	shalt  }
0x3e: {  	_ =	shalt  }
0x3f: {  	_ =	shalt  }
0x40: {  	_ =	shalt  }
0x41: {  	_ =	shalt  }
0x42: {  	_ =	shalt  }
0x43: {  	_ =	shalt  }
0x44: {  	_ =	shalt  }
0x45: {  	_ =	shalt  }
0x46: {  	_ =	shalt  }
0x47: {  	_ =	shalt  }
0x48: {  	_ =	shalt  }
0x49: {  	_ =	shalt  }
0x4a: {  	_ =	shalt  }
0x4b: {  	_ =	shalt  }
0x4c: {  	_ =	shalt  }
0x4d: {  	_ =	shalt  }
0x4e: {  	_ =	shalt  }
0x4f: {  	_ =	shalt  }
0x50: {  	_ =	shalt  }
0x51: {  	_ =	shalt  }
0x52: {  	_ =	shalt  }
0x53: {  	_ =	shalt  }
0x54: {  	_ =	shalt  }
0x55: {  	_ =	shalt  }
0x56: {  	_ =	shalt  }
0x57: {  	_ =	shalt  }
0x58: {  	_ =	shalt  }
0x59: {  	_ =	shalt  }
0x5a: {  	_ =	shalt  }
0x5b: {  	_ =	shalt  }
0x5c: {  	_ =	shalt  }
0x5d: {  	_ =	shalt  }
0x5e: {  	_ =	shalt  }
0x5f: {  	_ =	shalt  }
0x60: {  	_ =	shalt  }
0x61: {  	_ =	shalt  }
0x62: {  	_ =	shalt  }
0x63: {  	_ =	shalt  }
0x64: {  	_ =	shalt  }
0x65: {  	_ =	shalt  }
0x66: {  	_ =	shalt  }
0x67: {  	_ =	shalt  }
0x68: {  	_ =	shalt  }
0x69: {  	_ =	shalt  }
0x6a: {  	_ =	shalt  }
0x6b: {  	_ =	shalt  }
0x6c: {  	_ =	shalt  }
0x6d: {  	_ =	shalt  }
0x6e: {  	_ =	shalt  }
0x6f: {  	_ =	shalt  }
0x70: {  	_ =	shalt  }
0x71: {  	_ =	shalt  }
0x72: {  	_ =	shalt  }
0x73: {  	_ =	shalt  }
0x74: {  	_ =	shalt  }
0x75: {  	_ =	shalt  }
0x76: {  	_ =	shalt  }
0x77: {  	_ =	shalt  }
0x78: {  	_ =	shalt  }
0x79: {  	_ =	shalt  }
0x7a: {  	_ =	shalt  }
0x7b: {  	_ =	shalt  }
0x7c: {  	_ =	shalt  }
0x7d: {  	_ =	shalt  }
0x7e: {  	_ =	shalt  }
0x7f: {  	_ =	shalt  }
0x80: {  	_ =	shalt  }
0x81: {  	_ =	shalt  }
0x82: {  	_ =	shalt  }
0x83: {  	_ =	shalt  }
0x84: {  	_ =	shalt  }
0x85: {  	_ =	shalt  }
0x86: {  	_ =	shalt  }
0x87: {  	_ =	shalt  }
.Lfunc_end0:
.L_simem_size_0:
called_computation_lowered:
.L_overlay_start_0:
0x88: {  	s2 =	sld [smem:$0x3FD9]  }
0x89: {  	s3 =	sld [smem:$0x3FFE];
	_ =	sdelay $0x1  }
0x8a: {  	s1 =	srdreg.scid  }
0x8b: {  	s0 =	sand.u32 $0x1, s1  }
0x8c: {  	s17 =	sshll.u32 s0, $0xA;
	s2 =	sadd.s32 s3, s2  }
0x8d: {  	s2 =	sadd.s32 s2, s17  }
0x8e: {  	[smem:$0x3FBE] =	sst s2  }
0x8f: {  	_ = 	snop  }
0x90: {  	s2 =	sld [smem:$0x3FD0];
	(tm) =	ssettm $0x1  }
0x91: {  	s18 =	sld [smem:$0x3FFB];
	_ =	sdelay $0x3  }
0x92: {  	_ =	strace s18  }
0x93: {  	s3 =	sld [smem:$0x3FFC];
	_ =	sdelay $0x3  }
0x94: {  	_ =	strace s3  }
0x95: {  	s3 =	sld [smem:$0x3FFD];
	_ =	sdelay $0x3  }
0x96: {  	_ =	strace s3  }
0x97: {  	_ =	strace $0x8FFFFFFF  }
0x98: {  	s19 =	sld [smem:$0x3FDB];
	_ =	sdelay $0x1  }
0x99: {  	s4 =	simm.s32 $_scs_section_size  }
0x9a: {  	s5 =	simm.s32 $_size__tile_overlayer_lowered;
	s6 =	simm.s32 $_tile_overlayer_lowered  }
0x9b: {  	s22 =	simm.s32 $0x1BFF;
	s21 =	sshll.u32 s6, $0x1;
	s3 =	sadd.s32 s4, s19  }
0x9c: {  	s7 =	simm.s32 $0x0;
	s20 =	sshll.u32 s5, $0x1;
	s5 =	sadd.s32 s21, s3  }
0x9d: {  	[timem:s7], [sflag:s22] =	dma.local [hbm:s5], s20  }
0x9e: {  	_ =	swait.ge [sflag:s22], s20  }
0x9f: {  	s4 =	ssub.s32 $0x0, s20;
	[sflag:s22] =	ssyncset.done $0x0  }
0xa0: {  	[sflag:s22] =	ssyncadd.s32 s4;
	_ =	sdelay $0x1  }
0xa1: {  	s23 =	simm.s32 $0x1B8B  }
0xa2: {  	_ =	swait.ge [sflag:s23], $0x1  }
0xa3: {  	[sflag:s23] =	ssyncset.done $0x0  }
0xa4: {  	s25 =	simm.s32 $0x1B8E;
	s24 =	sld [smem:$0x3FFE];
	[sflag:s23] =	ssyncadd.s32 $0xFFFFFFFF  }
0xa5: {  	s26 =	simm.s32 $execute0_lowered;
	[smem:$0x3FD2] =	sst s25  }
0xa6: {  	s5 =	sshll.u32 s26, $0x1;
	_ =	strace $0x80000046;
	[dreg:$0x1] =	wrdreg $0xFFFFFFFF  }
0xa7: {  	s28 =	simm.s32 $_size_execute0_lowered;
	s3 =	sadd.s32 s3, s5;
	[dreg:$0x0] =	wrdreg $0x0  }
0xa8: {  	s5 =	sshll.u32 s28, $0x1;
	[dreg:$0x2] =	wrdreg s3  }
0xa9: {  	[dreg:$0x3] =	wrdreg s5  }
0xaa: {  	[dreg:$0x4] =	wrdreg $0xC0  }
0xab: {  	_ =	task [dreg:s7], $0x5FFFF  }
0xac: {  	[dreg:$0x1] =	wrdreg $0xFFFFFFFF  }
0xad: {  	[dreg:$0x0] =	wrdreg $0x60  }
0xae: {  	[dreg:$0x2] =	wrdreg s24  }
0xaf: {  	[dreg:$0x3] =	wrdreg s2  }
0xb0: {  	[dreg:$0x4] =	wrdreg $0x0  }
0xb1: {  	[dreg:$0x5] =	wrdreg $0x9  }
0xb2: {  	_ =	task.clear_ibuf [dreg:s7], $0x6FFFF;
	_ =	strace $0x90000046  }
0xb3: {  	s29 =	simm.s32 $0x9;
	_ =	strace $0x80000048  }
0xb4: {  	_ =	swait.ge [sflag:s29], $0x1  }
0xb5: {  	[sflag:s29] =	ssyncadd.s32 $0xFFFFFFFF  }
0xb6: {  	_ =	strace $0x90000048  }
0xb7: {  	_ =	sfence  }
0xb8: {  	s30 =	sld [smem:$0x0];
	_ =	sdelay $0x2  }
0xb9: {  	s31 =	sshll.u32 s1, $0xD;
	s1 =	sshrl.u32 s1, $0x2  }
0xba: {  	s3 =	sand.u32 $0x4000, s31;
	s1 =	sadd.s32 s1, s30  }
0xbb: {  	s0 =	sor.u32 s3, s0;
	s1 =	sshll.u32 s1, $0x11  }
0xbc: {  	s0 =	sor.u32 s1, s0  }
0xbd: {  	s0 =	sadd.s32 $0x8F2B, s0  }
0xbe: {  	[sflag:s0] =	ssyncadd.remote.s32 $0x1  }
0xbf: {  	_ =	sfence.sel $0xFFFF  }
0xc0: {  	[dreg:$0x0] =	wrdreg $0xFFFFFFFF;
	(pc) =	sbr.abs _section_cstart, $3  }
0xc1: {  	[dreg:$0x1] =	wrdreg $0xFFFFFFFF  }
0xc2: {  	_ =	task.clear_ibuf [dreg:s7], $0x2FFFF;
	_ =	strace $0x9FFFFFFF  }
0xc3: {  	(tm) =	ssettm $0x7FFFFFFF  }
tec
execute0_lowered:
.L_overlay_start_1:
0x0: {  	(tag) =	ssettag $0x1  }
0x1: {  	s4 =	rddreg [dreg:$0x0];
	s1 =	srdreg.scid  }
0x2: {  	s0 =	stileid.u32;
	s6 =	rddreg [dreg:$0x1]  }
0x3: {  	s2 =	rddreg [dreg:$0x2];
	s3 =	simm.s32 $0x0;
	s11 =	simm.s32 $0x80  }
0x4: {  	s12 =	simm.s32 $0x2A80;
	s13 =	simm.s32 $0x100;
	s14 =	simm.s32 $0x0  }
0x5: {  	s5 =	sand.u32 $0x1, s1;
	s1 =	rddreg [dreg:$0x3];
	s8 =	smul.u32 $0xA00, s0  }
0x6: {  	s26 =	sshll.u32 s0, $0x1;
	[smem:$0x7FF] =	sst s3;
	s10 =	smul.u32 $0x500, s0  }
0x7: {  	s7 =	sor.u32 s5, s26;
	_ =	strace $0x80000047;
	s9 =	ssub.s32 $0x2, s5  }
0x8: {  	s5 =	sshll.u32 s5, $0x7;
	s7 =	smul.u32 $0x500, s7;
	s28 =	sshrl.u32 s9, $0x1  }
0x9: {  	s29 =	sshrl.u32 s8, $0x2;
	s30 =	sor.u32 s5, s10;
	s8 =	simm.s32 $0x2B00  }
0xa: {  	s10 =	simm.s32 $0x280;
	s9 =	ssub.s32 s9, s28;
	s31 =	sshrl.u32 s30, $0x3  }
0xb: {  	s7 =	sadd.s32 s7, s4;
	s4 =	sadd.s32 s29, s2;
	s6 =	sadd.s32 s6, s31  }
0xc: {  	v0 =	vimm.f32 $1.000000000e+00;
	v1 =	vimm.f32 $0.0e+00;
	s5 =	sadd.s32 $0x2800, s7;
	s7 =	smax.u32 s9, $0x1;
	s9 =	simm.s32 $0x1  }
.LBB2_1:
0xd: {  	[tilespmem:$0x2A80] =	vst v0  }
0xe: {  	[tilespmem:$0x2A90] =	vst v0  }
0xf: {  	[tilespmem:$0x2AA0] =	vst v0  }
0x10: {  	[tilespmem:$0x2AB0] =	vst v0  }
0x11: {  	[tilespmem:$0x2AC0] =	vst v0  }
0x12: {  	[tilespmem:$0x2AD0] =	vst v0  }
0x13: {  	[tilespmem:$0x2AE0] =	vst v0  }
0x14: {  	[tilespmem:$0x2AF0] =	vst v0  }
0x15: {  	[tilespmem:$0x2B00] =	vst v1  }
0x16: {  	[tilespmem:$0x2B10] =	vst v1  }
0x17: {  	[tilespmem:$0x2B20] =	vst v1  }
0x18: {  	[tilespmem:$0x2B30] =	vst v1  }
0x19: {  	[tilespmem:$0x2B40] =	vst v1  }
0x1a: {  	[tilespmem:$0x2B50] =	vst v1  }
0x1b: {  	[tilespmem:$0x2B60] =	vst v1  }
0x1c: {  	[tilespmem:$0x2B70] =	vst v1  }
0x1d: {  	[tilespmem:$0x2B80] =	vst v1  }
0x1e: {  	[tilespmem:$0x2B90] =	vst v1  }
0x1f: {  	[tilespmem:$0x2BA0] =	vst v1  }
0x20: {  	[tilespmem:$0x2BB0] =	vst v1  }
0x21: {  	[tilespmem:$0x2BC0] =	vst v1  }
0x22: {  	[tilespmem:$0x2BD0] =	vst v1  }
0x23: {  	[tilespmem:$0x2BE0] =	vst v1  }
0x24: {  	[tilespmem:$0x2BF0] =	vst v1  }
0x25: {  	[tilespmem:$0x2C00] =	vst v1  }
0x26: {  	[tilespmem:$0x2C10] =	vst v1  }
0x27: {  	[tilespmem:$0x2C20] =	vst v1  }
0x28: {  	[tilespmem:$0x2C30] =	vst v1  }
0x29: {  	[tilespmem:$0x2C40] =	vst v1  }
0x2a: {  	[tilespmem:$0x2C50] =	vst v1  }
0x2b: {  	[tilespmem:$0x2C60] =	vst v1  }
0x2c: {  	[tilespmem:$0x2C70] =	vst v1  }
0x2d: {  	[tilespmem:$0x2C80] =	vst v1  }
0x2e: {  	[tilespmem:$0x2C90] =	vst v1  }
0x2f: {  	[tilespmem:$0x2CA0] =	vst v1  }
0x30: {  	[tilespmem:$0x2CB0] =	vst v1  }
0x31: {  	[tilespmem:$0x2CC0] =	vst v1  }
0x32: {  	[tilespmem:$0x2CD0] =	vst v1  }
0x33: {  	[tilespmem:$0x2CE0] =	vst v1  }
0x34: {  	[tilespmem:$0x2CF0] =	vst v1  }
0x35: {  	[tilespmem:$0x2D00] =	vst v1  }
0x36: {  	[tilespmem:$0x2D10] =	vst v1  }
0x37: {  	[tilespmem:$0x2D20] =	vst v1  }
0x38: {  	[tilespmem:$0x2D30] =	vst v1  }
0x39: {  	[tilespmem:$0x2D40] =	vst v1  }
0x3a: {  	[tilespmem:$0x2D50] =	vst v1  }
0x3b: {  	[tilespmem:$0x2D60] =	vst v1  }
0x3c: {  	[tilespmem:$0x2D70] =	vst v1  }
0x3d: {  	[spmem:s4] =	stream.linear.scatter [tilespmem:s8], [sflag:$0x1], $0x280, $0x38;
	[tilespmem:$0x2D80] =	vst v63  }
0x3e: {  	_ =	swait.ge [sflag:s9], $0x280  }
0x3f: {  	[sflag:s9] =	ssyncset.done $0x0  }
0x40: {  	[sflag:s9] =	ssyncadd.s32 $0xFFFFFD80  }
0x41: {  	[bflag:$0x0] =	sbarrier.arrive $0xFFFF  }
0x42: {  	[tilespmem:s10], [sflag:$0x1] =	stream.linear.gather [hbm4b:s5+s3], $0x2800, $0x38;
	[tilespmem:$0x2D80] =	vst v63  }
0x43: {  	_ =	swait.ge [sflag:s9], $0x2800  }
0x44: {  	[sflag:s9] =	ssyncset.done $0x0  }
0x45: {  	s15 =	simm.s32 $0x280;
	[sflag:s9] =	ssyncadd.s32 $0xFFFFD800  }
0x46: {  	[spmem:s2] =	stream.indirect.scatter.add.f32 [tilespmem:s12], [sflag:$0x1], $0x1, s15, s11, $0xb8;
	[tilespmem:$0x2D80] =	vst v63  }
0x47: {  	s15 =	simm.s32 $0x200;
	_ =	swait.ge [sflag:s9], $0x80  }
.LBB2_2:
0x48: {  	s16 =	sshra.s32 s15, $0x2;
	[sflag:s9] =	ssyncset.done $0x0;
	p0 =	sne.s32 s15, $0x9E00  }
.Ltmp0:
0x49: {  	s16 =	sadd.s32 $0x280, s16;
	[sflag:s9] =	ssyncadd.s32 $0xFFFFFF80;
	(pc) =	sbr.rel @p0 .LBB2_2-.Ltmp0, $3  }
0x4a: {  	[spmem:s2] =	stream.indirect.scatter.add.f32 [tilespmem:s12], [sflag:$0x1], $0x1, s16, s11, $0xb8;
	[tilespmem:$0x2D80] =	vst v63  }
0x4b: {  	s15 =	sadd.s32 $0x200, s15;
	_ =	sdelay $0x1  }
0x4c: {  	_ =	swait.ge [sflag:s9], $0x80  }
0x4d: {  	[sflag:s9] =	ssyncset.done $0x0  }
0x4e: {  	[sflag:s9] =	ssyncadd.s32 $0xFFFFFF80  }
0x4f: {  	[bflag:$0x0] =	sbarrier.arrive $0xFFFF  }
0x50: {  	[tilespmem:s8], [sflag:$0x1] =	stream.linear.gather [spmem:s4], $0x280, $0x38;
	[tilespmem:$0x2D80] =	vst v63  }
0x51: {  	s14 =	sadd.s32 $0x1, s14;
	_ =	swait.ge [sflag:s9], $0x280  }
0x52: {  	p0 =	sne.s32 s14, s7;
	[sflag:s9] =	ssyncset.done $0x0  }
.Ltmp1:
0x53: {  	[sflag:s9] =	ssyncadd.s32 $0xFFFFFD80;
	(pc) =	sbr.rel @p0 .LBB2_1-.Ltmp1, $4  }
0x54: {  	[hbm4b:s6+s11] =	stream.strided.scatter [tilespmem:s8], [sflag:$0x1], $0x280, s13, s11, $0x38;
	[tilespmem:$0x2D80] =	vst v63  }
0x55: {  	_ =	swait.ge [sflag:s9], $0x280  }
0x56: {  	[sflag:s9] =	ssyncset.done $0x0  }
0x57: {  	[sflag:s9] =	ssyncadd.s32 $0xFFFFFD80  }
0x58: {  	_ =	sfence.sel $0x180000  }
0x59: {  	[bflag:$0x0] =	sbarrier.arrive $0xFFFF  }
0x5a: {  	p0 =	sne.s32 s0, $0x0;
	_ =	strace $0x90000047  }
0x5b: {  	s0 =	sadd.s32 @!p0 $0x100000, s1;
	[bflag:$0x2] =	sbarrier.arrive $0xFFFF  }
0x5c: {  	[sflag:s0] =	ssyncadd.tile.s32 @!p0 $0x1;
	_ =	shalt  }
.Lfunc_end2:
_tile_overlayer_lowered:
.L_overlay_start_2:
0x5d: {  	(tag) =	ssettag $0x2  }
0x5e: {  	s0 =	rddreg [dreg:$0x0];
	s2 =	stileid.u32  }
0x5f: {  	s1 =	rddreg [dreg:$0x1];
	p0 =	sne.s32 s2, $0x0  }
0x60: {  	s3 =	rddreg [dreg:$0x2];
	[bflag:$0x3] =	sbarrier.arrive $0xFFFF;
	s2 =	simm.s32 @!p0 $0x1C01  }
0x61: {  	[timem:s3], [sflag:s2] =	dma.local @!p0 [hbm:s0], s1  }
0x62: {  	s0 =	simm.s32 @!p0 $0x1  }
0x63: {  	_ =	swait.ge @!p0 [sflag:s0], s1  }
0x64: {  	s1 =	ssub.s32 @!p0 $0x0, s1;
	[sflag:s0] =	ssyncset.done @!p0 $0x0  }
0x65: {  	[sflag:s0] =	ssyncadd.s32 @!p0 s1  }
0x66: {  	[bflag:$0x3] =	sbarrier.arrive $0xFFFF  }
0x67: {  	_ =	shalt  }

</sc_bundles>
